<compile_context>
chip_gen: v7x
topology: tpu7x:2x2x1
jax: 0.10.2.dev20260603
libtpu: 0.0.44.dev20260713+nightly
codegen_flags: <defaults>
</compile_context>

<pallas_src>
import functools

import jax
import jax.numpy as jnp
from jax import lax
from jax.experimental import pallas as pl
from jax.experimental.pallas import tpu as pltpu
from jax.experimental.pallas import tpu_sc as plsc

_B = 4096
_C = 1000
_K = 10

_NC = 2
_NS = 16
_L = 16
_NW = _NC * _NS
_RPW = _B // _NW
_NCH = _RPW // _L


def _sc_body(flat_hbm, labT_hbm, part_hbm, lab_v, idx_v, val_v, acc_v, sem):
    cid = lax.axis_index("c")
    sid = lax.axis_index("s")
    wid = sid * _NC + cid
    base_row = wid * _RPW

    pltpu.sync_copy(labT_hbm.at[:, pl.ds(base_row, _RPW)], lab_v)

    lane = lax.iota(jnp.int32, _L)
    copies = []
    for j in range(_K):
        for c in range(_NCH):
            lab = lab_v[j, pl.ds(c * _L, _L)]
            idx_v[j, pl.ds(c * _L, _L)] = (
                (lab >> 3) * 32768 + (lab & 7) * 128
                + (wid * 1024 + c * _L) + lane
            )
        copies.append(
            pltpu.async_copy(flat_hbm.at[idx_v.at[j]], val_v.at[j], sem))
    for cp in copies:
        cp.wait()

    def chunk(c, acc):
        labs = [lab_v[j, pl.ds(c * _L, _L)] for j in range(_K)]
        vals = [val_v[j, pl.ds(c * _L, _L)] for j in range(_K)]
        acc = acc + jnp.exp(vals[0])
        for j in range(1, _K):
            first = labs[j] != labs[0]
            for k in range(1, j):
                first = jnp.logical_and(first, labs[j] != labs[k])
            acc = acc + jnp.where(first, jnp.exp(vals[j]), 0.0)
        return acc

    acc_v[...] = lax.fori_loop(0, _NCH, chunk, jnp.zeros((_L,), jnp.float32))
    pltpu.sync_copy(acc_v, part_hbm.at[wid])


_sc_loss = functools.partial(
    pl.kernel,
    mesh=plsc.VectorSubcoreMesh(core_axis_name="c", subcore_axis_name="s",
                                num_cores=_NC, num_subcores=_NS),
    compiler_params=pltpu.CompilerParams(needs_layout_passes=False,
                                         use_tc_tiling_on_sc=True),
    out_type=jax.ShapeDtypeStruct((_NW, _L), jnp.float32),
    scratch_types=[
        pltpu.VMEM((_K, _RPW), jnp.int32),
        pltpu.VMEM((_K, _RPW), jnp.int32),
        pltpu.VMEM((_K, _RPW), jnp.float32),
        pltpu.VMEM((_L,), jnp.float32),
        pltpu.SemaphoreType.DMA,
    ],
)(_sc_body)


def kernel(outputs, complementary_labels):
    flat = (outputs.T.reshape(_C // 8, 8, _B // 128, 128)
            .transpose(0, 2, 1, 3).reshape(-1))
    partials = _sc_loss(flat, complementary_labels.T)
    return partials.sum() / outputs.shape[0]

# --- scband reference (transcript-rebuilt; emitter-appended) ---
"""Pipeline reference for scband-mcl-exp-58944131170658 (READ-ONLY COPY).

The authoritative reference and input builder live on the scoring server;
editing this copy changes nothing except your own understanding.
"""

import jax, jax.numpy as jnp
import numpy as np


def setup_inputs(seed: int = 0) -> dict:
    key = jax.random.key(seed)
    k1, k2 = jax.random.split(key)
    outputs = jax.random.normal(k1, (4096, 1000), dtype=jnp.float32)
    complementary_labels = jax.random.randint(k2, (4096, 10), 0, 1000, dtype=jnp.int32)
    return {"outputs": outputs, "complementary_labels": complementary_labels}


def reference(outputs, complementary_labels):
    B, C = outputs.shape
    valid = complementary_labels != -1
    safe_labels = jnp.where(valid, complementary_labels, 0)
    rows = jnp.broadcast_to(jnp.arange(B)[:, None], safe_labels.shape)
    # scatter True (via max/OR) into a [B, C] mask at the complementary label positions
    mask_complementary = jnp.zeros((B, C), dtype=jnp.float32).at[rows, safe_labels].max(
        valid.astype(jnp.float32)
    )
    exp_outputs_complementary = jnp.exp(outputs) * mask_complementary
    sum_exp_outputs_complementary = exp_outputs_complementary.sum(axis=1)
    sample_loss = sum_exp_outputs_complementary
    return sample_loss.mean()

if __name__ == "__main__":
    import jax
    _d = setup_inputs()
    print(jax.jit(kernel)(*tuple(_d.values())))

</pallas_src>

<mosaic_0001>
#map = affine_map<(d0, d1) -> (0)>
#map1 = affine_map<(d0, d1) -> (0, 0)>
module attributes {stable_mosaic.version = 14 : i64} {
  func.func @_sc_body(%arg0: i32, %arg1: i32, %arg2: memref<4096000xf32, #tpu.memory_space<hbm>>, %arg3: memref<10x4096xi32, #tpu.memory_space<hbm>>, %arg4: memref<32x16xf32, #tpu.memory_space<hbm>>, %arg5: memref<10x128xi32, #tpu.memory_space<vmem>>, %arg6: memref<10x128xi32, #tpu.memory_space<vmem>>, %arg7: memref<10x128xf32, #tpu.memory_space<vmem>>, %arg8: memref<16xf32, #tpu.memory_space<vmem>>, %arg9: memref<!tpu.dma_semaphore, #tpu.memory_space<semaphore_mem>>) attributes {dimension_semantics = [#tpu.dimension_semantics<core_parallel>, #tpu.dimension_semantics<subcore_parallel>], iteration_bounds = array<i64: 2, 16>, scalar_prefetch = 0 : i64, scratch_operands = 5 : i64, tpu.core_type = #tpu.core_type<sc_vector_subcore>, window_params = [{transform_indices = #map}, {transform_indices = #map1}, {transform_indices = #map1}]} {
    %mul3A = arith.constant 2 : i32
    %mul3A_0 = arith.muli %arg1, %mul3A : i32
    %add3A = arith.addi %mul3A_0, %arg0 : i32
    %mul3A_1 = arith.constant 128 : i32
    %mul3A_2 = arith.muli %add3A, %mul3A_1 : i32
    "tpu.region"() ({
      %run_scoped3A = tpu.sem_alloc : memref<!tpu.dma_semaphore, #tpu.memory_space<semaphore_mem>>
      %dma_start3A_2445 = arith.constant 0 : i32
      %dma_start3A_2446 = tpu.memref_slice %arg3[%dma_start3A_2445, %mul3A_2] : memref<10x4096xi32, #tpu.memory_space<hbm>> -> memref<10x128xi32, #tpu.memory_space<hbm>>
      %dma_start3A_2447 = arith.constant 0 : i32
      %dma_start3A_2448 = tpu.memref_slice %arg3[%dma_start3A_2447, %mul3A_2] : memref<10x4096xi32, #tpu.memory_space<hbm>> -> memref<10x128xi32, #tpu.memory_space<hbm>>
      tpu.enqueue_dma source(%dma_start3A_2448 : memref<10x128xi32, #tpu.memory_space<hbm>>) target(%arg5 : memref<10x128xi32, #tpu.memory_space<vmem>>) target_semaphore(%run_scoped3A : memref<!tpu.dma_semaphore, #tpu.memory_space<semaphore_mem>>)
      %dma_wait3A_2449 = arith.constant 0 : i32
      %dma_wait3A_2450 = tpu.memref_slice %arg3[%dma_wait3A_2449, %mul3A_2] : memref<10x4096xi32, #tpu.memory_space<hbm>> -> memref<10x128xi32, #tpu.memory_space<hbm>>
      %dma_wait3A_2451 = arith.constant 0 : i32
      %dma_wait3A_2452 = tpu.memref_slice %arg3[%dma_wait3A_2451, %mul3A_2] : memref<10x4096xi32, #tpu.memory_space<hbm>> -> memref<10x128xi32, #tpu.memory_space<hbm>>
      tpu.wait_dma2 semaphore(%run_scoped3A : memref<!tpu.dma_semaphore, #tpu.memory_space<semaphore_mem>>) src(%dma_wait3A_2452 : memref<10x128xi32, #tpu.memory_space<hbm>>) dst(%arg5 : memref<10x128xi32, #tpu.memory_space<vmem>>)
      tpu.yield
    }) : () -> ()
    %iota3A = tpu.iota {dimensions = array<i32: 0>} : vector<16xi32>
    %get3A = arith.constant 0 : i32
    %get3A_3 = arith.index_cast %get3A : i32 to index
    %get3A_4 = arith.constant 0 : index
    %get3A_5 = tpu.vector_load %arg5[%get3A_3, %get3A_4] {strides = array<i32>} : memref<10x128xi32, #tpu.memory_space<vmem>>, vector<16xi32>,
    %shift_right_arithmetic3A = arith.constant 3 : i32
    %shift_right_arithmetic3A_6 = vector.broadcast %shift_right_arithmetic3A : i32 to vector<16xi32>
    %shift_right_arithmetic3A_7 = arith.shrsi %get3A_5, %shift_right_arithmetic3A_6 : vector<16xi32>
    %mul3A_8 = arith.constant 32768 : i32
    %mul3A_9 = vector.broadcast %mul3A_8 : i32 to vector<16xi32>
    %mul3A_10 = arith.muli %shift_right_arithmetic3A_7, %mul3A_9 : vector<16xi32>
    %and3A = arith.constant 7 : i32
    %and3A_11 = vector.broadcast %and3A : i32 to vector<16xi32>
    %and3A_12 = arith.andi %get3A_5, %and3A_11 : vector<16xi32>
    %mul3A_13 = arith.constant 128 : i32
    %mul3A_14 = vector.broadcast %mul3A_13 : i32 to vector<16xi32>
    %mul3A_15 = arith.muli %and3A_12, %mul3A_14 : vector<16xi32>
    %add3A_16 = arith.addi %mul3A_10, %mul3A_15 : vector<16xi32>
    %mul3A_17 = arith.constant 1024 : i32
    %mul3A_18 = arith.muli %add3A, %mul3A_17 : i32
    %add3A_19 = arith.constant 0 : i32
    %add3A_20 = arith.addi %mul3A_18, %add3A_19 : i32
    %add3A_21 = vector.broadcast %add3A_20 : i32 to vector<16xi32>
    %add3A_22 = arith.addi %add3A_16, %add3A_21 : vector<16xi32>
    %add3A_23 = arith.addi %add3A_22, %iota3A : vector<16xi32>
    %swap3A = arith.constant 0 : i32
    %swap3A_24 = arith.index_cast %swap3A : i32 to index
    %swap3A_25 = arith.constant 0 : index
    %swap3A_26 = tpu.vector_load %arg6[%swap3A_24, %swap3A_25] {strides = array<i32>} : memref<10x128xi32, #tpu.memory_space<vmem>>, vector<16xi32>,
    tpu.vector_store %arg6[%swap3A_24, %swap3A_25], %add3A_23 {strides = array<i32>} : memref<10x128xi32, #tpu.memory_space<vmem>>, vector<16xi32>,
    %get3A_27 = arith.constant 0 : i32
    %get3A_28 = arith.index_cast %get3A_27 : i32 to index
    %get3A_29 = arith.constant 16 : index
    %get3A_30 = tpu.vector_load %arg5[%get3A_28, %get3A_29] {strides = array<i32>} : memref<10x128xi32, #tpu.memory_space<vmem>>, vector<16xi32>,
    %shift_right_arithmetic3A_31 = arith.constant 3 : i32
    %shift_right_arithmetic3A_32 = vector.broadcast %shift_right_arithmetic3A_31 : i32 to vector<16xi32>
    %shift_right_arithmetic3A_33 = arith.shrsi %get3A_30, %shift_right_arithmetic3A_32 : vector<16xi32>
    %mul3A_34 = arith.constant 32768 : i32
    %mul3A_35 = vector.broadcast %mul3A_34 : i32 to vector<16xi32>
    %mul3A_36 = arith.muli %shift_right_arithmetic3A_33, %mul3A_35 : vector<16xi32>
    %and3A_37 = arith.constant 7 : i32
    %and3A_38 = vector.broadcast %and3A_37 : i32 to vector<16xi32>
    %and3A_39 = arith.andi %get3A_30, %and3A_38 : vector<16xi32>
    %mul3A_40 = arith.constant 128 : i32
    %mul3A_41 = vector.broadcast %mul3A_40 : i32 to vector<16xi32>
    %mul3A_42 = arith.muli %and3A_39, %mul3A_41 : vector<16xi32>
    %add3A_43 = arith.addi %mul3A_36, %mul3A_42 : vector<16xi32>
    %mul3A_44 = arith.constant 1024 : i32
    %mul3A_45 = arith.muli %add3A, %mul3A_44 : i32
    %add3A_46 = arith.constant 16 : i32
    %add3A_47 = arith.addi %mul3A_45, %add3A_46 : i32
    %add3A_48 = vector.broadcast %add3A_47 : i32 to vector<16xi32>
    %add3A_49 = arith.addi %add3A_43, %add3A_48 : vector<16xi32>
    %add3A_50 = arith.addi %add3A_49, %iota3A : vector<16xi32>
    %swap3A_51 = arith.constant 0 : i32
    %swap3A_52 = arith.index_cast %swap3A_51 : i32 to index
    %swap3A_53 = arith.constant 16 : index
    %swap3A_54 = tpu.vector_load %arg6[%swap3A_52, %swap3A_53] {strides = array<i32>} : memref<10x128xi32, #tpu.memory_space<vmem>>, vector<16xi32>,
    tpu.vector_store %arg6[%swap3A_52, %swap3A_53], %add3A_50 {strides = array<i32>} : memref<10x128xi32, #tpu.memory_space<vmem>>, vector<16xi32>,
    %get3A_55 = arith.constant 0 : i32
    %get3A_56 = arith.index_cast %get3A_55 : i32 to index
    %get3A_57 = arith.constant 32 : index
    %get3A_58 = tpu.vector_load %arg5[%get3A_56, %get3A_57] {strides = array<i32>} : memref<10x128xi32, #tpu.memory_space<vmem>>, vector<16xi32>,
    %shift_right_arithmetic3A_59 = arith.constant 3 : i32
    %shift_right_arithmetic3A_60 = vector.broadcast %shift_right_arithmetic3A_59 : i32 to vector<16xi32>
    %shift_right_arithmetic3A_61 = arith.shrsi %get3A_58, %shift_right_arithmetic3A_60 : vector<16xi32>
    %mul3A_62 = arith.constant 32768 : i32
    %mul3A_63 = vector.broadcast %mul3A_62 : i32 to vector<16xi32>
    %mul3A_64 = arith.muli %shift_right_arithmetic3A_61, %mul3A_63 : vector<16xi32>
    %and3A_65 = arith.constant 7 : i32
    %and3A_66 = vector.broadcast %and3A_65 : i32 to vector<16xi32>
    %and3A_67 = arith.andi %get3A_58, %and3A_66 : vector<16xi32>
    %mul3A_68 = arith.constant 128 : i32
    %mul3A_69 = vector.broadcast %mul3A_68 : i32 to vector<16xi32>
    %mul3A_70 = arith.muli %and3A_67, %mul3A_69 : vector<16xi32>
    %add3A_71 = arith.addi %mul3A_64, %mul3A_70 : vector<16xi32>
    %mul3A_72 = arith.constant 1024 : i32
    %mul3A_73 = arith.muli %add3A, %mul3A_72 : i32
    %add3A_74 = arith.constant 32 : i32
    %add3A_75 = arith.addi %mul3A_73, %add3A_74 : i32
    %add3A_76 = vector.broadcast %add3A_75 : i32 to vector<16xi32>
    %add3A_77 = arith.addi %add3A_71, %add3A_76 : vector<16xi32>
    %add3A_78 = arith.addi %add3A_77, %iota3A : vector<16xi32>
    %swap3A_79 = arith.constant 0 : i32
    %swap3A_80 = arith.index_cast %swap3A_79 : i32 to index
    %swap3A_81 = arith.constant 32 : index
    %swap3A_82 = tpu.vector_load %arg6[%swap3A_80, %swap3A_81] {strides = array<i32>} : memref<10x128xi32, #tpu.memory_space<vmem>>, vector<16xi32>,
    tpu.vector_store %arg6[%swap3A_80, %swap3A_81], %add3A_78 {strides = array<i32>} : memref<10x128xi32, #tpu.memory_space<vmem>>, vector<16xi32>,
    %get3A_83 = arith.constant 0 : i32
    %get3A_84 = arith.index_cast %get3A_83 : i32 to index
    %get3A_85 = arith.constant 48 : index
    %get3A_86 = tpu.vector_load %arg5[%get3A_84, %get3A_85] {strides = array<i32>} : memref<10x128xi32, #tpu.memory_space<vmem>>, vector<16xi32>,
    %shift_right_arithmetic3A_87 = arith.constant 3 : i32
    %shift_right_arithmetic3A_88 = vector.broadcast %shift_right_arithmetic3A_87 : i32 to vector<16xi32>
    %shift_right_arithmetic3A_89 = arith.shrsi %get3A_86, %shift_right_arithmetic3A_88 : vector<16xi32>
    %mul3A_90 = arith.constant 32768 : i32
    %mul3A_91 = vector.broadcast %mul3A_90 : i32 to vector<16xi32>
    %mul3A_92 = arith.muli %shift_right_arithmetic3A_89, %mul3A_91 : vector<16xi32>
    %and3A_93 = arith.constant 7 : i32
    %and3A_94 = vector.broadcast %and3A_93 : i32 to vector<16xi32>
    %and3A_95 = arith.andi %get3A_86, %and3A_94 : vector<16xi32>
    %mul3A_96 = arith.constant 128 : i32
    %mul3A_97 = vector.broadcast %mul3A_96 : i32 to vector<16xi32>
    %mul3A_98 = arith.muli %and3A_95, %mul3A_97 : vector<16xi32>
    %add3A_99 = arith.addi %mul3A_92, %mul3A_98 : vector<16xi32>
    %mul3A_100 = arith.constant 1024 : i32
    %mul3A_101 = arith.muli %add3A, %mul3A_100 : i32
    %add3A_102 = arith.constant 48 : i32
    %add3A_103 = arith.addi %mul3A_101, %add3A_102 : i32
    %add3A_104 = vector.broadcast %add3A_103 : i32 to vector<16xi32>
    %add3A_105 = arith.addi %add3A_99, %add3A_104 : vector<16xi32>
    %add3A_106 = arith.addi %add3A_105, %iota3A : vector<16xi32>
    %swap3A_107 = arith.constant 0 : i32
    %swap3A_108 = arith.index_cast %swap3A_107 : i32 to index
    %swap3A_109 = arith.constant 48 : index
    %swap3A_110 = tpu.vector_load %arg6[%swap3A_108, %swap3A_109] {strides = array<i32>} : memref<10x128xi32, #tpu.memory_space<vmem>>, vector<16xi32>,
    tpu.vector_store %arg6[%swap3A_108, %swap3A_109], %add3A_106 {strides = array<i32>} : memref<10x128xi32, #tpu.memory_space<vmem>>, vector<16xi32>,
    %get3A_111 = arith.constant 0 : i32
    %get3A_112 = arith.index_cast %get3A_111 : i32 to index
    %get3A_113 = arith.constant 64 : index
    %get3A_114 = tpu.vector_load %arg5[%get3A_112, %get3A_113] {strides = array<i32>} : memref<10x128xi32, #tpu.memory_space<vmem>>, vector<16xi32>,
    %shift_right_arithmetic3A_115 = arith.constant 3 : i32
    %shift_right_arithmetic3A_116 = vector.broadcast %shift_right_arithmetic3A_115 : i32 to vector<16xi32>
    %shift_right_arithmetic3A_117 = arith.shrsi %get3A_114, %shift_right_arithmetic3A_116 : vector<16xi32>
    %mul3A_118 = arith.constant 32768 : i32
    %mul3A_119 = vector.broadcast %mul3A_118 : i32 to vector<16xi32>
    %mul3A_120 = arith.muli %shift_right_arithmetic3A_117, %mul3A_119 : vector<16xi32>
    %and3A_121 = arith.constant 7 : i32
    %and3A_122 = vector.broadcast %and3A_121 : i32 to vector<16xi32>
    %and3A_123 = arith.andi %get3A_114, %and3A_122 : vector<16xi32>
    %mul3A_124 = arith.constant 128 : i32
    %mul3A_125 = vector.broadcast %mul3A_124 : i32 to vector<16xi32>
    %mul3A_126 = arith.muli %and3A_123, %mul3A_125 : vector<16xi32>
    %add3A_127 = arith.addi %mul3A_120, %mul3A_126 : vector<16xi32>
    %mul3A_128 = arith.constant 1024 : i32
    %mul3A_129 = arith.muli %add3A, %mul3A_128 : i32
    %add3A_130 = arith.constant 64 : i32
    %add3A_131 = arith.addi %mul3A_129, %add3A_130 : i32
    %add3A_132 = vector.broadcast %add3A_131 : i32 to vector<16xi32>
    %add3A_133 = arith.addi %add3A_127, %add3A_132 : vector<16xi32>
    %add3A_134 = arith.addi %add3A_133, %iota3A : vector<16xi32>
    %swap3A_135 = arith.constant 0 : i32
    %swap3A_136 = arith.index_cast %swap3A_135 : i32 to index
    %swap3A_137 = arith.constant 64 : index
    %swap3A_138 = tpu.vector_load %arg6[%swap3A_136, %swap3A_137] {strides = array<i32>} : memref<10x128xi32, #tpu.memory_space<vmem>>, vector<16xi32>,
    tpu.vector_store %arg6[%swap3A_136, %swap3A_137], %add3A_134 {strides = array<i32>} : memref<10x128xi32, #tpu.memory_space<vmem>>, vector<16xi32>,
    %get3A_139 = arith.constant 0 : i32
    %get3A_140 = arith.index_cast %get3A_139 : i32 to index
    %get3A_141 = arith.constant 80 : index
    %get3A_142 = tpu.vector_load %arg5[%get3A_140, %get3A_141] {strides = array<i32>} : memref<10x128xi32, #tpu.memory_space<vmem>>, vector<16xi32>,
    %shift_right_arithmetic3A_143 = arith.constant 3 : i32
    %shift_right_arithmetic3A_144 = vector.broadcast %shift_right_arithmetic3A_143 : i32 to vector<16xi32>
    %shift_right_arithmetic3A_145 = arith.shrsi %get3A_142, %shift_right_arithmetic3A_144 : vector<16xi32>
    %mul3A_146 = arith.constant 32768 : i32
    %mul3A_147 = vector.broadcast %mul3A_146 : i32 to vector<16xi32>
    %mul3A_148 = arith.muli %shift_right_arithmetic3A_145, %mul3A_147 : vector<16xi32>
    %and3A_149 = arith.constant 7 : i32
    %and3A_150 = vector.broadcast %and3A_149 : i32 to vector<16xi32>
    %and3A_151 = arith.andi %get3A_142, %and3A_150 : vector<16xi32>
    %mul3A_152 = arith.constant 128 : i32
    %mul3A_153 = vector.broadcast %mul3A_152 : i32 to vector<16xi32>
    %mul3A_154 = arith.muli %and3A_151, %mul3A_153 : vector<16xi32>
    %add3A_155 = arith.addi %mul3A_148, %mul3A_154 : vector<16xi32>
    %mul3A_156 = arith.constant 1024 : i32
    %mul3A_157 = arith.muli %add3A, %mul3A_156 : i32
    %add3A_158 = arith.constant 80 : i32
    %add3A_159 = arith.addi %mul3A_157, %add3A_158 : i32
    %add3A_160 = vector.broadcast %add3A_159 : i32 to vector<16xi32>
    %add3A_161 = arith.addi %add3A_155, %add3A_160 : vector<16xi32>
    %add3A_162 = arith.addi %add3A_161, %iota3A : vector<16xi32>
    %swap3A_163 = arith.constant 0 : i32
    %swap3A_164 = arith.index_cast %swap3A_163 : i32 to index
    %swap3A_165 = arith.constant 80 : index
    %swap3A_166 = tpu.vector_load %arg6[%swap3A_164, %swap3A_165] {strides = array<i32>} : memref<10x128xi32, #tpu.memory_space<vmem>>, vector<16xi32>,
    tpu.vector_store %arg6[%swap3A_164, %swap3A_165], %add3A_162 {strides = array<i32>} : memref<10x128xi32, #tpu.memory_space<vmem>>, vector<16xi32>,
    %get3A_167 = arith.constant 0 : i32
    %get3A_168 = arith.index_cast %get3A_167 : i32 to index
    %get3A_169 = arith.constant 96 : index
    %get3A_170 = tpu.vector_load %arg5[%get3A_168, %get3A_169] {strides = array<i32>} : memref<10x128xi32, #tpu.memory_space<vmem>>, vector<16xi32>,
    %shift_right_arithmetic3A_171 = arith.constant 3 : i32
    %shift_right_arithmetic3A_172 = vector.broadcast %shift_right_arithmetic3A_171 : i32 to vector<16xi32>
    %shift_right_arithmetic3A_173 = arith.shrsi %get3A_170, %shift_right_arithmetic3A_172 : vector<16xi32>
    %mul3A_174 = arith.constant 32768 : i32
    %mul3A_175 = vector.broadcast %mul3A_174 : i32 to vector<16xi32>
    %mul3A_176 = arith.muli %shift_right_arithmetic3A_173, %mul3A_175 : vector<16xi32>
    %and3A_177 = arith.constant 7 : i32
    %and3A_178 = vector.broadcast %and3A_177 : i32 to vector<16xi32>
    %and3A_179 = arith.andi %get3A_170, %and3A_178 : vector<16xi32>
    %mul3A_180 = arith.constant 128 : i32
    %mul3A_181 = vector.broadcast %mul3A_180 : i32 to vector<16xi32>
    %mul3A_182 = arith.muli %and3A_179, %mul3A_181 : vector<16xi32>
    %add3A_183 = arith.addi %mul3A_176, %mul3A_182 : vector<16xi32>
    %mul3A_184 = arith.constant 1024 : i32
    %mul3A_185 = arith.muli %add3A, %mul3A_184 : i32
    %add3A_186 = arith.constant 96 : i32
    %add3A_187 = arith.addi %mul3A_185, %add3A_186 : i32
    %add3A_188 = vector.broadcast %add3A_187 : i32 to vector<16xi32>
    %add3A_189 = arith.addi %add3A_183, %add3A_188 : vector<16xi32>
    %add3A_190 = arith.addi %add3A_189, %iota3A : vector<16xi32>
    %swap3A_191 = arith.constant 0 : i32
    %swap3A_192 = arith.index_cast %swap3A_191 : i32 to index
    %swap3A_193 = arith.constant 96 : index
    %swap3A_194 = tpu.vector_load %arg6[%swap3A_192, %swap3A_193] {strides = array<i32>} : memref<10x128xi32, #tpu.memory_space<vmem>>, vector<16xi32>,
    tpu.vector_store %arg6[%swap3A_192, %swap3A_193], %add3A_190 {strides = array<i32>} : memref<10x128xi32, #tpu.memory_space<vmem>>, vector<16xi32>,
    %get3A_195 = arith.constant 0 : i32
    %get3A_196 = arith.index_cast %get3A_195 : i32 to index
    %get3A_197 = arith.constant 112 : index
    %get3A_198 = tpu.vector_load %arg5[%get3A_196, %get3A_197] {strides = array<i32>} : memref<10x128xi32, #tpu.memory_space<vmem>>, vector<16xi32>,
    %shift_right_arithmetic3A_199 = arith.constant 3 : i32
    %shift_right_arithmetic3A_200 = vector.broadcast %shift_right_arithmetic3A_199 : i32 to vector<16xi32>
    %shift_right_arithmetic3A_201 = arith.shrsi %get3A_198, %shift_right_arithmetic3A_200 : vector<16xi32>
    %mul3A_202 = arith.constant 32768 : i32
    %mul3A_203 = vector.broadcast %mul3A_202 : i32 to vector<16xi32>
    %mul3A_204 = arith.muli %shift_right_arithmetic3A_201, %mul3A_203 : vector<16xi32>
    %and3A_205 = arith.constant 7 : i32
    %and3A_206 = vector.broadcast %and3A_205 : i32 to vector<16xi32>
    %and3A_207 = arith.andi %get3A_198, %and3A_206 : vector<16xi32>
    %mul3A_208 = arith.constant 128 : i32
    %mul3A_209 = vector.broadcast %mul3A_208 : i32 to vector<16xi32>
    %mul3A_210 = arith.muli %and3A_207, %mul3A_209 : vector<16xi32>
    %add3A_211 = arith.addi %mul3A_204, %mul3A_210 : vector<16xi32>
    %mul3A_212 = arith.constant 1024 : i32
    %mul3A_213 = arith.muli %add3A, %mul3A_212 : i32
    %add3A_214 = arith.constant 112 : i32
    %add3A_215 = arith.addi %mul3A_213, %add3A_214 : i32
    %add3A_216 = vector.broadcast %add3A_215 : i32 to vector<16xi32>
    %add3A_217 = arith.addi %add3A_211, %add3A_216 : vector<16xi32>
    %add3A_218 = arith.addi %add3A_217, %iota3A : vector<16xi32>
    %swap3A_219 = arith.constant 0 : i32
    %swap3A_220 = arith.index_cast %swap3A_219 : i32 to index
    %swap3A_221 = arith.constant 112 : index
    %swap3A_222 = tpu.vector_load %arg6[%swap3A_220, %swap3A_221] {strides = array<i32>} : memref<10x128xi32, #tpu.memory_space<vmem>>, vector<16xi32>,
    tpu.vector_store %arg6[%swap3A_220, %swap3A_221], %add3A_218 {strides = array<i32>} : memref<10x128xi32, #tpu.memory_space<vmem>>, vector<16xi32>,
    %dma_start3A = arith.constant 0 : i32
    %dma_start3A_223 = arith.constant 0 : i32
    %dma_start3A_224 = arith.constant 0 : i32
    %dma_start3A_225 = tpu.memref_slice %arg7[%dma_start3A_223, %dma_start3A_224] : memref<10x128xf32, #tpu.memory_space<vmem>> -> memref<1x128xf32, #tpu.memory_space<vmem>>
    %dma_start3A_226 = tpu.memref_squeeze %dma_start3A_225 : memref<1x128xf32, #tpu.memory_space<vmem>> -> memref<128xf32, #tpu.memory_space<vmem>>
    %dma_start3A_227 = arith.constant 0 : i32
    %dma_start3A_228 = tpu.memref_slice %arg6[%dma_start3A, %dma_start3A_227] : memref<10x128xi32, #tpu.memory_space<vmem>> -> memref<1x128xi32, #tpu.memory_space<vmem>>
    %dma_start3A_229 = tpu.memref_squeeze %dma_start3A_228 : memref<1x128xi32, #tpu.memory_space<vmem>> -> memref<128xi32, #tpu.memory_space<vmem>>
    %dma_start3A_230 = arith.constant 0 : i32
    %dma_start3A_231 = tpu.memref_slice %arg2[%dma_start3A_230] : memref<4096000xf32, #tpu.memory_space<hbm>> -> memref<4096000xf32, #tpu.memory_space<hbm>>
    tpu.enqueue_indirect_dma source(%dma_start3A_231 : memref<4096000xf32, #tpu.memory_space<hbm>>) target(%dma_start3A_226 : memref<128xf32, #tpu.memory_space<vmem>>) offsets(%dma_start3A_229 : memref<128xi32, #tpu.memory_space<vmem>>) semaphore(%arg9 : memref<!tpu.dma_semaphore, #tpu.memory_space<semaphore_mem>>)
    %get3A_232 = arith.constant 1 : i32
    %get3A_233 = arith.index_cast %get3A_232 : i32 to index
    %get3A_234 = arith.constant 0 : index
    %get3A_235 = tpu.vector_load %arg5[%get3A_233, %get3A_234] {strides = array<i32>} : memref<10x128xi32, #tpu.memory_space<vmem>>, vector<16xi32>,
    %shift_right_arithmetic3A_236 = arith.constant 3 : i32
    %shift_right_arithmetic3A_237 = vector.broadcast %shift_right_arithmetic3A_236 : i32 to vector<16xi32>
    %shift_right_arithmetic3A_238 = arith.shrsi %get3A_235, %shift_right_arithmetic3A_237 : vector<16xi32>
    %mul3A_239 = arith.constant 32768 : i32
    %mul3A_240 = vector.broadcast %mul3A_239 : i32 to vector<16xi32>
    %mul3A_241 = arith.muli %shift_right_arithmetic3A_238, %mul3A_240 : vector<16xi32>
    %and3A_242 = arith.constant 7 : i32
    %and3A_243 = vector.broadcast %and3A_242 : i32 to vector<16xi32>
    %and3A_244 = arith.andi %get3A_235, %and3A_243 : vector<16xi32>
    %mul3A_245 = arith.constant 128 : i32
    %mul3A_246 = vector.broadcast %mul3A_245 : i32 to vector<16xi32>
    %mul3A_247 = arith.muli %and3A_244, %mul3A_246 : vector<16xi32>
    %add3A_248 = arith.addi %mul3A_241, %mul3A_247 : vector<16xi32>
    %mul3A_249 = arith.constant 1024 : i32
    %mul3A_250 = arith.muli %add3A, %mul3A_249 : i32
    %add3A_251 = arith.constant 0 : i32
    %add3A_252 = arith.addi %mul3A_250, %add3A_251 : i32
    %add3A_253 = vector.broadcast %add3A_252 : i32 to vector<16xi32>
    %add3A_254 = arith.addi %add3A_248, %add3A_253 : vector<16xi32>
    %add3A_255 = arith.addi %add3A_254, %iota3A : vector<16xi32>
    %swap3A_256 = arith.constant 1 : i32
    %swap3A_257 = arith.index_cast %swap3A_256 : i32 to index
    %swap3A_258 = arith.constant 0 : index
    %swap3A_259 = tpu.vector_load %arg6[%swap3A_257, %swap3A_258] {strides = array<i32>} : memref<10x128xi32, #tpu.memory_space<vmem>>, vector<16xi32>,
    tpu.vector_store %arg6[%swap3A_257, %swap3A_258], %add3A_255 {strides = array<i32>} : memref<10x128xi32, #tpu.memory_space<vmem>>, vector<16xi32>,
    %get3A_260 = arith.constant 1 : i32
    %get3A_261 = arith.index_cast %get3A_260 : i32 to index
    %get3A_262 = arith.constant 16 : index
    %get3A_263 = tpu.vector_load %arg5[%get3A_261, %get3A_262] {strides = array<i32>} : memref<10x128xi32, #tpu.memory_space<vmem>>, vector<16xi32>,
    %shift_right_arithmetic3A_264 = arith.constant 3 : i32
    %shift_right_arithmetic3A_265 = vector.broadcast %shift_right_arithmetic3A_264 : i32 to vector<16xi32>
    %shift_right_arithmetic3A_266 = arith.shrsi %get3A_263, %shift_right_arithmetic3A_265 : vector<16xi32>
    %mul3A_267 = arith.constant 32768 : i32
    %mul3A_268 = vector.broadcast %mul3A_267 : i32 to vector<16xi32>
    %mul3A_269 = arith.muli %shift_right_arithmetic3A_266, %mul3A_268 : vector<16xi32>
    %and3A_270 = arith.constant 7 : i32
    %and3A_271 = vector.broadcast %and3A_270 : i32 to vector<16xi32>
    %and3A_272 = arith.andi %get3A_263, %and3A_271 : vector<16xi32>
    %mul3A_273 = arith.constant 128 : i32
    %mul3A_274 = vector.broadcast %mul3A_273 : i32 to vector<16xi32>
    %mul3A_275 = arith.muli %and3A_272, %mul3A_274 : vector<16xi32>
    %add3A_276 = arith.addi %mul3A_269, %mul3A_275 : vector<16xi32>
    %mul3A_277 = arith.constant 1024 : i32
    %mul3A_278 = arith.muli %add3A, %mul3A_277 : i32
    %add3A_279 = arith.constant 16 : i32
    %add3A_280 = arith.addi %mul3A_278, %add3A_279 : i32
    %add3A_281 = vector.broadcast %add3A_280 : i32 to vector<16xi32>
    %add3A_282 = arith.addi %add3A_276, %add3A_281 : vector<16xi32>
    %add3A_283 = arith.addi %add3A_282, %iota3A : vector<16xi32>
    %swap3A_284 = arith.constant 1 : i32
    %swap3A_285 = arith.index_cast %swap3A_284 : i32 to index
    %swap3A_286 = arith.constant 16 : index
    %swap3A_287 = tpu.vector_load %arg6[%swap3A_285, %swap3A_286] {strides = array<i32>} : memref<10x128xi32, #tpu.memory_space<vmem>>, vector<16xi32>,
    tpu.vector_store %arg6[%swap3A_285, %swap3A_286], %add3A_283 {strides = array<i32>} : memref<10x128xi32, #tpu.memory_space<vmem>>, vector<16xi32>,
    %get3A_288 = arith.constant 1 : i32
    %get3A_289 = arith.index_cast %get3A_288 : i32 to index
    %get3A_290 = arith.constant 32 : index
    %get3A_291 = tpu.vector_load %arg5[%get3A_289, %get3A_290] {strides = array<i32>} : memref<10x128xi32, #tpu.memory_space<vmem>>, vector<16xi32>,
    %shift_right_arithmetic3A_292 = arith.constant 3 : i32
    %shift_right_arithmetic3A_293 = vector.broadcast %shift_right_arithmetic3A_292 : i32 to vector<16xi32>
    %shift_right_arithmetic3A_294 = arith.shrsi %get3A_291, %shift_right_arithmetic3A_293 : vector<16xi32>
    %mul3A_295 = arith.constant 32768 : i32
    %mul3A_296 = vector.broadcast %mul3A_295 : i32 to vector<16xi32>
    %mul3A_297 = arith.muli %shift_right_arithmetic3A_294, %mul3A_296 : vector<16xi32>
    %and3A_298 = arith.constant 7 : i32
    %and3A_299 = vector.broadcast %and3A_298 : i32 to vector<16xi32>
    %and3A_300 = arith.andi %get3A_291, %and3A_299 : vector<16xi32>
    %mul3A_301 = arith.constant 128 : i32
    %mul3A_302 = vector.broadcast %mul3A_301 : i32 to vector<16xi32>
    %mul3A_303 = arith.muli %and3A_300, %mul3A_302 : vector<16xi32>
    %add3A_304 = arith.addi %mul3A_297, %mul3A_303 : vector<16xi32>
    %mul3A_305 = arith.constant 1024 : i32
    %mul3A_306 = arith.muli %add3A, %mul3A_305 : i32
    %add3A_307 = arith.constant 32 : i32
    %add3A_308 = arith.addi %mul3A_306, %add3A_307 : i32
    %add3A_309 = vector.broadcast %add3A_308 : i32 to vector<16xi32>
    %add3A_310 = arith.addi %add3A_304, %add3A_309 : vector<16xi32>
    %add3A_311 = arith.addi %add3A_310, %iota3A : vector<16xi32>
    %swap3A_312 = arith.constant 1 : i32
    %swap3A_313 = arith.index_cast %swap3A_312 : i32 to index
    %swap3A_314 = arith.constant 32 : index
    %swap3A_315 = tpu.vector_load %arg6[%swap3A_313, %swap3A_314] {strides = array<i32>} : memref<10x128xi32, #tpu.memory_space<vmem>>, vector<16xi32>,
    tpu.vector_store %arg6[%swap3A_313, %swap3A_314], %add3A_311 {strides = array<i32>} : memref<10x128xi32, #tpu.memory_space<vmem>>, vector<16xi32>,
    %get3A_316 = arith.constant 1 : i32
    %get3A_317 = arith.index_cast %get3A_316 : i32 to index
    %get3A_318 = arith.constant 48 : index
    %get3A_319 = tpu.vector_load %arg5[%get3A_317, %get3A_318] {strides = array<i32>} : memref<10x128xi32, #tpu.memory_space<vmem>>, vector<16xi32>,
    %shift_right_arithmetic3A_320 = arith.constant 3 : i32
    %shift_right_arithmetic3A_321 = vector.broadcast %shift_right_arithmetic3A_320 : i32 to vector<16xi32>
    %shift_right_arithmetic3A_322 = arith.shrsi %get3A_319, %shift_right_arithmetic3A_321 : vector<16xi32>
    %mul3A_323 = arith.constant 32768 : i32
    %mul3A_324 = vector.broadcast %mul3A_323 : i32 to vector<16xi32>
    %mul3A_325 = arith.muli %shift_right_arithmetic3A_322, %mul3A_324 : vector<16xi32>
    %and3A_326 = arith.constant 7 : i32
    %and3A_327 = vector.broadcast %and3A_326 : i32 to vector<16xi32>
    %and3A_328 = arith.andi %get3A_319, %and3A_327 : vector<16xi32>
    %mul3A_329 = arith.constant 128 : i32
    %mul3A_330 = vector.broadcast %mul3A_329 : i32 to vector<16xi32>
    %mul3A_331 = arith.muli %and3A_328, %mul3A_330 : vector<16xi32>
    %add3A_332 = arith.addi %mul3A_325, %mul3A_331 : vector<16xi32>
    %mul3A_333 = arith.constant 1024 : i32
    %mul3A_334 = arith.muli %add3A, %mul3A_333 : i32
    %add3A_335 = arith.constant 48 : i32
    %add3A_336 = arith.addi %mul3A_334, %add3A_335 : i32
    %add3A_337 = vector.broadcast %add3A_336 : i32 to vector<16xi32>
    %add3A_338 = arith.addi %add3A_332, %add3A_337 : vector<16xi32>
    %add3A_339 = arith.addi %add3A_338, %iota3A : vector<16xi32>
    %swap3A_340 = arith.constant 1 : i32
    %swap3A_341 = arith.index_cast %swap3A_340 : i32 to index
    %swap3A_342 = arith.constant 48 : index
    %swap3A_343 = tpu.vector_load %arg6[%swap3A_341, %swap3A_342] {strides = array<i32>} : memref<10x128xi32, #tpu.memory_space<vmem>>, vector<16xi32>,
    tpu.vector_store %arg6[%swap3A_341, %swap3A_342], %add3A_339 {strides = array<i32>} : memref<10x128xi32, #tpu.memory_space<vmem>>, vector<16xi32>,
    %get3A_344 = arith.constant 1 : i32
    %get3A_345 = arith.index_cast %get3A_344 : i32 to index
    %get3A_346 = arith.constant 64 : index
    %get3A_347 = tpu.vector_load %arg5[%get3A_345, %get3A_346] {strides = array<i32>} : memref<10x128xi32, #tpu.memory_space<vmem>>, vector<16xi32>,
    %shift_right_arithmetic3A_348 = arith.constant 3 : i32
    %shift_right_arithmetic3A_349 = vector.broadcast %shift_right_arithmetic3A_348 : i32 to vector<16xi32>
    %shift_right_arithmetic3A_350 = arith.shrsi %get3A_347, %shift_right_arithmetic3A_349 : vector<16xi32>
    %mul3A_351 = arith.constant 32768 : i32
    %mul3A_352 = vector.broadcast %mul3A_351 : i32 to vector<16xi32>
    %mul3A_353 = arith.muli %shift_right_arithmetic3A_350, %mul3A_352 : vector<16xi32>
    %and3A_354 = arith.constant 7 : i32
    %and3A_355 = vector.broadcast %and3A_354 : i32 to vector<16xi32>
    %and3A_356 = arith.andi %get3A_347, %and3A_355 : vector<16xi32>
    %mul3A_357 = arith.constant 128 : i32
    %mul3A_358 = vector.broadcast %mul3A_357 : i32 to vector<16xi32>
    %mul3A_359 = arith.muli %and3A_356, %mul3A_358 : vector<16xi32>
    %add3A_360 = arith.addi %mul3A_353, %mul3A_359 : vector<16xi32>
    %mul3A_361 = arith.constant 1024 : i32
    %mul3A_362 = arith.muli %add3A, %mul3A_361 : i32
    %add3A_363 = arith.constant 64 : i32
    %add3A_364 = arith.addi %mul3A_362, %add3A_363 : i32
    %add3A_365 = vector.broadcast %add3A_364 : i32 to vector<16xi32>
    %add3A_366 = arith.addi %add3A_360, %add3A_365 : vector<16xi32>
    %add3A_367 = arith.addi %add3A_366, %iota3A : vector<16xi32>
    %swap3A_368 = arith.constant 1 : i32
    %swap3A_369 = arith.index_cast %swap3A_368 : i32 to index
    %swap3A_370 = arith.constant 64 : index
    %swap3A_371 = tpu.vector_load %arg6[%swap3A_369, %swap3A_370] {strides = array<i32>} : memref<10x128xi32, #tpu.memory_space<vmem>>, vector<16xi32>,
    tpu.vector_store %arg6[%swap3A_369, %swap3A_370], %add3A_367 {strides = array<i32>} : memref<10x128xi32, #tpu.memory_space<vmem>>, vector<16xi32>,
    %get3A_372 = arith.constant 1 : i32
    %get3A_373 = arith.index_cast %get3A_372 : i32 to index
    %get3A_374 = arith.constant 80 : index
    %get3A_375 = tpu.vector_load %arg5[%get3A_373, %get3A_374] {strides = array<i32>} : memref<10x128xi32, #tpu.memory_space<vmem>>, vector<16xi32>,
    %shift_right_arithmetic3A_376 = arith.constant 3 : i32
    %shift_right_arithmetic3A_377 = vector.broadcast %shift_right_arithmetic3A_376 : i32 to vector<16xi32>
    %shift_right_arithmetic3A_378 = arith.shrsi %get3A_375, %shift_right_arithmetic3A_377 : vector<16xi32>
    %mul3A_379 = arith.constant 32768 : i32
    %mul3A_380 = vector.broadcast %mul3A_379 : i32 to vector<16xi32>
    %mul3A_381 = arith.muli %shift_right_arithmetic3A_378, %mul3A_380 : vector<16xi32>
    %and3A_382 = arith.constant 7 : i32
    %and3A_383 = vector.broadcast %and3A_382 : i32 to vector<16xi32>
    %and3A_384 = arith.andi %get3A_375, %and3A_383 : vector<16xi32>
    %mul3A_385 = arith.constant 128 : i32
    %mul3A_386 = vector.broadcast %mul3A_385 : i32 to vector<16xi32>
    %mul3A_387 = arith.muli %and3A_384, %mul3A_386 : vector<16xi32>
    %add3A_388 = arith.addi %mul3A_381, %mul3A_387 : vector<16xi32>
    %mul3A_389 = arith.constant 1024 : i32
    %mul3A_390 = arith.muli %add3A, %mul3A_389 : i32
    %add3A_391 = arith.constant 80 : i32
    %add3A_392 = arith.addi %mul3A_390, %add3A_391 : i32
    %add3A_393 = vector.broadcast %add3A_392 : i32 to vector<16xi32>
    %add3A_394 = arith.addi %add3A_388, %add3A_393 : vector<16xi32>
    %add3A_395 = arith.addi %add3A_394, %iota3A : vector<16xi32>
    %swap3A_396 = arith.constant 1 : i32
    %swap3A_397 = arith.index_cast %swap3A_396 : i32 to index
    %swap3A_398 = arith.constant 80 : index
    %swap3A_399 = tpu.vector_load %arg6[%swap3A_397, %swap3A_398] {strides = array<i32>} : memref<10x128xi32, #tpu.memory_space<vmem>>, vector<16xi32>,
    tpu.vector_store %arg6[%swap3A_397, %swap3A_398], %add3A_395 {strides = array<i32>} : memref<10x128xi32, #tpu.memory_space<vmem>>, vector<16xi32>,
    %get3A_400 = arith.constant 1 : i32
    %get3A_401 = arith.index_cast %get3A_400 : i32 to index
    %get3A_402 = arith.constant 96 : index
    %get3A_403 = tpu.vector_load %arg5[%get3A_401, %get3A_402] {strides = array<i32>} : memref<10x128xi32, #tpu.memory_space<vmem>>, vector<16xi32>,
    %shift_right_arithmetic3A_404 = arith.constant 3 : i32
    %shift_right_arithmetic3A_405 = vector.broadcast %shift_right_arithmetic3A_404 : i32 to vector<16xi32>
    %shift_right_arithmetic3A_406 = arith.shrsi %get3A_403, %shift_right_arithmetic3A_405 : vector<16xi32>
    %mul3A_407 = arith.constant 32768 : i32
    %mul3A_408 = vector.broadcast %mul3A_407 : i32 to vector<16xi32>
    %mul3A_409 = arith.muli %shift_right_arithmetic3A_406, %mul3A_408 : vector<16xi32>
    %and3A_410 = arith.constant 7 : i32
    %and3A_411 = vector.broadcast %and3A_410 : i32 to vector<16xi32>
    %and3A_412 = arith.andi %get3A_403, %and3A_411 : vector<16xi32>
    %mul3A_413 = arith.constant 128 : i32
    %mul3A_414 = vector.broadcast %mul3A_413 : i32 to vector<16xi32>
    %mul3A_415 = arith.muli %and3A_412, %mul3A_414 : vector<16xi32>
    %add3A_416 = arith.addi %mul3A_409, %mul3A_415 : vector<16xi32>
    %mul3A_417 = arith.constant 1024 : i32
    %mul3A_418 = arith.muli %add3A, %mul3A_417 : i32
    %add3A_419 = arith.constant 96 : i32
    %add3A_420 = arith.addi %mul3A_418, %add3A_419 : i32
    %add3A_421 = vector.broadcast %add3A_420 : i32 to vector<16xi32>
    %add3A_422 = arith.addi %add3A_416, %add3A_421 : vector<16xi32>
    %add3A_423 = arith.addi %add3A_422, %iota3A : vector<16xi32>
    %swap3A_424 = arith.constant 1 : i32
    %swap3A_425 = arith.index_cast %swap3A_424 : i32 to index
    %swap3A_426 = arith.constant 96 : index
    %swap3A_427 = tpu.vector_load %arg6[%swap3A_425, %swap3A_426] {strides = array<i32>} : memref<10x128xi32, #tpu.memory_space<vmem>>, vector<16xi32>,
    tpu.vector_store %arg6[%swap3A_425, %swap3A_426], %add3A_423 {strides = array<i32>} : memref<10x128xi32, #tpu.memory_space<vmem>>, vector<16xi32>,
    %get3A_428 = arith.constant 1 : i32
    %get3A_429 = arith.index_cast %get3A_428 : i32 to index
    %get3A_430 = arith.constant 112 : index
    %get3A_431 = tpu.vector_load %arg5[%get3A_429, %get3A_430] {strides = array<i32>} : memref<10x128xi32, #tpu.memory_space<vmem>>, vector<16xi32>,
    %shift_right_arithmetic3A_432 = arith.constant 3 : i32
    %shift_right_arithmetic3A_433 = vector.broadcast %shift_right_arithmetic3A_432 : i32 to vector<16xi32>
    %shift_right_arithmetic3A_434 = arith.shrsi %get3A_431, %shift_right_arithmetic3A_433 : vector<16xi32>
    %mul3A_435 = arith.constant 32768 : i32
    %mul3A_436 = vector.broadcast %mul3A_435 : i32 to vector<16xi32>
    %mul3A_437 = arith.muli %shift_right_arithmetic3A_434, %mul3A_436 : vector<16xi32>
    %and3A_438 = arith.constant 7 : i32
    %and3A_439 = vector.broadcast %and3A_438 : i32 to vector<16xi32>
    %and3A_440 = arith.andi %get3A_431, %and3A_439 : vector<16xi32>
    %mul3A_441 = arith.constant 128 : i32
    %mul3A_442 = vector.broadcast %mul3A_441 : i32 to vector<16xi32>
    %mul3A_443 = arith.muli %and3A_440, %mul3A_442 : vector<16xi32>
    %add3A_444 = arith.addi %mul3A_437, %mul3A_443 : vector<16xi32>
    %mul3A_445 = arith.constant 1024 : i32
    %mul3A_446 = arith.muli %add3A, %mul3A_445 : i32
    %add3A_447 = arith.constant 112 : i32
    %add3A_448 = arith.addi %mul3A_446, %add3A_447 : i32
    %add3A_449 = vector.broadcast %add3A_448 : i32 to vector<16xi32>
    %add3A_450 = arith.addi %add3A_444, %add3A_449 : vector<16xi32>
    %add3A_451 = arith.addi %add3A_450, %iota3A : vector<16xi32>
    %swap3A_452 = arith.constant 1 : i32
    %swap3A_453 = arith.index_cast %swap3A_452 : i32 to index
    %swap3A_454 = arith.constant 112 : index
    %swap3A_455 = tpu.vector_load %arg6[%swap3A_453, %swap3A_454] {strides = array<i32>} : memref<10x128xi32, #tpu.memory_space<vmem>>, vector<16xi32>,
    tpu.vector_store %arg6[%swap3A_453, %swap3A_454], %add3A_451 {strides = array<i32>} : memref<10x128xi32, #tpu.memory_space<vmem>>, vector<16xi32>,
    %dma_start3A_456 = arith.constant 1 : i32
    %dma_start3A_457 = arith.constant 1 : i32
    %dma_start3A_458 = arith.constant 0 : i32
    %dma_start3A_459 = tpu.memref_slice %arg7[%dma_start3A_457, %dma_start3A_458] : memref<10x128xf32, #tpu.memory_space<vmem>> -> memref<1x128xf32, #tpu.memory_space<vmem>>
    %dma_start3A_460 = tpu.memref_squeeze %dma_start3A_459 : memref<1x128xf32, #tpu.memory_space<vmem>> -> memref<128xf32, #tpu.memory_space<vmem>>
    %dma_start3A_461 = arith.constant 0 : i32
    %dma_start3A_462 = tpu.memref_slice %arg6[%dma_start3A_456, %dma_start3A_461] : memref<10x128xi32, #tpu.memory_space<vmem>> -> memref<1x128xi32, #tpu.memory_space<vmem>>
    %dma_start3A_463 = tpu.memref_squeeze %dma_start3A_462 : memref<1x128xi32, #tpu.memory_space<vmem>> -> memref<128xi32, #tpu.memory_space<vmem>>
    %dma_start3A_464 = arith.constant 0 : i32
    %dma_start3A_465 = tpu.memref_slice %arg2[%dma_start3A_464] : memref<4096000xf32, #tpu.memory_space<hbm>> -> memref<4096000xf32, #tpu.memory_space<hbm>>
    tpu.enqueue_indirect_dma source(%dma_start3A_465 : memref<4096000xf32, #tpu.memory_space<hbm>>) target(%dma_start3A_460 : memref<128xf32, #tpu.memory_space<vmem>>) offsets(%dma_start3A_463 : memref<128xi32, #tpu.memory_space<vmem>>) semaphore(%arg9 : memref<!tpu.dma_semaphore, #tpu.memory_space<semaphore_mem>>)
    %get3A_466 = arith.constant 2 : i32
    %get3A_467 = arith.index_cast %get3A_466 : i32 to index
    %get3A_468 = arith.constant 0 : index
    %get3A_469 = tpu.vector_load %arg5[%get3A_467, %get3A_468] {strides = array<i32>} : memref<10x128xi32, #tpu.memory_space<vmem>>, vector<16xi32>,
    %shift_right_arithmetic3A_470 = arith.constant 3 : i32
    %shift_right_arithmetic3A_471 = vector.broadcast %shift_right_arithmetic3A_470 : i32 to vector<16xi32>
    %shift_right_arithmetic3A_472 = arith.shrsi %get3A_469, %shift_right_arithmetic3A_471 : vector<16xi32>
    %mul3A_473 = arith.constant 32768 : i32
    %mul3A_474 = vector.broadcast %mul3A_473 : i32 to vector<16xi32>
    %mul3A_475 = arith.muli %shift_right_arithmetic3A_472, %mul3A_474 : vector<16xi32>
    %and3A_476 = arith.constant 7 : i32
    %and3A_477 = vector.broadcast %and3A_476 : i32 to vector<16xi32>
    %and3A_478 = arith.andi %get3A_469, %and3A_477 : vector<16xi32>
    %mul3A_479 = arith.constant 128 : i32
    %mul3A_480 = vector.broadcast %mul3A_479 : i32 to vector<16xi32>
    %mul3A_481 = arith.muli %and3A_478, %mul3A_480 : vector<16xi32>
    %add3A_482 = arith.addi %mul3A_475, %mul3A_481 : vector<16xi32>
    %mul3A_483 = arith.constant 1024 : i32
    %mul3A_484 = arith.muli %add3A, %mul3A_483 : i32
    %add3A_485 = arith.constant 0 : i32
    %add3A_486 = arith.addi %mul3A_484, %add3A_485 : i32
    %add3A_487 = vector.broadcast %add3A_486 : i32 to vector<16xi32>
    %add3A_488 = arith.addi %add3A_482, %add3A_487 : vector<16xi32>
    %add3A_489 = arith.addi %add3A_488, %iota3A : vector<16xi32>
    %swap3A_490 = arith.constant 2 : i32
    %swap3A_491 = arith.index_cast %swap3A_490 : i32 to index
    %swap3A_492 = arith.constant 0 : index
    %swap3A_493 = tpu.vector_load %arg6[%swap3A_491, %swap3A_492] {strides = array<i32>} : memref<10x128xi32, #tpu.memory_space<vmem>>, vector<16xi32>,
    tpu.vector_store %arg6[%swap3A_491, %swap3A_492], %add3A_489 {strides = array<i32>} : memref<10x128xi32, #tpu.memory_space<vmem>>, vector<16xi32>,
    %get3A_494 = arith.constant 2 : i32
    %get3A_495 = arith.index_cast %get3A_494 : i32 to index
    %get3A_496 = arith.constant 16 : index
    %get3A_497 = tpu.vector_load %arg5[%get3A_495, %get3A_496] {strides = array<i32>} : memref<10x128xi32, #tpu.memory_space<vmem>>, vector<16xi32>,
    %shift_right_arithmetic3A_498 = arith.constant 3 : i32
    %shift_right_arithmetic3A_499 = vector.broadcast %shift_right_arithmetic3A_498 : i32 to vector<16xi32>
    %shift_right_arithmetic3A_500 = arith.shrsi %get3A_497, %shift_right_arithmetic3A_499 : vector<16xi32>
    %mul3A_501 = arith.constant 32768 : i32
    %mul3A_502 = vector.broadcast %mul3A_501 : i32 to vector<16xi32>
    %mul3A_503 = arith.muli %shift_right_arithmetic3A_500, %mul3A_502 : vector<16xi32>
    %and3A_504 = arith.constant 7 : i32
    %and3A_505 = vector.broadcast %and3A_504 : i32 to vector<16xi32>
    %and3A_506 = arith.andi %get3A_497, %and3A_505 : vector<16xi32>
    %mul3A_507 = arith.constant 128 : i32
    %mul3A_508 = vector.broadcast %mul3A_507 : i32 to vector<16xi32>
    %mul3A_509 = arith.muli %and3A_506, %mul3A_508 : vector<16xi32>
    %add3A_510 = arith.addi %mul3A_503, %mul3A_509 : vector<16xi32>
    %mul3A_511 = arith.constant 1024 : i32
    %mul3A_512 = arith.muli %add3A, %mul3A_511 : i32
    %add3A_513 = arith.constant 16 : i32
    %add3A_514 = arith.addi %mul3A_512, %add3A_513 : i32
    %add3A_515 = vector.broadcast %add3A_514 : i32 to vector<16xi32>
    %add3A_516 = arith.addi %add3A_510, %add3A_515 : vector<16xi32>
    %add3A_517 = arith.addi %add3A_516, %iota3A : vector<16xi32>
    %swap3A_518 = arith.constant 2 : i32
    %swap3A_519 = arith.index_cast %swap3A_518 : i32 to index
    %swap3A_520 = arith.constant 16 : index
    %swap3A_521 = tpu.vector_load %arg6[%swap3A_519, %swap3A_520] {strides = array<i32>} : memref<10x128xi32, #tpu.memory_space<vmem>>, vector<16xi32>,
    tpu.vector_store %arg6[%swap3A_519, %swap3A_520], %add3A_517 {strides = array<i32>} : memref<10x128xi32, #tpu.memory_space<vmem>>, vector<16xi32>,
    %get3A_522 = arith.constant 2 : i32
    %get3A_523 = arith.index_cast %get3A_522 : i32 to index
    %get3A_524 = arith.constant 32 : index
    %get3A_525 = tpu.vector_load %arg5[%get3A_523, %get3A_524] {strides = array<i32>} : memref<10x128xi32, #tpu.memory_space<vmem>>, vector<16xi32>,
    %shift_right_arithmetic3A_526 = arith.constant 3 : i32
    %shift_right_arithmetic3A_527 = vector.broadcast %shift_right_arithmetic3A_526 : i32 to vector<16xi32>
    %shift_right_arithmetic3A_528 = arith.shrsi %get3A_525, %shift_right_arithmetic3A_527 : vector<16xi32>
    %mul3A_529 = arith.constant 32768 : i32
    %mul3A_530 = vector.broadcast %mul3A_529 : i32 to vector<16xi32>
    %mul3A_531 = arith.muli %shift_right_arithmetic3A_528, %mul3A_530 : vector<16xi32>
    %and3A_532 = arith.constant 7 : i32
    %and3A_533 = vector.broadcast %and3A_532 : i32 to vector<16xi32>
    %and3A_534 = arith.andi %get3A_525, %and3A_533 : vector<16xi32>
    %mul3A_535 = arith.constant 128 : i32
    %mul3A_536 = vector.broadcast %mul3A_535 : i32 to vector<16xi32>
    %mul3A_537 = arith.muli %and3A_534, %mul3A_536 : vector<16xi32>
    %add3A_538 = arith.addi %mul3A_531, %mul3A_537 : vector<16xi32>
    %mul3A_539 = arith.constant 1024 : i32
    %mul3A_540 = arith.muli %add3A, %mul3A_539 : i32
    %add3A_541 = arith.constant 32 : i32
    %add3A_542 = arith.addi %mul3A_540, %add3A_541 : i32
    %add3A_543 = vector.broadcast %add3A_542 : i32 to vector<16xi32>
    %add3A_544 = arith.addi %add3A_538, %add3A_543 : vector<16xi32>
    %add3A_545 = arith.addi %add3A_544, %iota3A : vector<16xi32>
    %swap3A_546 = arith.constant 2 : i32
    %swap3A_547 = arith.index_cast %swap3A_546 : i32 to index
    %swap3A_548 = arith.constant 32 : index
    %swap3A_549 = tpu.vector_load %arg6[%swap3A_547, %swap3A_548] {strides = array<i32>} : memref<10x128xi32, #tpu.memory_space<vmem>>, vector<16xi32>,
    tpu.vector_store %arg6[%swap3A_547, %swap3A_548], %add3A_545 {strides = array<i32>} : memref<10x128xi32, #tpu.memory_space<vmem>>, vector<16xi32>,
    %get3A_550 = arith.constant 2 : i32
    %get3A_551 = arith.index_cast %get3A_550 : i32 to index
    %get3A_552 = arith.constant 48 : index
    %get3A_553 = tpu.vector_load %arg5[%get3A_551, %get3A_552] {strides = array<i32>} : memref<10x128xi32, #tpu.memory_space<vmem>>, vector<16xi32>,
    %shift_right_arithmetic3A_554 = arith.constant 3 : i32
    %shift_right_arithmetic3A_555 = vector.broadcast %shift_right_arithmetic3A_554 : i32 to vector<16xi32>
    %shift_right_arithmetic3A_556 = arith.shrsi %get3A_553, %shift_right_arithmetic3A_555 : vector<16xi32>
    %mul3A_557 = arith.constant 32768 : i32
    %mul3A_558 = vector.broadcast %mul3A_557 : i32 to vector<16xi32>
    %mul3A_559 = arith.muli %shift_right_arithmetic3A_556, %mul3A_558 : vector<16xi32>
    %and3A_560 = arith.constant 7 : i32
    %and3A_561 = vector.broadcast %and3A_560 : i32 to vector<16xi32>
    %and3A_562 = arith.andi %get3A_553, %and3A_561 : vector<16xi32>
    %mul3A_563 = arith.constant 128 : i32
    %mul3A_564 = vector.broadcast %mul3A_563 : i32 to vector<16xi32>
    %mul3A_565 = arith.muli %and3A_562, %mul3A_564 : vector<16xi32>
    %add3A_566 = arith.addi %mul3A_559, %mul3A_565 : vector<16xi32>
    %mul3A_567 = arith.constant 1024 : i32
    %mul3A_568 = arith.muli %add3A, %mul3A_567 : i32
    %add3A_569 = arith.constant 48 : i32
    %add3A_570 = arith.addi %mul3A_568, %add3A_569 : i32
    %add3A_571 = vector.broadcast %add3A_570 : i32 to vector<16xi32>
    %add3A_572 = arith.addi %add3A_566, %add3A_571 : vector<16xi32>
    %add3A_573 = arith.addi %add3A_572, %iota3A : vector<16xi32>
    %swap3A_574 = arith.constant 2 : i32
    %swap3A_575 = arith.index_cast %swap3A_574 : i32 to index
    %swap3A_576 = arith.constant 48 : index
    %swap3A_577 = tpu.vector_load %arg6[%swap3A_575, %swap3A_576] {strides = array<i32>} : memref<10x128xi32, #tpu.memory_space<vmem>>, vector<16xi32>,
    tpu.vector_store %arg6[%swap3A_575, %swap3A_576], %add3A_573 {strides = array<i32>} : memref<10x128xi32, #tpu.memory_space<vmem>>, vector<16xi32>,
    %get3A_578 = arith.constant 2 : i32
    %get3A_579 = arith.index_cast %get3A_578 : i32 to index
    %get3A_580 = arith.constant 64 : index
    %get3A_581 = tpu.vector_load %arg5[%get3A_579, %get3A_580] {strides = array<i32>} : memref<10x128xi32, #tpu.memory_space<vmem>>, vector<16xi32>,
    %shift_right_arithmetic3A_582 = arith.constant 3 : i32
    %shift_right_arithmetic3A_583 = vector.broadcast %shift_right_arithmetic3A_582 : i32 to vector<16xi32>
    %shift_right_arithmetic3A_584 = arith.shrsi %get3A_581, %shift_right_arithmetic3A_583 : vector<16xi32>
    %mul3A_585 = arith.constant 32768 : i32
    %mul3A_586 = vector.broadcast %mul3A_585 : i32 to vector<16xi32>
    %mul3A_587 = arith.muli %shift_right_arithmetic3A_584, %mul3A_586 : vector<16xi32>
    %and3A_588 = arith.constant 7 : i32
    %and3A_589 = vector.broadcast %and3A_588 : i32 to vector<16xi32>
    %and3A_590 = arith.andi %get3A_581, %and3A_589 : vector<16xi32>
    %mul3A_591 = arith.constant 128 : i32
    %mul3A_592 = vector.broadcast %mul3A_591 : i32 to vector<16xi32>
    %mul3A_593 = arith.muli %and3A_590, %mul3A_592 : vector<16xi32>
    %add3A_594 = arith.addi %mul3A_587, %mul3A_593 : vector<16xi32>
    %mul3A_595 = arith.constant 1024 : i32
    %mul3A_596 = arith.muli %add3A, %mul3A_595 : i32
    %add3A_597 = arith.constant 64 : i32
    %add3A_598 = arith.addi %mul3A_596, %add3A_597 : i32
    %add3A_599 = vector.broadcast %add3A_598 : i32 to vector<16xi32>
    %add3A_600 = arith.addi %add3A_594, %add3A_599 : vector<16xi32>
    %add3A_601 = arith.addi %add3A_600, %iota3A : vector<16xi32>
    %swap3A_602 = arith.constant 2 : i32
    %swap3A_603 = arith.index_cast %swap3A_602 : i32 to index
    %swap3A_604 = arith.constant 64 : index
    %swap3A_605 = tpu.vector_load %arg6[%swap3A_603, %swap3A_604] {strides = array<i32>} : memref<10x128xi32, #tpu.memory_space<vmem>>, vector<16xi32>,
    tpu.vector_store %arg6[%swap3A_603, %swap3A_604], %add3A_601 {strides = array<i32>} : memref<10x128xi32, #tpu.memory_space<vmem>>, vector<16xi32>,
    %get3A_606 = arith.constant 2 : i32
    %get3A_607 = arith.index_cast %get3A_606 : i32 to index
    %get3A_608 = arith.constant 80 : index
    %get3A_609 = tpu.vector_load %arg5[%get3A_607, %get3A_608] {strides = array<i32>} : memref<10x128xi32, #tpu.memory_space<vmem>>, vector<16xi32>,
    %shift_right_arithmetic3A_610 = arith.constant 3 : i32
    %shift_right_arithmetic3A_611 = vector.broadcast %shift_right_arithmetic3A_610 : i32 to vector<16xi32>
    %shift_right_arithmetic3A_612 = arith.shrsi %get3A_609, %shift_right_arithmetic3A_611 : vector<16xi32>
    %mul3A_613 = arith.constant 32768 : i32
    %mul3A_614 = vector.broadcast %mul3A_613 : i32 to vector<16xi32>
    %mul3A_615 = arith.muli %shift_right_arithmetic3A_612, %mul3A_614 : vector<16xi32>
    %and3A_616 = arith.constant 7 : i32
    %and3A_617 = vector.broadcast %and3A_616 : i32 to vector<16xi32>
    %and3A_618 = arith.andi %get3A_609, %and3A_617 : vector<16xi32>
    %mul3A_619 = arith.constant 128 : i32
    %mul3A_620 = vector.broadcast %mul3A_619 : i32 to vector<16xi32>
    %mul3A_621 = arith.muli %and3A_618, %mul3A_620 : vector<16xi32>
    %add3A_622 = arith.addi %mul3A_615, %mul3A_621 : vector<16xi32>
    %mul3A_623 = arith.constant 1024 : i32
    %mul3A_624 = arith.muli %add3A, %mul3A_623 : i32
    %add3A_625 = arith.constant 80 : i32
    %add3A_626 = arith.addi %mul3A_624, %add3A_625 : i32
    %add3A_627 = vector.broadcast %add3A_626 : i32 to vector<16xi32>
    %add3A_628 = arith.addi %add3A_622, %add3A_627 : vector<16xi32>
    %add3A_629 = arith.addi %add3A_628, %iota3A : vector<16xi32>
    %swap3A_630 = arith.constant 2 : i32
    %swap3A_631 = arith.index_cast %swap3A_630 : i32 to index
    %swap3A_632 = arith.constant 80 : index
    %swap3A_633 = tpu.vector_load %arg6[%swap3A_631, %swap3A_632] {strides = array<i32>} : memref<10x128xi32, #tpu.memory_space<vmem>>, vector<16xi32>,
    tpu.vector_store %arg6[%swap3A_631, %swap3A_632], %add3A_629 {strides = array<i32>} : memref<10x128xi32, #tpu.memory_space<vmem>>, vector<16xi32>,
    %get3A_634 = arith.constant 2 : i32
    %get3A_635 = arith.index_cast %get3A_634 : i32 to index
    %get3A_636 = arith.constant 96 : index
    %get3A_637 = tpu.vector_load %arg5[%get3A_635, %get3A_636] {strides = array<i32>} : memref<10x128xi32, #tpu.memory_space<vmem>>, vector<16xi32>,
    %shift_right_arithmetic3A_638 = arith.constant 3 : i32
    %shift_right_arithmetic3A_639 = vector.broadcast %shift_right_arithmetic3A_638 : i32 to vector<16xi32>
    %shift_right_arithmetic3A_640 = arith.shrsi %get3A_637, %shift_right_arithmetic3A_639 : vector<16xi32>
    %mul3A_641 = arith.constant 32768 : i32
    %mul3A_642 = vector.broadcast %mul3A_641 : i32 to vector<16xi32>
    %mul3A_643 = arith.muli %shift_right_arithmetic3A_640, %mul3A_642 : vector<16xi32>
    %and3A_644 = arith.constant 7 : i32
    %and3A_645 = vector.broadcast %and3A_644 : i32 to vector<16xi32>
    %and3A_646 = arith.andi %get3A_637, %and3A_645 : vector<16xi32>
    %mul3A_647 = arith.constant 128 : i32
    %mul3A_648 = vector.broadcast %mul3A_647 : i32 to vector<16xi32>
    %mul3A_649 = arith.muli %and3A_646, %mul3A_648 : vector<16xi32>
    %add3A_650 = arith.addi %mul3A_643, %mul3A_649 : vector<16xi32>
    %mul3A_651 = arith.constant 1024 : i32
    %mul3A_652 = arith.muli %add3A, %mul3A_651 : i32
    %add3A_653 = arith.constant 96 : i32
    %add3A_654 = arith.addi %mul3A_652, %add3A_653 : i32
    %add3A_655 = vector.broadcast %add3A_654 : i32 to vector<16xi32>
    %add3A_656 = arith.addi %add3A_650, %add3A_655 : vector<16xi32>
    %add3A_657 = arith.addi %add3A_656, %iota3A : vector<16xi32>
    %swap3A_658 = arith.constant 2 : i32
    %swap3A_659 = arith.index_cast %swap3A_658 : i32 to index
    %swap3A_660 = arith.constant 96 : index
    %swap3A_661 = tpu.vector_load %arg6[%swap3A_659, %swap3A_660] {strides = array<i32>} : memref<10x128xi32, #tpu.memory_space<vmem>>, vector<16xi32>,
    tpu.vector_store %arg6[%swap3A_659, %swap3A_660], %add3A_657 {strides = array<i32>} : memref<10x128xi32, #tpu.memory_space<vmem>>, vector<16xi32>,
    %get3A_662 = arith.constant 2 : i32
    %get3A_663 = arith.index_cast %get3A_662 : i32 to index
    %get3A_664 = arith.constant 112 : index
    %get3A_665 = tpu.vector_load %arg5[%get3A_663, %get3A_664] {strides = array<i32>} : memref<10x128xi32, #tpu.memory_space<vmem>>, vector<16xi32>,
    %shift_right_arithmetic3A_666 = arith.constant 3 : i32
    %shift_right_arithmetic3A_667 = vector.broadcast %shift_right_arithmetic3A_666 : i32 to vector<16xi32>
    %shift_right_arithmetic3A_668 = arith.shrsi %get3A_665, %shift_right_arithmetic3A_667 : vector<16xi32>
    %mul3A_669 = arith.constant 32768 : i32
    %mul3A_670 = vector.broadcast %mul3A_669 : i32 to vector<16xi32>
    %mul3A_671 = arith.muli %shift_right_arithmetic3A_668, %mul3A_670 : vector<16xi32>
    %and3A_672 = arith.constant 7 : i32
    %and3A_673 = vector.broadcast %and3A_672 : i32 to vector<16xi32>
    %and3A_674 = arith.andi %get3A_665, %and3A_673 : vector<16xi32>
    %mul3A_675 = arith.constant 128 : i32
    %mul3A_676 = vector.broadcast %mul3A_675 : i32 to vector<16xi32>
    %mul3A_677 = arith.muli %and3A_674, %mul3A_676 : vector<16xi32>
    %add3A_678 = arith.addi %mul3A_671, %mul3A_677 : vector<16xi32>
    %mul3A_679 = arith.constant 1024 : i32
    %mul3A_680 = arith.muli %add3A, %mul3A_679 : i32
    %add3A_681 = arith.constant 112 : i32
    %add3A_682 = arith.addi %mul3A_680, %add3A_681 : i32
    %add3A_683 = vector.broadcast %add3A_682 : i32 to vector<16xi32>
    %add3A_684 = arith.addi %add3A_678, %add3A_683 : vector<16xi32>
    %add3A_685 = arith.addi %add3A_684, %iota3A : vector<16xi32>
    %swap3A_686 = arith.constant 2 : i32
    %swap3A_687 = arith.index_cast %swap3A_686 : i32 to index
    %swap3A_688 = arith.constant 112 : index
    %swap3A_689 = tpu.vector_load %arg6[%swap3A_687, %swap3A_688] {strides = array<i32>} : memref<10x128xi32, #tpu.memory_space<vmem>>, vector<16xi32>,
    tpu.vector_store %arg6[%swap3A_687, %swap3A_688], %add3A_685 {strides = array<i32>} : memref<10x128xi32, #tpu.memory_space<vmem>>, vector<16xi32>,
    %dma_start3A_690 = arith.constant 2 : i32
    %dma_start3A_691 = arith.constant 2 : i32
    %dma_start3A_692 = arith.constant 0 : i32
    %dma_start3A_693 = tpu.memref_slice %arg7[%dma_start3A_691, %dma_start3A_692] : memref<10x128xf32, #tpu.memory_space<vmem>> -> memref<1x128xf32, #tpu.memory_space<vmem>>
    %dma_start3A_694 = tpu.memref_squeeze %dma_start3A_693 : memref<1x128xf32, #tpu.memory_space<vmem>> -> memref<128xf32, #tpu.memory_space<vmem>>
    %dma_start3A_695 = arith.constant 0 : i32
    %dma_start3A_696 = tpu.memref_slice %arg6[%dma_start3A_690, %dma_start3A_695] : memref<10x128xi32, #tpu.memory_space<vmem>> -> memref<1x128xi32, #tpu.memory_space<vmem>>
    %dma_start3A_697 = tpu.memref_squeeze %dma_start3A_696 : memref<1x128xi32, #tpu.memory_space<vmem>> -> memref<128xi32, #tpu.memory_space<vmem>>
    %dma_start3A_698 = arith.constant 0 : i32
    %dma_start3A_699 = tpu.memref_slice %arg2[%dma_start3A_698] : memref<4096000xf32, #tpu.memory_space<hbm>> -> memref<4096000xf32, #tpu.memory_space<hbm>>
    tpu.enqueue_indirect_dma source(%dma_start3A_699 : memref<4096000xf32, #tpu.memory_space<hbm>>) target(%dma_start3A_694 : memref<128xf32, #tpu.memory_space<vmem>>) offsets(%dma_start3A_697 : memref<128xi32, #tpu.memory_space<vmem>>) semaphore(%arg9 : memref<!tpu.dma_semaphore, #tpu.memory_space<semaphore_mem>>)
    %get3A_700 = arith.constant 3 : i32
    %get3A_701 = arith.index_cast %get3A_700 : i32 to index
    %get3A_702 = arith.constant 0 : index
    %get3A_703 = tpu.vector_load %arg5[%get3A_701, %get3A_702] {strides = array<i32>} : memref<10x128xi32, #tpu.memory_space<vmem>>, vector<16xi32>,
    %shift_right_arithmetic3A_704 = arith.constant 3 : i32
    %shift_right_arithmetic3A_705 = vector.broadcast %shift_right_arithmetic3A_704 : i32 to vector<16xi32>
    %shift_right_arithmetic3A_706 = arith.shrsi %get3A_703, %shift_right_arithmetic3A_705 : vector<16xi32>
    %mul3A_707 = arith.constant 32768 : i32
    %mul3A_708 = vector.broadcast %mul3A_707 : i32 to vector<16xi32>
    %mul3A_709 = arith.muli %shift_right_arithmetic3A_706, %mul3A_708 : vector<16xi32>
    %and3A_710 = arith.constant 7 : i32
    %and3A_711 = vector.broadcast %and3A_710 : i32 to vector<16xi32>
    %and3A_712 = arith.andi %get3A_703, %and3A_711 : vector<16xi32>
    %mul3A_713 = arith.constant 128 : i32
    %mul3A_714 = vector.broadcast %mul3A_713 : i32 to vector<16xi32>
    %mul3A_715 = arith.muli %and3A_712, %mul3A_714 : vector<16xi32>
    %add3A_716 = arith.addi %mul3A_709, %mul3A_715 : vector<16xi32>
    %mul3A_717 = arith.constant 1024 : i32
    %mul3A_718 = arith.muli %add3A, %mul3A_717 : i32
    %add3A_719 = arith.constant 0 : i32
    %add3A_720 = arith.addi %mul3A_718, %add3A_719 : i32
    %add3A_721 = vector.broadcast %add3A_720 : i32 to vector<16xi32>
    %add3A_722 = arith.addi %add3A_716, %add3A_721 : vector<16xi32>
    %add3A_723 = arith.addi %add3A_722, %iota3A : vector<16xi32>
    %swap3A_724 = arith.constant 3 : i32
    %swap3A_725 = arith.index_cast %swap3A_724 : i32 to index
    %swap3A_726 = arith.constant 0 : index
    %swap3A_727 = tpu.vector_load %arg6[%swap3A_725, %swap3A_726] {strides = array<i32>} : memref<10x128xi32, #tpu.memory_space<vmem>>, vector<16xi32>,
    tpu.vector_store %arg6[%swap3A_725, %swap3A_726], %add3A_723 {strides = array<i32>} : memref<10x128xi32, #tpu.memory_space<vmem>>, vector<16xi32>,
    %get3A_728 = arith.constant 3 : i32
    %get3A_729 = arith.index_cast %get3A_728 : i32 to index
    %get3A_730 = arith.constant 16 : index
    %get3A_731 = tpu.vector_load %arg5[%get3A_729, %get3A_730] {strides = array<i32>} : memref<10x128xi32, #tpu.memory_space<vmem>>, vector<16xi32>,
    %shift_right_arithmetic3A_732 = arith.constant 3 : i32
    %shift_right_arithmetic3A_733 = vector.broadcast %shift_right_arithmetic3A_732 : i32 to vector<16xi32>
    %shift_right_arithmetic3A_734 = arith.shrsi %get3A_731, %shift_right_arithmetic3A_733 : vector<16xi32>
    %mul3A_735 = arith.constant 32768 : i32
    %mul3A_736 = vector.broadcast %mul3A_735 : i32 to vector<16xi32>
    %mul3A_737 = arith.muli %shift_right_arithmetic3A_734, %mul3A_736 : vector<16xi32>
    %and3A_738 = arith.constant 7 : i32
    %and3A_739 = vector.broadcast %and3A_738 : i32 to vector<16xi32>
    %and3A_740 = arith.andi %get3A_731, %and3A_739 : vector<16xi32>
    %mul3A_741 = arith.constant 128 : i32
    %mul3A_742 = vector.broadcast %mul3A_741 : i32 to vector<16xi32>
    %mul3A_743 = arith.muli %and3A_740, %mul3A_742 : vector<16xi32>
    %add3A_744 = arith.addi %mul3A_737, %mul3A_743 : vector<16xi32>
    %mul3A_745 = arith.constant 1024 : i32
    %mul3A_746 = arith.muli %add3A, %mul3A_745 : i32
    %add3A_747 = arith.constant 16 : i32
    %add3A_748 = arith.addi %mul3A_746, %add3A_747 : i32
    %add3A_749 = vector.broadcast %add3A_748 : i32 to vector<16xi32>
    %add3A_750 = arith.addi %add3A_744, %add3A_749 : vector<16xi32>
    %add3A_751 = arith.addi %add3A_750, %iota3A : vector<16xi32>
    %swap3A_752 = arith.constant 3 : i32
    %swap3A_753 = arith.index_cast %swap3A_752 : i32 to index
    %swap3A_754 = arith.constant 16 : index
    %swap3A_755 = tpu.vector_load %arg6[%swap3A_753, %swap3A_754] {strides = array<i32>} : memref<10x128xi32, #tpu.memory_space<vmem>>, vector<16xi32>,
    tpu.vector_store %arg6[%swap3A_753, %swap3A_754], %add3A_751 {strides = array<i32>} : memref<10x128xi32, #tpu.memory_space<vmem>>, vector<16xi32>,
    %get3A_756 = arith.constant 3 : i32
    %get3A_757 = arith.index_cast %get3A_756 : i32 to index
    %get3A_758 = arith.constant 32 : index
    %get3A_759 = tpu.vector_load %arg5[%get3A_757, %get3A_758] {strides = array<i32>} : memref<10x128xi32, #tpu.memory_space<vmem>>, vector<16xi32>,
    %shift_right_arithmetic3A_760 = arith.constant 3 : i32
    %shift_right_arithmetic3A_761 = vector.broadcast %shift_right_arithmetic3A_760 : i32 to vector<16xi32>
    %shift_right_arithmetic3A_762 = arith.shrsi %get3A_759, %shift_right_arithmetic3A_761 : vector<16xi32>
    %mul3A_763 = arith.constant 32768 : i32
    %mul3A_764 = vector.broadcast %mul3A_763 : i32 to vector<16xi32>
    %mul3A_765 = arith.muli %shift_right_arithmetic3A_762, %mul3A_764 : vector<16xi32>
    %and3A_766 = arith.constant 7 : i32
    %and3A_767 = vector.broadcast %and3A_766 : i32 to vector<16xi32>
    %and3A_768 = arith.andi %get3A_759, %and3A_767 : vector<16xi32>
    %mul3A_769 = arith.constant 128 : i32
    %mul3A_770 = vector.broadcast %mul3A_769 : i32 to vector<16xi32>
    %mul3A_771 = arith.muli %and3A_768, %mul3A_770 : vector<16xi32>
    %add3A_772 = arith.addi %mul3A_765, %mul3A_771 : vector<16xi32>
    %mul3A_773 = arith.constant 1024 : i32
    %mul3A_774 = arith.muli %add3A, %mul3A_773 : i32
    %add3A_775 = arith.constant 32 : i32
    %add3A_776 = arith.addi %mul3A_774, %add3A_775 : i32
    %add3A_777 = vector.broadcast %add3A_776 : i32 to vector<16xi32>
    %add3A_778 = arith.addi %add3A_772, %add3A_777 : vector<16xi32>
    %add3A_779 = arith.addi %add3A_778, %iota3A : vector<16xi32>
    %swap3A_780 = arith.constant 3 : i32
    %swap3A_781 = arith.index_cast %swap3A_780 : i32 to index
    %swap3A_782 = arith.constant 32 : index
    %swap3A_783 = tpu.vector_load %arg6[%swap3A_781, %swap3A_782] {strides = array<i32>} : memref<10x128xi32, #tpu.memory_space<vmem>>, vector<16xi32>,
    tpu.vector_store %arg6[%swap3A_781, %swap3A_782], %add3A_779 {strides = array<i32>} : memref<10x128xi32, #tpu.memory_space<vmem>>, vector<16xi32>,
    %get3A_784 = arith.constant 3 : i32
    %get3A_785 = arith.index_cast %get3A_784 : i32 to index
    %get3A_786 = arith.constant 48 : index
    %get3A_787 = tpu.vector_load %arg5[%get3A_785, %get3A_786] {strides = array<i32>} : memref<10x128xi32, #tpu.memory_space<vmem>>, vector<16xi32>,
    %shift_right_arithmetic3A_788 = arith.constant 3 : i32
    %shift_right_arithmetic3A_789 = vector.broadcast %shift_right_arithmetic3A_788 : i32 to vector<16xi32>
    %shift_right_arithmetic3A_790 = arith.shrsi %get3A_787, %shift_right_arithmetic3A_789 : vector<16xi32>
    %mul3A_791 = arith.constant 32768 : i32
    %mul3A_792 = vector.broadcast %mul3A_791 : i32 to vector<16xi32>
    %mul3A_793 = arith.muli %shift_right_arithmetic3A_790, %mul3A_792 : vector<16xi32>
    %and3A_794 = arith.constant 7 : i32
    %and3A_795 = vector.broadcast %and3A_794 : i32 to vector<16xi32>
    %and3A_796 = arith.andi %get3A_787, %and3A_795 : vector<16xi32>
    %mul3A_797 = arith.constant 128 : i32
    %mul3A_798 = vector.broadcast %mul3A_797 : i32 to vector<16xi32>
    %mul3A_799 = arith.muli %and3A_796, %mul3A_798 : vector<16xi32>
    %add3A_800 = arith.addi %mul3A_793, %mul3A_799 : vector<16xi32>
    %mul3A_801 = arith.constant 1024 : i32
    %mul3A_802 = arith.muli %add3A, %mul3A_801 : i32
    %add3A_803 = arith.constant 48 : i32
    %add3A_804 = arith.addi %mul3A_802, %add3A_803 : i32
    %add3A_805 = vector.broadcast %add3A_804 : i32 to vector<16xi32>
    %add3A_806 = arith.addi %add3A_800, %add3A_805 : vector<16xi32>
    %add3A_807 = arith.addi %add3A_806, %iota3A : vector<16xi32>
    %swap3A_808 = arith.constant 3 : i32
    %swap3A_809 = arith.index_cast %swap3A_808 : i32 to index
    %swap3A_810 = arith.constant 48 : index
    %swap3A_811 = tpu.vector_load %arg6[%swap3A_809, %swap3A_810] {strides = array<i32>} : memref<10x128xi32, #tpu.memory_space<vmem>>, vector<16xi32>,
    tpu.vector_store %arg6[%swap3A_809, %swap3A_810], %add3A_807 {strides = array<i32>} : memref<10x128xi32, #tpu.memory_space<vmem>>, vector<16xi32>,
    %get3A_812 = arith.constant 3 : i32
    %get3A_813 = arith.index_cast %get3A_812 : i32 to index
    %get3A_814 = arith.constant 64 : index
    %get3A_815 = tpu.vector_load %arg5[%get3A_813, %get3A_814] {strides = array<i32>} : memref<10x128xi32, #tpu.memory_space<vmem>>, vector<16xi32>,
    %shift_right_arithmetic3A_816 = arith.constant 3 : i32
    %shift_right_arithmetic3A_817 = vector.broadcast %shift_right_arithmetic3A_816 : i32 to vector<16xi32>
    %shift_right_arithmetic3A_818 = arith.shrsi %get3A_815, %shift_right_arithmetic3A_817 : vector<16xi32>
    %mul3A_819 = arith.constant 32768 : i32
    %mul3A_820 = vector.broadcast %mul3A_819 : i32 to vector<16xi32>
    %mul3A_821 = arith.muli %shift_right_arithmetic3A_818, %mul3A_820 : vector<16xi32>
    %and3A_822 = arith.constant 7 : i32
    %and3A_823 = vector.broadcast %and3A_822 : i32 to vector<16xi32>
    %and3A_824 = arith.andi %get3A_815, %and3A_823 : vector<16xi32>
    %mul3A_825 = arith.constant 128 : i32
    %mul3A_826 = vector.broadcast %mul3A_825 : i32 to vector<16xi32>
    %mul3A_827 = arith.muli %and3A_824, %mul3A_826 : vector<16xi32>
    %add3A_828 = arith.addi %mul3A_821, %mul3A_827 : vector<16xi32>
    %mul3A_829 = arith.constant 1024 : i32
    %mul3A_830 = arith.muli %add3A, %mul3A_829 : i32
    %add3A_831 = arith.constant 64 : i32
    %add3A_832 = arith.addi %mul3A_830, %add3A_831 : i32
    %add3A_833 = vector.broadcast %add3A_832 : i32 to vector<16xi32>
    %add3A_834 = arith.addi %add3A_828, %add3A_833 : vector<16xi32>
    %add3A_835 = arith.addi %add3A_834, %iota3A : vector<16xi32>
    %swap3A_836 = arith.constant 3 : i32
    %swap3A_837 = arith.index_cast %swap3A_836 : i32 to index
    %swap3A_838 = arith.constant 64 : index
    %swap3A_839 = tpu.vector_load %arg6[%swap3A_837, %swap3A_838] {strides = array<i32>} : memref<10x128xi32, #tpu.memory_space<vmem>>, vector<16xi32>,
    tpu.vector_store %arg6[%swap3A_837, %swap3A_838], %add3A_835 {strides = array<i32>} : memref<10x128xi32, #tpu.memory_space<vmem>>, vector<16xi32>,
    %get3A_840 = arith.constant 3 : i32
    %get3A_841 = arith.index_cast %get3A_840 : i32 to index
    %get3A_842 = arith.constant 80 : index
    %get3A_843 = tpu.vector_load %arg5[%get3A_841, %get3A_842] {strides = array<i32>} : memref<10x128xi32, #tpu.memory_space<vmem>>, vector<16xi32>,
    %shift_right_arithmetic3A_844 = arith.constant 3 : i32
    %shift_right_arithmetic3A_845 = vector.broadcast %shift_right_arithmetic3A_844 : i32 to vector<16xi32>
    %shift_right_arithmetic3A_846 = arith.shrsi %get3A_843, %shift_right_arithmetic3A_845 : vector<16xi32>
    %mul3A_847 = arith.constant 32768 : i32
    %mul3A_848 = vector.broadcast %mul3A_847 : i32 to vector<16xi32>
    %mul3A_849 = arith.muli %shift_right_arithmetic3A_846, %mul3A_848 : vector<16xi32>
    %and3A_850 = arith.constant 7 : i32
    %and3A_851 = vector.broadcast %and3A_850 : i32 to vector<16xi32>
    %and3A_852 = arith.andi %get3A_843, %and3A_851 : vector<16xi32>
    %mul3A_853 = arith.constant 128 : i32
    %mul3A_854 = vector.broadcast %mul3A_853 : i32 to vector<16xi32>
    %mul3A_855 = arith.muli %and3A_852, %mul3A_854 : vector<16xi32>
    %add3A_856 = arith.addi %mul3A_849, %mul3A_855 : vector<16xi32>
    %mul3A_857 = arith.constant 1024 : i32
    %mul3A_858 = arith.muli %add3A, %mul3A_857 : i32
    %add3A_859 = arith.constant 80 : i32
    %add3A_860 = arith.addi %mul3A_858, %add3A_859 : i32
    %add3A_861 = vector.broadcast %add3A_860 : i32 to vector<16xi32>
    %add3A_862 = arith.addi %add3A_856, %add3A_861 : vector<16xi32>
    %add3A_863 = arith.addi %add3A_862, %iota3A : vector<16xi32>
    %swap3A_864 = arith.constant 3 : i32
    %swap3A_865 = arith.index_cast %swap3A_864 : i32 to index
    %swap3A_866 = arith.constant 80 : index
    %swap3A_867 = tpu.vector_load %arg6[%swap3A_865, %swap3A_866] {strides = array<i32>} : memref<10x128xi32, #tpu.memory_space<vmem>>, vector<16xi32>,
    tpu.vector_store %arg6[%swap3A_865, %swap3A_866], %add3A_863 {strides = array<i32>} : memref<10x128xi32, #tpu.memory_space<vmem>>, vector<16xi32>,
    %get3A_868 = arith.constant 3 : i32
    %get3A_869 = arith.index_cast %get3A_868 : i32 to index
    %get3A_870 = arith.constant 96 : index
    %get3A_871 = tpu.vector_load %arg5[%get3A_869, %get3A_870] {strides = array<i32>} : memref<10x128xi32, #tpu.memory_space<vmem>>, vector<16xi32>,
    %shift_right_arithmetic3A_872 = arith.constant 3 : i32
    %shift_right_arithmetic3A_873 = vector.broadcast %shift_right_arithmetic3A_872 : i32 to vector<16xi32>
    %shift_right_arithmetic3A_874 = arith.shrsi %get3A_871, %shift_right_arithmetic3A_873 : vector<16xi32>
    %mul3A_875 = arith.constant 32768 : i32
    %mul3A_876 = vector.broadcast %mul3A_875 : i32 to vector<16xi32>
    %mul3A_877 = arith.muli %shift_right_arithmetic3A_874, %mul3A_876 : vector<16xi32>
    %and3A_878 = arith.constant 7 : i32
    %and3A_879 = vector.broadcast %and3A_878 : i32 to vector<16xi32>
    %and3A_880 = arith.andi %get3A_871, %and3A_879 : vector<16xi32>
    %mul3A_881 = arith.constant 128 : i32
    %mul3A_882 = vector.broadcast %mul3A_881 : i32 to vector<16xi32>
    %mul3A_883 = arith.muli %and3A_880, %mul3A_882 : vector<16xi32>
    %add3A_884 = arith.addi %mul3A_877, %mul3A_883 : vector<16xi32>
    %mul3A_885 = arith.constant 1024 : i32
    %mul3A_886 = arith.muli %add3A, %mul3A_885 : i32
    %add3A_887 = arith.constant 96 : i32
    %add3A_888 = arith.addi %mul3A_886, %add3A_887 : i32
    %add3A_889 = vector.broadcast %add3A_888 : i32 to vector<16xi32>
    %add3A_890 = arith.addi %add3A_884, %add3A_889 : vector<16xi32>
    %add3A_891 = arith.addi %add3A_890, %iota3A : vector<16xi32>
    %swap3A_892 = arith.constant 3 : i32
    %swap3A_893 = arith.index_cast %swap3A_892 : i32 to index
    %swap3A_894 = arith.constant 96 : index
    %swap3A_895 = tpu.vector_load %arg6[%swap3A_893, %swap3A_894] {strides = array<i32>} : memref<10x128xi32, #tpu.memory_space<vmem>>, vector<16xi32>,
    tpu.vector_store %arg6[%swap3A_893, %swap3A_894], %add3A_891 {strides = array<i32>} : memref<10x128xi32, #tpu.memory_space<vmem>>, vector<16xi32>,
    %get3A_896 = arith.constant 3 : i32
    %get3A_897 = arith.index_cast %get3A_896 : i32 to index
    %get3A_898 = arith.constant 112 : index
    %get3A_899 = tpu.vector_load %arg5[%get3A_897, %get3A_898] {strides = array<i32>} : memref<10x128xi32, #tpu.memory_space<vmem>>, vector<16xi32>,
    %shift_right_arithmetic3A_900 = arith.constant 3 : i32
    %shift_right_arithmetic3A_901 = vector.broadcast %shift_right_arithmetic3A_900 : i32 to vector<16xi32>
    %shift_right_arithmetic3A_902 = arith.shrsi %get3A_899, %shift_right_arithmetic3A_901 : vector<16xi32>
    %mul3A_903 = arith.constant 32768 : i32
    %mul3A_904 = vector.broadcast %mul3A_903 : i32 to vector<16xi32>
    %mul3A_905 = arith.muli %shift_right_arithmetic3A_902, %mul3A_904 : vector<16xi32>
    %and3A_906 = arith.constant 7 : i32
    %and3A_907 = vector.broadcast %and3A_906 : i32 to vector<16xi32>
    %and3A_908 = arith.andi %get3A_899, %and3A_907 : vector<16xi32>
    %mul3A_909 = arith.constant 128 : i32
    %mul3A_910 = vector.broadcast %mul3A_909 : i32 to vector<16xi32>
    %mul3A_911 = arith.muli %and3A_908, %mul3A_910 : vector<16xi32>
    %add3A_912 = arith.addi %mul3A_905, %mul3A_911 : vector<16xi32>
    %mul3A_913 = arith.constant 1024 : i32
    %mul3A_914 = arith.muli %add3A, %mul3A_913 : i32
    %add3A_915 = arith.constant 112 : i32
    %add3A_916 = arith.addi %mul3A_914, %add3A_915 : i32
    %add3A_917 = vector.broadcast %add3A_916 : i32 to vector<16xi32>
    %add3A_918 = arith.addi %add3A_912, %add3A_917 : vector<16xi32>
    %add3A_919 = arith.addi %add3A_918, %iota3A : vector<16xi32>
    %swap3A_920 = arith.constant 3 : i32
    %swap3A_921 = arith.index_cast %swap3A_920 : i32 to index
    %swap3A_922 = arith.constant 112 : index
    %swap3A_923 = tpu.vector_load %arg6[%swap3A_921, %swap3A_922] {strides = array<i32>} : memref<10x128xi32, #tpu.memory_space<vmem>>, vector<16xi32>,
    tpu.vector_store %arg6[%swap3A_921, %swap3A_922], %add3A_919 {strides = array<i32>} : memref<10x128xi32, #tpu.memory_space<vmem>>, vector<16xi32>,
    %dma_start3A_924 = arith.constant 3 : i32
    %dma_start3A_925 = arith.constant 3 : i32
    %dma_start3A_926 = arith.constant 0 : i32
    %dma_start3A_927 = tpu.memref_slice %arg7[%dma_start3A_925, %dma_start3A_926] : memref<10x128xf32, #tpu.memory_space<vmem>> -> memref<1x128xf32, #tpu.memory_space<vmem>>
    %dma_start3A_928 = tpu.memref_squeeze %dma_start3A_927 : memref<1x128xf32, #tpu.memory_space<vmem>> -> memref<128xf32, #tpu.memory_space<vmem>>
    %dma_start3A_929 = arith.constant 0 : i32
    %dma_start3A_930 = tpu.memref_slice %arg6[%dma_start3A_924, %dma_start3A_929] : memref<10x128xi32, #tpu.memory_space<vmem>> -> memref<1x128xi32, #tpu.memory_space<vmem>>
    %dma_start3A_931 = tpu.memref_squeeze %dma_start3A_930 : memref<1x128xi32, #tpu.memory_space<vmem>> -> memref<128xi32, #tpu.memory_space<vmem>>
    %dma_start3A_932 = arith.constant 0 : i32
    %dma_start3A_933 = tpu.memref_slice %arg2[%dma_start3A_932] : memref<4096000xf32, #tpu.memory_space<hbm>> -> memref<4096000xf32, #tpu.memory_space<hbm>>
    tpu.enqueue_indirect_dma source(%dma_start3A_933 : memref<4096000xf32, #tpu.memory_space<hbm>>) target(%dma_start3A_928 : memref<128xf32, #tpu.memory_space<vmem>>) offsets(%dma_start3A_931 : memref<128xi32, #tpu.memory_space<vmem>>) semaphore(%arg9 : memref<!tpu.dma_semaphore, #tpu.memory_space<semaphore_mem>>)
    %get3A_934 = arith.constant 4 : i32
    %get3A_935 = arith.index_cast %get3A_934 : i32 to index
    %get3A_936 = arith.constant 0 : index
    %get3A_937 = tpu.vector_load %arg5[%get3A_935, %get3A_936] {strides = array<i32>} : memref<10x128xi32, #tpu.memory_space<vmem>>, vector<16xi32>,
    %shift_right_arithmetic3A_938 = arith.constant 3 : i32
    %shift_right_arithmetic3A_939 = vector.broadcast %shift_right_arithmetic3A_938 : i32 to vector<16xi32>
    %shift_right_arithmetic3A_940 = arith.shrsi %get3A_937, %shift_right_arithmetic3A_939 : vector<16xi32>
    %mul3A_941 = arith.constant 32768 : i32
    %mul3A_942 = vector.broadcast %mul3A_941 : i32 to vector<16xi32>
    %mul3A_943 = arith.muli %shift_right_arithmetic3A_940, %mul3A_942 : vector<16xi32>
    %and3A_944 = arith.constant 7 : i32
    %and3A_945 = vector.broadcast %and3A_944 : i32 to vector<16xi32>
    %and3A_946 = arith.andi %get3A_937, %and3A_945 : vector<16xi32>
    %mul3A_947 = arith.constant 128 : i32
    %mul3A_948 = vector.broadcast %mul3A_947 : i32 to vector<16xi32>
    %mul3A_949 = arith.muli %and3A_946, %mul3A_948 : vector<16xi32>
    %add3A_950 = arith.addi %mul3A_943, %mul3A_949 : vector<16xi32>
    %mul3A_951 = arith.constant 1024 : i32
    %mul3A_952 = arith.muli %add3A, %mul3A_951 : i32
    %add3A_953 = arith.constant 0 : i32
    %add3A_954 = arith.addi %mul3A_952, %add3A_953 : i32
    %add3A_955 = vector.broadcast %add3A_954 : i32 to vector<16xi32>
    %add3A_956 = arith.addi %add3A_950, %add3A_955 : vector<16xi32>
    %add3A_957 = arith.addi %add3A_956, %iota3A : vector<16xi32>
    %swap3A_958 = arith.constant 4 : i32
    %swap3A_959 = arith.index_cast %swap3A_958 : i32 to index
    %swap3A_960 = arith.constant 0 : index
    %swap3A_961 = tpu.vector_load %arg6[%swap3A_959, %swap3A_960] {strides = array<i32>} : memref<10x128xi32, #tpu.memory_space<vmem>>, vector<16xi32>,
    tpu.vector_store %arg6[%swap3A_959, %swap3A_960], %add3A_957 {strides = array<i32>} : memref<10x128xi32, #tpu.memory_space<vmem>>, vector<16xi32>,
    %get3A_962 = arith.constant 4 : i32
    %get3A_963 = arith.index_cast %get3A_962 : i32 to index
    %get3A_964 = arith.constant 16 : index
    %get3A_965 = tpu.vector_load %arg5[%get3A_963, %get3A_964] {strides = array<i32>} : memref<10x128xi32, #tpu.memory_space<vmem>>, vector<16xi32>,
    %shift_right_arithmetic3A_966 = arith.constant 3 : i32
    %shift_right_arithmetic3A_967 = vector.broadcast %shift_right_arithmetic3A_966 : i32 to vector<16xi32>
    %shift_right_arithmetic3A_968 = arith.shrsi %get3A_965, %shift_right_arithmetic3A_967 : vector<16xi32>
    %mul3A_969 = arith.constant 32768 : i32
    %mul3A_970 = vector.broadcast %mul3A_969 : i32 to vector<16xi32>
    %mul3A_971 = arith.muli %shift_right_arithmetic3A_968, %mul3A_970 : vector<16xi32>
    %and3A_972 = arith.constant 7 : i32
    %and3A_973 = vector.broadcast %and3A_972 : i32 to vector<16xi32>
    %and3A_974 = arith.andi %get3A_965, %and3A_973 : vector<16xi32>
    %mul3A_975 = arith.constant 128 : i32
    %mul3A_976 = vector.broadcast %mul3A_975 : i32 to vector<16xi32>
    %mul3A_977 = arith.muli %and3A_974, %mul3A_976 : vector<16xi32>
    %add3A_978 = arith.addi %mul3A_971, %mul3A_977 : vector<16xi32>
    %mul3A_979 = arith.constant 1024 : i32
    %mul3A_980 = arith.muli %add3A, %mul3A_979 : i32
    %add3A_981 = arith.constant 16 : i32
    %add3A_982 = arith.addi %mul3A_980, %add3A_981 : i32
    %add3A_983 = vector.broadcast %add3A_982 : i32 to vector<16xi32>
    %add3A_984 = arith.addi %add3A_978, %add3A_983 : vector<16xi32>
    %add3A_985 = arith.addi %add3A_984, %iota3A : vector<16xi32>
    %swap3A_986 = arith.constant 4 : i32
    %swap3A_987 = arith.index_cast %swap3A_986 : i32 to index
    %swap3A_988 = arith.constant 16 : index
    %swap3A_989 = tpu.vector_load %arg6[%swap3A_987, %swap3A_988] {strides = array<i32>} : memref<10x128xi32, #tpu.memory_space<vmem>>, vector<16xi32>,
    tpu.vector_store %arg6[%swap3A_987, %swap3A_988], %add3A_985 {strides = array<i32>} : memref<10x128xi32, #tpu.memory_space<vmem>>, vector<16xi32>,
    %get3A_990 = arith.constant 4 : i32
    %get3A_991 = arith.index_cast %get3A_990 : i32 to index
    %get3A_992 = arith.constant 32 : index
    %get3A_993 = tpu.vector_load %arg5[%get3A_991, %get3A_992] {strides = array<i32>} : memref<10x128xi32, #tpu.memory_space<vmem>>, vector<16xi32>,
    %shift_right_arithmetic3A_994 = arith.constant 3 : i32
    %shift_right_arithmetic3A_995 = vector.broadcast %shift_right_arithmetic3A_994 : i32 to vector<16xi32>
    %shift_right_arithmetic3A_996 = arith.shrsi %get3A_993, %shift_right_arithmetic3A_995 : vector<16xi32>
    %mul3A_997 = arith.constant 32768 : i32
    %mul3A_998 = vector.broadcast %mul3A_997 : i32 to vector<16xi32>
    %mul3A_999 = arith.muli %shift_right_arithmetic3A_996, %mul3A_998 : vector<16xi32>
    %and3A_1000 = arith.constant 7 : i32
    %and3A_1001 = vector.broadcast %and3A_1000 : i32 to vector<16xi32>
    %and3A_1002 = arith.andi %get3A_993, %and3A_1001 : vector<16xi32>
    %mul3A_1003 = arith.constant 128 : i32
    %mul3A_1004 = vector.broadcast %mul3A_1003 : i32 to vector<16xi32>
    %mul3A_1005 = arith.muli %and3A_1002, %mul3A_1004 : vector<16xi32>
    %add3A_1006 = arith.addi %mul3A_999, %mul3A_1005 : vector<16xi32>
    %mul3A_1007 = arith.constant 1024 : i32
    %mul3A_1008 = arith.muli %add3A, %mul3A_1007 : i32
    %add3A_1009 = arith.constant 32 : i32
    %add3A_1010 = arith.addi %mul3A_1008, %add3A_1009 : i32
    %add3A_1011 = vector.broadcast %add3A_1010 : i32 to vector<16xi32>
    %add3A_1012 = arith.addi %add3A_1006, %add3A_1011 : vector<16xi32>
    %add3A_1013 = arith.addi %add3A_1012, %iota3A : vector<16xi32>
    %swap3A_1014 = arith.constant 4 : i32
    %swap3A_1015 = arith.index_cast %swap3A_1014 : i32 to index
    %swap3A_1016 = arith.constant 32 : index
    %swap3A_1017 = tpu.vector_load %arg6[%swap3A_1015, %swap3A_1016] {strides = array<i32>} : memref<10x128xi32, #tpu.memory_space<vmem>>, vector<16xi32>,
    tpu.vector_store %arg6[%swap3A_1015, %swap3A_1016], %add3A_1013 {strides = array<i32>} : memref<10x128xi32, #tpu.memory_space<vmem>>, vector<16xi32>,
    %get3A_1018 = arith.constant 4 : i32
    %get3A_1019 = arith.index_cast %get3A_1018 : i32 to index
    %get3A_1020 = arith.constant 48 : index
    %get3A_1021 = tpu.vector_load %arg5[%get3A_1019, %get3A_1020] {strides = array<i32>} : memref<10x128xi32, #tpu.memory_space<vmem>>, vector<16xi32>,
    %shift_right_arithmetic3A_1022 = arith.constant 3 : i32
    %shift_right_arithmetic3A_1023 = vector.broadcast %shift_right_arithmetic3A_1022 : i32 to vector<16xi32>
    %shift_right_arithmetic3A_1024 = arith.shrsi %get3A_1021, %shift_right_arithmetic3A_1023 : vector<16xi32>
    %mul3A_1025 = arith.constant 32768 : i32
    %mul3A_1026 = vector.broadcast %mul3A_1025 : i32 to vector<16xi32>
    %mul3A_1027 = arith.muli %shift_right_arithmetic3A_1024, %mul3A_1026 : vector<16xi32>
    %and3A_1028 = arith.constant 7 : i32
    %and3A_1029 = vector.broadcast %and3A_1028 : i32 to vector<16xi32>
    %and3A_1030 = arith.andi %get3A_1021, %and3A_1029 : vector<16xi32>
    %mul3A_1031 = arith.constant 128 : i32
    %mul3A_1032 = vector.broadcast %mul3A_1031 : i32 to vector<16xi32>
    %mul3A_1033 = arith.muli %and3A_1030, %mul3A_1032 : vector<16xi32>
    %add3A_1034 = arith.addi %mul3A_1027, %mul3A_1033 : vector<16xi32>
    %mul3A_1035 = arith.constant 1024 : i32
    %mul3A_1036 = arith.muli %add3A, %mul3A_1035 : i32
    %add3A_1037 = arith.constant 48 : i32
    %add3A_1038 = arith.addi %mul3A_1036, %add3A_1037 : i32
    %add3A_1039 = vector.broadcast %add3A_1038 : i32 to vector<16xi32>
    %add3A_1040 = arith.addi %add3A_1034, %add3A_1039 : vector<16xi32>
    %add3A_1041 = arith.addi %add3A_1040, %iota3A : vector<16xi32>
    %swap3A_1042 = arith.constant 4 : i32
    %swap3A_1043 = arith.index_cast %swap3A_1042 : i32 to index
    %swap3A_1044 = arith.constant 48 : index
    %swap3A_1045 = tpu.vector_load %arg6[%swap3A_1043, %swap3A_1044] {strides = array<i32>} : memref<10x128xi32, #tpu.memory_space<vmem>>, vector<16xi32>,
    tpu.vector_store %arg6[%swap3A_1043, %swap3A_1044], %add3A_1041 {strides = array<i32>} : memref<10x128xi32, #tpu.memory_space<vmem>>, vector<16xi32>,
    %get3A_1046 = arith.constant 4 : i32
    %get3A_1047 = arith.index_cast %get3A_1046 : i32 to index
    %get3A_1048 = arith.constant 64 : index
    %get3A_1049 = tpu.vector_load %arg5[%get3A_1047, %get3A_1048] {strides = array<i32>} : memref<10x128xi32, #tpu.memory_space<vmem>>, vector<16xi32>,
    %shift_right_arithmetic3A_1050 = arith.constant 3 : i32
    %shift_right_arithmetic3A_1051 = vector.broadcast %shift_right_arithmetic3A_1050 : i32 to vector<16xi32>
    %shift_right_arithmetic3A_1052 = arith.shrsi %get3A_1049, %shift_right_arithmetic3A_1051 : vector<16xi32>
    %mul3A_1053 = arith.constant 32768 : i32
    %mul3A_1054 = vector.broadcast %mul3A_1053 : i32 to vector<16xi32>
    %mul3A_1055 = arith.muli %shift_right_arithmetic3A_1052, %mul3A_1054 : vector<16xi32>
    %and3A_1056 = arith.constant 7 : i32
    %and3A_1057 = vector.broadcast %and3A_1056 : i32 to vector<16xi32>
    %and3A_1058 = arith.andi %get3A_1049, %and3A_1057 : vector<16xi32>
    %mul3A_1059 = arith.constant 128 : i32
    %mul3A_1060 = vector.broadcast %mul3A_1059 : i32 to vector<16xi32>
    %mul3A_1061 = arith.muli %and3A_1058, %mul3A_1060 : vector<16xi32>
    %add3A_1062 = arith.addi %mul3A_1055, %mul3A_1061 : vector<16xi32>
    %mul3A_1063 = arith.constant 1024 : i32
    %mul3A_1064 = arith.muli %add3A, %mul3A_1063 : i32
    %add3A_1065 = arith.constant 64 : i32
    %add3A_1066 = arith.addi %mul3A_1064, %add3A_1065 : i32
    %add3A_1067 = vector.broadcast %add3A_1066 : i32 to vector<16xi32>
    %add3A_1068 = arith.addi %add3A_1062, %add3A_1067 : vector<16xi32>
    %add3A_1069 = arith.addi %add3A_1068, %iota3A : vector<16xi32>
    %swap3A_1070 = arith.constant 4 : i32
    %swap3A_1071 = arith.index_cast %swap3A_1070 : i32 to index
    %swap3A_1072 = arith.constant 64 : index
    %swap3A_1073 = tpu.vector_load %arg6[%swap3A_1071, %swap3A_1072] {strides = array<i32>} : memref<10x128xi32, #tpu.memory_space<vmem>>, vector<16xi32>,
    tpu.vector_store %arg6[%swap3A_1071, %swap3A_1072], %add3A_1069 {strides = array<i32>} : memref<10x128xi32, #tpu.memory_space<vmem>>, vector<16xi32>,
    %get3A_1074 = arith.constant 4 : i32
    %get3A_1075 = arith.index_cast %get3A_1074 : i32 to index
    %get3A_1076 = arith.constant 80 : index
    %get3A_1077 = tpu.vector_load %arg5[%get3A_1075, %get3A_1076] {strides = array<i32>} : memref<10x128xi32, #tpu.memory_space<vmem>>, vector<16xi32>,
    %shift_right_arithmetic3A_1078 = arith.constant 3 : i32
    %shift_right_arithmetic3A_1079 = vector.broadcast %shift_right_arithmetic3A_1078 : i32 to vector<16xi32>
    %shift_right_arithmetic3A_1080 = arith.shrsi %get3A_1077, %shift_right_arithmetic3A_1079 : vector<16xi32>
    %mul3A_1081 = arith.constant 32768 : i32
    %mul3A_1082 = vector.broadcast %mul3A_1081 : i32 to vector<16xi32>
    %mul3A_1083 = arith.muli %shift_right_arithmetic3A_1080, %mul3A_1082 : vector<16xi32>
    %and3A_1084 = arith.constant 7 : i32
    %and3A_1085 = vector.broadcast %and3A_1084 : i32 to vector<16xi32>
    %and3A_1086 = arith.andi %get3A_1077, %and3A_1085 : vector<16xi32>
    %mul3A_1087 = arith.constant 128 : i32
    %mul3A_1088 = vector.broadcast %mul3A_1087 : i32 to vector<16xi32>
    %mul3A_1089 = arith.muli %and3A_1086, %mul3A_1088 : vector<16xi32>
    %add3A_1090 = arith.addi %mul3A_1083, %mul3A_1089 : vector<16xi32>
    %mul3A_1091 = arith.constant 1024 : i32
    %mul3A_1092 = arith.muli %add3A, %mul3A_1091 : i32
    %add3A_1093 = arith.constant 80 : i32
    %add3A_1094 = arith.addi %mul3A_1092, %add3A_1093 : i32
    %add3A_1095 = vector.broadcast %add3A_1094 : i32 to vector<16xi32>
    %add3A_1096 = arith.addi %add3A_1090, %add3A_1095 : vector<16xi32>
    %add3A_1097 = arith.addi %add3A_1096, %iota3A : vector<16xi32>
    %swap3A_1098 = arith.constant 4 : i32
    %swap3A_1099 = arith.index_cast %swap3A_1098 : i32 to index
    %swap3A_1100 = arith.constant 80 : index
    %swap3A_1101 = tpu.vector_load %arg6[%swap3A_1099, %swap3A_1100] {strides = array<i32>} : memref<10x128xi32, #tpu.memory_space<vmem>>, vector<16xi32>,
    tpu.vector_store %arg6[%swap3A_1099, %swap3A_1100], %add3A_1097 {strides = array<i32>} : memref<10x128xi32, #tpu.memory_space<vmem>>, vector<16xi32>,
    %get3A_1102 = arith.constant 4 : i32
    %get3A_1103 = arith.index_cast %get3A_1102 : i32 to index
    %get3A_1104 = arith.constant 96 : index
    %get3A_1105 = tpu.vector_load %arg5[%get3A_1103, %get3A_1104] {strides = array<i32>} : memref<10x128xi32, #tpu.memory_space<vmem>>, vector<16xi32>,
    %shift_right_arithmetic3A_1106 = arith.constant 3 : i32
    %shift_right_arithmetic3A_1107 = vector.broadcast %shift_right_arithmetic3A_1106 : i32 to vector<16xi32>
    %shift_right_arithmetic3A_1108 = arith.shrsi %get3A_1105, %shift_right_arithmetic3A_1107 : vector<16xi32>
    %mul3A_1109 = arith.constant 32768 : i32
    %mul3A_1110 = vector.broadcast %mul3A_1109 : i32 to vector<16xi32>
    %mul3A_1111 = arith.muli %shift_right_arithmetic3A_1108, %mul3A_1110 : vector<16xi32>
    %and3A_1112 = arith.constant 7 : i32
    %and3A_1113 = vector.broadcast %and3A_1112 : i32 to vector<16xi32>
    %and3A_1114 = arith.andi %get3A_1105, %and3A_1113 : vector<16xi32>
    %mul3A_1115 = arith.constant 128 : i32
    %mul3A_1116 = vector.broadcast %mul3A_1115 : i32 to vector<16xi32>
    %mul3A_1117 = arith.muli %and3A_1114, %mul3A_1116 : vector<16xi32>
    %add3A_1118 = arith.addi %mul3A_1111, %mul3A_1117 : vector<16xi32>
    %mul3A_1119 = arith.constant 1024 : i32
    %mul3A_1120 = arith.muli %add3A, %mul3A_1119 : i32
    %add3A_1121 = arith.constant 96 : i32
    %add3A_1122 = arith.addi %mul3A_1120, %add3A_1121 : i32
    %add3A_1123 = vector.broadcast %add3A_1122 : i32 to vector<16xi32>
    %add3A_1124 = arith.addi %add3A_1118, %add3A_1123 : vector<16xi32>
    %add3A_1125 = arith.addi %add3A_1124, %iota3A : vector<16xi32>
    %swap3A_1126 = arith.constant 4 : i32
    %swap3A_1127 = arith.index_cast %swap3A_1126 : i32 to index
    %swap3A_1128 = arith.constant 96 : index
    %swap3A_1129 = tpu.vector_load %arg6[%swap3A_1127, %swap3A_1128] {strides = array<i32>} : memref<10x128xi32, #tpu.memory_space<vmem>>, vector<16xi32>,
    tpu.vector_store %arg6[%swap3A_1127, %swap3A_1128], %add3A_1125 {strides = array<i32>} : memref<10x128xi32, #tpu.memory_space<vmem>>, vector<16xi32>,
    %get3A_1130 = arith.constant 4 : i32
    %get3A_1131 = arith.index_cast %get3A_1130 : i32 to index
    %get3A_1132 = arith.constant 112 : index
    %get3A_1133 = tpu.vector_load %arg5[%get3A_1131, %get3A_1132] {strides = array<i32>} : memref<10x128xi32, #tpu.memory_space<vmem>>, vector<16xi32>,
    %shift_right_arithmetic3A_1134 = arith.constant 3 : i32
    %shift_right_arithmetic3A_1135 = vector.broadcast %shift_right_arithmetic3A_1134 : i32 to vector<16xi32>
    %shift_right_arithmetic3A_1136 = arith.shrsi %get3A_1133, %shift_right_arithmetic3A_1135 : vector<16xi32>
    %mul3A_1137 = arith.constant 32768 : i32
    %mul3A_1138 = vector.broadcast %mul3A_1137 : i32 to vector<16xi32>
    %mul3A_1139 = arith.muli %shift_right_arithmetic3A_1136, %mul3A_1138 : vector<16xi32>
    %and3A_1140 = arith.constant 7 : i32
    %and3A_1141 = vector.broadcast %and3A_1140 : i32 to vector<16xi32>
    %and3A_1142 = arith.andi %get3A_1133, %and3A_1141 : vector<16xi32>
    %mul3A_1143 = arith.constant 128 : i32
    %mul3A_1144 = vector.broadcast %mul3A_1143 : i32 to vector<16xi32>
    %mul3A_1145 = arith.muli %and3A_1142, %mul3A_1144 : vector<16xi32>
    %add3A_1146 = arith.addi %mul3A_1139, %mul3A_1145 : vector<16xi32>
    %mul3A_1147 = arith.constant 1024 : i32
    %mul3A_1148 = arith.muli %add3A, %mul3A_1147 : i32
    %add3A_1149 = arith.constant 112 : i32
    %add3A_1150 = arith.addi %mul3A_1148, %add3A_1149 : i32
    %add3A_1151 = vector.broadcast %add3A_1150 : i32 to vector<16xi32>
    %add3A_1152 = arith.addi %add3A_1146, %add3A_1151 : vector<16xi32>
    %add3A_1153 = arith.addi %add3A_1152, %iota3A : vector<16xi32>
    %swap3A_1154 = arith.constant 4 : i32
    %swap3A_1155 = arith.index_cast %swap3A_1154 : i32 to index
    %swap3A_1156 = arith.constant 112 : index
    %swap3A_1157 = tpu.vector_load %arg6[%swap3A_1155, %swap3A_1156] {strides = array<i32>} : memref<10x128xi32, #tpu.memory_space<vmem>>, vector<16xi32>,
    tpu.vector_store %arg6[%swap3A_1155, %swap3A_1156], %add3A_1153 {strides = array<i32>} : memref<10x128xi32, #tpu.memory_space<vmem>>, vector<16xi32>,
    %dma_start3A_1158 = arith.constant 4 : i32
    %dma_start3A_1159 = arith.constant 4 : i32
    %dma_start3A_1160 = arith.constant 0 : i32
    %dma_start3A_1161 = tpu.memref_slice %arg7[%dma_start3A_1159, %dma_start3A_1160] : memref<10x128xf32, #tpu.memory_space<vmem>> -> memref<1x128xf32, #tpu.memory_space<vmem>>
    %dma_start3A_1162 = tpu.memref_squeeze %dma_start3A_1161 : memref<1x128xf32, #tpu.memory_space<vmem>> -> memref<128xf32, #tpu.memory_space<vmem>>
    %dma_start3A_1163 = arith.constant 0 : i32
    %dma_start3A_1164 = tpu.memref_slice %arg6[%dma_start3A_1158, %dma_start3A_1163] : memref<10x128xi32, #tpu.memory_space<vmem>> -> memref<1x128xi32, #tpu.memory_space<vmem>>
    %dma_start3A_1165 = tpu.memref_squeeze %dma_start3A_1164 : memref<1x128xi32, #tpu.memory_space<vmem>> -> memref<128xi32, #tpu.memory_space<vmem>>
    %dma_start3A_1166 = arith.constant 0 : i32
    %dma_start3A_1167 = tpu.memref_slice %arg2[%dma_start3A_1166] : memref<4096000xf32, #tpu.memory_space<hbm>> -> memref<4096000xf32, #tpu.memory_space<hbm>>
    tpu.enqueue_indirect_dma source(%dma_start3A_1167 : memref<4096000xf32, #tpu.memory_space<hbm>>) target(%dma_start3A_1162 : memref<128xf32, #tpu.memory_space<vmem>>) offsets(%dma_start3A_1165 : memref<128xi32, #tpu.memory_space<vmem>>) semaphore(%arg9 : memref<!tpu.dma_semaphore, #tpu.memory_space<semaphore_mem>>)
    %get3A_1168 = arith.constant 5 : i32
    %get3A_1169 = arith.index_cast %get3A_1168 : i32 to index
    %get3A_1170 = arith.constant 0 : index
    %get3A_1171 = tpu.vector_load %arg5[%get3A_1169, %get3A_1170] {strides = array<i32>} : memref<10x128xi32, #tpu.memory_space<vmem>>, vector<16xi32>,
    %shift_right_arithmetic3A_1172 = arith.constant 3 : i32
    %shift_right_arithmetic3A_1173 = vector.broadcast %shift_right_arithmetic3A_1172 : i32 to vector<16xi32>
    %shift_right_arithmetic3A_1174 = arith.shrsi %get3A_1171, %shift_right_arithmetic3A_1173 : vector<16xi32>
    %mul3A_1175 = arith.constant 32768 : i32
    %mul3A_1176 = vector.broadcast %mul3A_1175 : i32 to vector<16xi32>
    %mul3A_1177 = arith.muli %shift_right_arithmetic3A_1174, %mul3A_1176 : vector<16xi32>
    %and3A_1178 = arith.constant 7 : i32
    %and3A_1179 = vector.broadcast %and3A_1178 : i32 to vector<16xi32>
    %and3A_1180 = arith.andi %get3A_1171, %and3A_1179 : vector<16xi32>
    %mul3A_1181 = arith.constant 128 : i32
    %mul3A_1182 = vector.broadcast %mul3A_1181 : i32 to vector<16xi32>
    %mul3A_1183 = arith.muli %and3A_1180, %mul3A_1182 : vector<16xi32>
    %add3A_1184 = arith.addi %mul3A_1177, %mul3A_1183 : vector<16xi32>
    %mul3A_1185 = arith.constant 1024 : i32
    %mul3A_1186 = arith.muli %add3A, %mul3A_1185 : i32
    %add3A_1187 = arith.constant 0 : i32
    %add3A_1188 = arith.addi %mul3A_1186, %add3A_1187 : i32
    %add3A_1189 = vector.broadcast %add3A_1188 : i32 to vector<16xi32>
    %add3A_1190 = arith.addi %add3A_1184, %add3A_1189 : vector<16xi32>
    %add3A_1191 = arith.addi %add3A_1190, %iota3A : vector<16xi32>
    %swap3A_1192 = arith.constant 5 : i32
    %swap3A_1193 = arith.index_cast %swap3A_1192 : i32 to index
    %swap3A_1194 = arith.constant 0 : index
    %swap3A_1195 = tpu.vector_load %arg6[%swap3A_1193, %swap3A_1194] {strides = array<i32>} : memref<10x128xi32, #tpu.memory_space<vmem>>, vector<16xi32>,
    tpu.vector_store %arg6[%swap3A_1193, %swap3A_1194], %add3A_1191 {strides = array<i32>} : memref<10x128xi32, #tpu.memory_space<vmem>>, vector<16xi32>,
    %get3A_1196 = arith.constant 5 : i32
    %get3A_1197 = arith.index_cast %get3A_1196 : i32 to index
    %get3A_1198 = arith.constant 16 : index
    %get3A_1199 = tpu.vector_load %arg5[%get3A_1197, %get3A_1198] {strides = array<i32>} : memref<10x128xi32, #tpu.memory_space<vmem>>, vector<16xi32>,
    %shift_right_arithmetic3A_1200 = arith.constant 3 : i32
    %shift_right_arithmetic3A_1201 = vector.broadcast %shift_right_arithmetic3A_1200 : i32 to vector<16xi32>
    %shift_right_arithmetic3A_1202 = arith.shrsi %get3A_1199, %shift_right_arithmetic3A_1201 : vector<16xi32>
    %mul3A_1203 = arith.constant 32768 : i32
    %mul3A_1204 = vector.broadcast %mul3A_1203 : i32 to vector<16xi32>
    %mul3A_1205 = arith.muli %shift_right_arithmetic3A_1202, %mul3A_1204 : vector<16xi32>
    %and3A_1206 = arith.constant 7 : i32
    %and3A_1207 = vector.broadcast %and3A_1206 : i32 to vector<16xi32>
    %and3A_1208 = arith.andi %get3A_1199, %and3A_1207 : vector<16xi32>
    %mul3A_1209 = arith.constant 128 : i32
    %mul3A_1210 = vector.broadcast %mul3A_1209 : i32 to vector<16xi32>
    %mul3A_1211 = arith.muli %and3A_1208, %mul3A_1210 : vector<16xi32>
    %add3A_1212 = arith.addi %mul3A_1205, %mul3A_1211 : vector<16xi32>
    %mul3A_1213 = arith.constant 1024 : i32
    %mul3A_1214 = arith.muli %add3A, %mul3A_1213 : i32
    %add3A_1215 = arith.constant 16 : i32
    %add3A_1216 = arith.addi %mul3A_1214, %add3A_1215 : i32
    %add3A_1217 = vector.broadcast %add3A_1216 : i32 to vector<16xi32>
    %add3A_1218 = arith.addi %add3A_1212, %add3A_1217 : vector<16xi32>
    %add3A_1219 = arith.addi %add3A_1218, %iota3A : vector<16xi32>
    %swap3A_1220 = arith.constant 5 : i32
    %swap3A_1221 = arith.index_cast %swap3A_1220 : i32 to index
    %swap3A_1222 = arith.constant 16 : index
    %swap3A_1223 = tpu.vector_load %arg6[%swap3A_1221, %swap3A_1222] {strides = array<i32>} : memref<10x128xi32, #tpu.memory_space<vmem>>, vector<16xi32>,
    tpu.vector_store %arg6[%swap3A_1221, %swap3A_1222], %add3A_1219 {strides = array<i32>} : memref<10x128xi32, #tpu.memory_space<vmem>>, vector<16xi32>,
    %get3A_1224 = arith.constant 5 : i32
    %get3A_1225 = arith.index_cast %get3A_1224 : i32 to index
    %get3A_1226 = arith.constant 32 : index
    %get3A_1227 = tpu.vector_load %arg5[%get3A_1225, %get3A_1226] {strides = array<i32>} : memref<10x128xi32, #tpu.memory_space<vmem>>, vector<16xi32>,
    %shift_right_arithmetic3A_1228 = arith.constant 3 : i32
    %shift_right_arithmetic3A_1229 = vector.broadcast %shift_right_arithmetic3A_1228 : i32 to vector<16xi32>
    %shift_right_arithmetic3A_1230 = arith.shrsi %get3A_1227, %shift_right_arithmetic3A_1229 : vector<16xi32>
    %mul3A_1231 = arith.constant 32768 : i32
    %mul3A_1232 = vector.broadcast %mul3A_1231 : i32 to vector<16xi32>
    %mul3A_1233 = arith.muli %shift_right_arithmetic3A_1230, %mul3A_1232 : vector<16xi32>
    %and3A_1234 = arith.constant 7 : i32
    %and3A_1235 = vector.broadcast %and3A_1234 : i32 to vector<16xi32>
    %and3A_1236 = arith.andi %get3A_1227, %and3A_1235 : vector<16xi32>
    %mul3A_1237 = arith.constant 128 : i32
    %mul3A_1238 = vector.broadcast %mul3A_1237 : i32 to vector<16xi32>
    %mul3A_1239 = arith.muli %and3A_1236, %mul3A_1238 : vector<16xi32>
    %add3A_1240 = arith.addi %mul3A_1233, %mul3A_1239 : vector<16xi32>
    %mul3A_1241 = arith.constant 1024 : i32
    %mul3A_1242 = arith.muli %add3A, %mul3A_1241 : i32
    %add3A_1243 = arith.constant 32 : i32
    %add3A_1244 = arith.addi %mul3A_1242, %add3A_1243 : i32
    %add3A_1245 = vector.broadcast %add3A_1244 : i32 to vector<16xi32>
    %add3A_1246 = arith.addi %add3A_1240, %add3A_1245 : vector<16xi32>
    %add3A_1247 = arith.addi %add3A_1246, %iota3A : vector<16xi32>
    %swap3A_1248 = arith.constant 5 : i32
    %swap3A_1249 = arith.index_cast %swap3A_1248 : i32 to index
    %swap3A_1250 = arith.constant 32 : index
    %swap3A_1251 = tpu.vector_load %arg6[%swap3A_1249, %swap3A_1250] {strides = array<i32>} : memref<10x128xi32, #tpu.memory_space<vmem>>, vector<16xi32>,
    tpu.vector_store %arg6[%swap3A_1249, %swap3A_1250], %add3A_1247 {strides = array<i32>} : memref<10x128xi32, #tpu.memory_space<vmem>>, vector<16xi32>,
    %get3A_1252 = arith.constant 5 : i32
    %get3A_1253 = arith.index_cast %get3A_1252 : i32 to index
    %get3A_1254 = arith.constant 48 : index
    %get3A_1255 = tpu.vector_load %arg5[%get3A_1253, %get3A_1254] {strides = array<i32>} : memref<10x128xi32, #tpu.memory_space<vmem>>, vector<16xi32>,
    %shift_right_arithmetic3A_1256 = arith.constant 3 : i32
    %shift_right_arithmetic3A_1257 = vector.broadcast %shift_right_arithmetic3A_1256 : i32 to vector<16xi32>
    %shift_right_arithmetic3A_1258 = arith.shrsi %get3A_1255, %shift_right_arithmetic3A_1257 : vector<16xi32>
    %mul3A_1259 = arith.constant 32768 : i32
    %mul3A_1260 = vector.broadcast %mul3A_1259 : i32 to vector<16xi32>
    %mul3A_1261 = arith.muli %shift_right_arithmetic3A_1258, %mul3A_1260 : vector<16xi32>
    %and3A_1262 = arith.constant 7 : i32
    %and3A_1263 = vector.broadcast %and3A_1262 : i32 to vector<16xi32>
    %and3A_1264 = arith.andi %get3A_1255, %and3A_1263 : vector<16xi32>
    %mul3A_1265 = arith.constant 128 : i32
    %mul3A_1266 = vector.broadcast %mul3A_1265 : i32 to vector<16xi32>
    %mul3A_1267 = arith.muli %and3A_1264, %mul3A_1266 : vector<16xi32>
    %add3A_1268 = arith.addi %mul3A_1261, %mul3A_1267 : vector<16xi32>
    %mul3A_1269 = arith.constant 1024 : i32
    %mul3A_1270 = arith.muli %add3A, %mul3A_1269 : i32
    %add3A_1271 = arith.constant 48 : i32
    %add3A_1272 = arith.addi %mul3A_1270, %add3A_1271 : i32
    %add3A_1273 = vector.broadcast %add3A_1272 : i32 to vector<16xi32>
    %add3A_1274 = arith.addi %add3A_1268, %add3A_1273 : vector<16xi32>
    %add3A_1275 = arith.addi %add3A_1274, %iota3A : vector<16xi32>
    %swap3A_1276 = arith.constant 5 : i32
    %swap3A_1277 = arith.index_cast %swap3A_1276 : i32 to index
    %swap3A_1278 = arith.constant 48 : index
    %swap3A_1279 = tpu.vector_load %arg6[%swap3A_1277, %swap3A_1278] {strides = array<i32>} : memref<10x128xi32, #tpu.memory_space<vmem>>, vector<16xi32>,
    tpu.vector_store %arg6[%swap3A_1277, %swap3A_1278], %add3A_1275 {strides = array<i32>} : memref<10x128xi32, #tpu.memory_space<vmem>>, vector<16xi32>,
    %get3A_1280 = arith.constant 5 : i32
    %get3A_1281 = arith.index_cast %get3A_1280 : i32 to index
    %get3A_1282 = arith.constant 64 : index
    %get3A_1283 = tpu.vector_load %arg5[%get3A_1281, %get3A_1282] {strides = array<i32>} : memref<10x128xi32, #tpu.memory_space<vmem>>, vector<16xi32>,
    %shift_right_arithmetic3A_1284 = arith.constant 3 : i32
    %shift_right_arithmetic3A_1285 = vector.broadcast %shift_right_arithmetic3A_1284 : i32 to vector<16xi32>
    %shift_right_arithmetic3A_1286 = arith.shrsi %get3A_1283, %shift_right_arithmetic3A_1285 : vector<16xi32>
    %mul3A_1287 = arith.constant 32768 : i32
    %mul3A_1288 = vector.broadcast %mul3A_1287 : i32 to vector<16xi32>
    %mul3A_1289 = arith.muli %shift_right_arithmetic3A_1286, %mul3A_1288 : vector<16xi32>
    %and3A_1290 = arith.constant 7 : i32
    %and3A_1291 = vector.broadcast %and3A_1290 : i32 to vector<16xi32>
    %and3A_1292 = arith.andi %get3A_1283, %and3A_1291 : vector<16xi32>
    %mul3A_1293 = arith.constant 128 : i32
    %mul3A_1294 = vector.broadcast %mul3A_1293 : i32 to vector<16xi32>
    %mul3A_1295 = arith.muli %and3A_1292, %mul3A_1294 : vector<16xi32>
    %add3A_1296 = arith.addi %mul3A_1289, %mul3A_1295 : vector<16xi32>
    %mul3A_1297 = arith.constant 1024 : i32
    %mul3A_1298 = arith.muli %add3A, %mul3A_1297 : i32
    %add3A_1299 = arith.constant 64 : i32
    %add3A_1300 = arith.addi %mul3A_1298, %add3A_1299 : i32
    %add3A_1301 = vector.broadcast %add3A_1300 : i32 to vector<16xi32>
    %add3A_1302 = arith.addi %add3A_1296, %add3A_1301 : vector<16xi32>
    %add3A_1303 = arith.addi %add3A_1302, %iota3A : vector<16xi32>
    %swap3A_1304 = arith.constant 5 : i32
    %swap3A_1305 = arith.index_cast %swap3A_1304 : i32 to index
    %swap3A_1306 = arith.constant 64 : index
    %swap3A_1307 = tpu.vector_load %arg6[%swap3A_1305, %swap3A_1306] {strides = array<i32>} : memref<10x128xi32, #tpu.memory_space<vmem>>, vector<16xi32>,
    tpu.vector_store %arg6[%swap3A_1305, %swap3A_1306], %add3A_1303 {strides = array<i32>} : memref<10x128xi32, #tpu.memory_space<vmem>>, vector<16xi32>,
    %get3A_1308 = arith.constant 5 : i32
    %get3A_1309 = arith.index_cast %get3A_1308 : i32 to index
    %get3A_1310 = arith.constant 80 : index
    %get3A_1311 = tpu.vector_load %arg5[%get3A_1309, %get3A_1310] {strides = array<i32>} : memref<10x128xi32, #tpu.memory_space<vmem>>, vector<16xi32>,
    %shift_right_arithmetic3A_1312 = arith.constant 3 : i32
    %shift_right_arithmetic3A_1313 = vector.broadcast %shift_right_arithmetic3A_1312 : i32 to vector<16xi32>
    %shift_right_arithmetic3A_1314 = arith.shrsi %get3A_1311, %shift_right_arithmetic3A_1313 : vector<16xi32>
    %mul3A_1315 = arith.constant 32768 : i32
    %mul3A_1316 = vector.broadcast %mul3A_1315 : i32 to vector<16xi32>
    %mul3A_1317 = arith.muli %shift_right_arithmetic3A_1314, %mul3A_1316 : vector<16xi32>
    %and3A_1318 = arith.constant 7 : i32
    %and3A_1319 = vector.broadcast %and3A_1318 : i32 to vector<16xi32>
    %and3A_1320 = arith.andi %get3A_1311, %and3A_1319 : vector<16xi32>
    %mul3A_1321 = arith.constant 128 : i32
    %mul3A_1322 = vector.broadcast %mul3A_1321 : i32 to vector<16xi32>
    %mul3A_1323 = arith.muli %and3A_1320, %mul3A_1322 : vector<16xi32>
    %add3A_1324 = arith.addi %mul3A_1317, %mul3A_1323 : vector<16xi32>
    %mul3A_1325 = arith.constant 1024 : i32
    %mul3A_1326 = arith.muli %add3A, %mul3A_1325 : i32
    %add3A_1327 = arith.constant 80 : i32
    %add3A_1328 = arith.addi %mul3A_1326, %add3A_1327 : i32
    %add3A_1329 = vector.broadcast %add3A_1328 : i32 to vector<16xi32>
    %add3A_1330 = arith.addi %add3A_1324, %add3A_1329 : vector<16xi32>
    %add3A_1331 = arith.addi %add3A_1330, %iota3A : vector<16xi32>
    %swap3A_1332 = arith.constant 5 : i32
    %swap3A_1333 = arith.index_cast %swap3A_1332 : i32 to index
    %swap3A_1334 = arith.constant 80 : index
    %swap3A_1335 = tpu.vector_load %arg6[%swap3A_1333, %swap3A_1334] {strides = array<i32>} : memref<10x128xi32, #tpu.memory_space<vmem>>, vector<16xi32>,
    tpu.vector_store %arg6[%swap3A_1333, %swap3A_1334], %add3A_1331 {strides = array<i32>} : memref<10x128xi32, #tpu.memory_space<vmem>>, vector<16xi32>,
    %get3A_1336 = arith.constant 5 : i32
    %get3A_1337 = arith.index_cast %get3A_1336 : i32 to index
    %get3A_1338 = arith.constant 96 : index
    %get3A_1339 = tpu.vector_load %arg5[%get3A_1337, %get3A_1338] {strides = array<i32>} : memref<10x128xi32, #tpu.memory_space<vmem>>, vector<16xi32>,
    %shift_right_arithmetic3A_1340 = arith.constant 3 : i32
    %shift_right_arithmetic3A_1341 = vector.broadcast %shift_right_arithmetic3A_1340 : i32 to vector<16xi32>
    %shift_right_arithmetic3A_1342 = arith.shrsi %get3A_1339, %shift_right_arithmetic3A_1341 : vector<16xi32>
    %mul3A_1343 = arith.constant 32768 : i32
    %mul3A_1344 = vector.broadcast %mul3A_1343 : i32 to vector<16xi32>
    %mul3A_1345 = arith.muli %shift_right_arithmetic3A_1342, %mul3A_1344 : vector<16xi32>
    %and3A_1346 = arith.constant 7 : i32
    %and3A_1347 = vector.broadcast %and3A_1346 : i32 to vector<16xi32>
    %and3A_1348 = arith.andi %get3A_1339, %and3A_1347 : vector<16xi32>
    %mul3A_1349 = arith.constant 128 : i32
    %mul3A_1350 = vector.broadcast %mul3A_1349 : i32 to vector<16xi32>
    %mul3A_1351 = arith.muli %and3A_1348, %mul3A_1350 : vector<16xi32>
    %add3A_1352 = arith.addi %mul3A_1345, %mul3A_1351 : vector<16xi32>
    %mul3A_1353 = arith.constant 1024 : i32
    %mul3A_1354 = arith.muli %add3A, %mul3A_1353 : i32
    %add3A_1355 = arith.constant 96 : i32
    %add3A_1356 = arith.addi %mul3A_1354, %add3A_1355 : i32
    %add3A_1357 = vector.broadcast %add3A_1356 : i32 to vector<16xi32>
    %add3A_1358 = arith.addi %add3A_1352, %add3A_1357 : vector<16xi32>
    %add3A_1359 = arith.addi %add3A_1358, %iota3A : vector<16xi32>
    %swap3A_1360 = arith.constant 5 : i32
    %swap3A_1361 = arith.index_cast %swap3A_1360 : i32 to index
    %swap3A_1362 = arith.constant 96 : index
    %swap3A_1363 = tpu.vector_load %arg6[%swap3A_1361, %swap3A_1362] {strides = array<i32>} : memref<10x128xi32, #tpu.memory_space<vmem>>, vector<16xi32>,
    tpu.vector_store %arg6[%swap3A_1361, %swap3A_1362], %add3A_1359 {strides = array<i32>} : memref<10x128xi32, #tpu.memory_space<vmem>>, vector<16xi32>,
    %get3A_1364 = arith.constant 5 : i32
    %get3A_1365 = arith.index_cast %get3A_1364 : i32 to index
    %get3A_1366 = arith.constant 112 : index
    %get3A_1367 = tpu.vector_load %arg5[%get3A_1365, %get3A_1366] {strides = array<i32>} : memref<10x128xi32, #tpu.memory_space<vmem>>, vector<16xi32>,
    %shift_right_arithmetic3A_1368 = arith.constant 3 : i32
    %shift_right_arithmetic3A_1369 = vector.broadcast %shift_right_arithmetic3A_1368 : i32 to vector<16xi32>
    %shift_right_arithmetic3A_1370 = arith.shrsi %get3A_1367, %shift_right_arithmetic3A_1369 : vector<16xi32>
    %mul3A_1371 = arith.constant 32768 : i32
    %mul3A_1372 = vector.broadcast %mul3A_1371 : i32 to vector<16xi32>
    %mul3A_1373 = arith.muli %shift_right_arithmetic3A_1370, %mul3A_1372 : vector<16xi32>
    %and3A_1374 = arith.constant 7 : i32
    %and3A_1375 = vector.broadcast %and3A_1374 : i32 to vector<16xi32>
    %and3A_1376 = arith.andi %get3A_1367, %and3A_1375 : vector<16xi32>
    %mul3A_1377 = arith.constant 128 : i32
    %mul3A_1378 = vector.broadcast %mul3A_1377 : i32 to vector<16xi32>
    %mul3A_1379 = arith.muli %and3A_1376, %mul3A_1378 : vector<16xi32>
    %add3A_1380 = arith.addi %mul3A_1373, %mul3A_1379 : vector<16xi32>
    %mul3A_1381 = arith.constant 1024 : i32
    %mul3A_1382 = arith.muli %add3A, %mul3A_1381 : i32
    %add3A_1383 = arith.constant 112 : i32
    %add3A_1384 = arith.addi %mul3A_1382, %add3A_1383 : i32
    %add3A_1385 = vector.broadcast %add3A_1384 : i32 to vector<16xi32>
    %add3A_1386 = arith.addi %add3A_1380, %add3A_1385 : vector<16xi32>
    %add3A_1387 = arith.addi %add3A_1386, %iota3A : vector<16xi32>
    %swap3A_1388 = arith.constant 5 : i32
    %swap3A_1389 = arith.index_cast %swap3A_1388 : i32 to index
    %swap3A_1390 = arith.constant 112 : index
    %swap3A_1391 = tpu.vector_load %arg6[%swap3A_1389, %swap3A_1390] {strides = array<i32>} : memref<10x128xi32, #tpu.memory_space<vmem>>, vector<16xi32>,
    tpu.vector_store %arg6[%swap3A_1389, %swap3A_1390], %add3A_1387 {strides = array<i32>} : memref<10x128xi32, #tpu.memory_space<vmem>>, vector<16xi32>,
    %dma_start3A_1392 = arith.constant 5 : i32
    %dma_start3A_1393 = arith.constant 5 : i32
    %dma_start3A_1394 = arith.constant 0 : i32
    %dma_start3A_1395 = tpu.memref_slice %arg7[%dma_start3A_1393, %dma_start3A_1394] : memref<10x128xf32, #tpu.memory_space<vmem>> -> memref<1x128xf32, #tpu.memory_space<vmem>>
    %dma_start3A_1396 = tpu.memref_squeeze %dma_start3A_1395 : memref<1x128xf32, #tpu.memory_space<vmem>> -> memref<128xf32, #tpu.memory_space<vmem>>
    %dma_start3A_1397 = arith.constant 0 : i32
    %dma_start3A_1398 = tpu.memref_slice %arg6[%dma_start3A_1392, %dma_start3A_1397] : memref<10x128xi32, #tpu.memory_space<vmem>> -> memref<1x128xi32, #tpu.memory_space<vmem>>
    %dma_start3A_1399 = tpu.memref_squeeze %dma_start3A_1398 : memref<1x128xi32, #tpu.memory_space<vmem>> -> memref<128xi32, #tpu.memory_space<vmem>>
    %dma_start3A_1400 = arith.constant 0 : i32
    %dma_start3A_1401 = tpu.memref_slice %arg2[%dma_start3A_1400] : memref<4096000xf32, #tpu.memory_space<hbm>> -> memref<4096000xf32, #tpu.memory_space<hbm>>
    tpu.enqueue_indirect_dma source(%dma_start3A_1401 : memref<4096000xf32, #tpu.memory_space<hbm>>) target(%dma_start3A_1396 : memref<128xf32, #tpu.memory_space<vmem>>) offsets(%dma_start3A_1399 : memref<128xi32, #tpu.memory_space<vmem>>) semaphore(%arg9 : memref<!tpu.dma_semaphore, #tpu.memory_space<semaphore_mem>>)
    %get3A_1402 = arith.constant 6 : i32
    %get3A_1403 = arith.index_cast %get3A_1402 : i32 to index
    %get3A_1404 = arith.constant 0 : index
    %get3A_1405 = tpu.vector_load %arg5[%get3A_1403, %get3A_1404] {strides = array<i32>} : memref<10x128xi32, #tpu.memory_space<vmem>>, vector<16xi32>,
    %shift_right_arithmetic3A_1406 = arith.constant 3 : i32
    %shift_right_arithmetic3A_1407 = vector.broadcast %shift_right_arithmetic3A_1406 : i32 to vector<16xi32>
    %shift_right_arithmetic3A_1408 = arith.shrsi %get3A_1405, %shift_right_arithmetic3A_1407 : vector<16xi32>
    %mul3A_1409 = arith.constant 32768 : i32
    %mul3A_1410 = vector.broadcast %mul3A_1409 : i32 to vector<16xi32>
    %mul3A_1411 = arith.muli %shift_right_arithmetic3A_1408, %mul3A_1410 : vector<16xi32>
    %and3A_1412 = arith.constant 7 : i32
    %and3A_1413 = vector.broadcast %and3A_1412 : i32 to vector<16xi32>
    %and3A_1414 = arith.andi %get3A_1405, %and3A_1413 : vector<16xi32>
    %mul3A_1415 = arith.constant 128 : i32
    %mul3A_1416 = vector.broadcast %mul3A_1415 : i32 to vector<16xi32>
    %mul3A_1417 = arith.muli %and3A_1414, %mul3A_1416 : vector<16xi32>
    %add3A_1418 = arith.addi %mul3A_1411, %mul3A_1417 : vector<16xi32>
    %mul3A_1419 = arith.constant 1024 : i32
    %mul3A_1420 = arith.muli %add3A, %mul3A_1419 : i32
    %add3A_1421 = arith.constant 0 : i32
    %add3A_1422 = arith.addi %mul3A_1420, %add3A_1421 : i32
    %add3A_1423 = vector.broadcast %add3A_1422 : i32 to vector<16xi32>
    %add3A_1424 = arith.addi %add3A_1418, %add3A_1423 : vector<16xi32>
    %add3A_1425 = arith.addi %add3A_1424, %iota3A : vector<16xi32>
    %swap3A_1426 = arith.constant 6 : i32
    %swap3A_1427 = arith.index_cast %swap3A_1426 : i32 to index
    %swap3A_1428 = arith.constant 0 : index
    %swap3A_1429 = tpu.vector_load %arg6[%swap3A_1427, %swap3A_1428] {strides = array<i32>} : memref<10x128xi32, #tpu.memory_space<vmem>>, vector<16xi32>,
    tpu.vector_store %arg6[%swap3A_1427, %swap3A_1428], %add3A_1425 {strides = array<i32>} : memref<10x128xi32, #tpu.memory_space<vmem>>, vector<16xi32>,
    %get3A_1430 = arith.constant 6 : i32
    %get3A_1431 = arith.index_cast %get3A_1430 : i32 to index
    %get3A_1432 = arith.constant 16 : index
    %get3A_1433 = tpu.vector_load %arg5[%get3A_1431, %get3A_1432] {strides = array<i32>} : memref<10x128xi32, #tpu.memory_space<vmem>>, vector<16xi32>,
    %shift_right_arithmetic3A_1434 = arith.constant 3 : i32
    %shift_right_arithmetic3A_1435 = vector.broadcast %shift_right_arithmetic3A_1434 : i32 to vector<16xi32>
    %shift_right_arithmetic3A_1436 = arith.shrsi %get3A_1433, %shift_right_arithmetic3A_1435 : vector<16xi32>
    %mul3A_1437 = arith.constant 32768 : i32
    %mul3A_1438 = vector.broadcast %mul3A_1437 : i32 to vector<16xi32>
    %mul3A_1439 = arith.muli %shift_right_arithmetic3A_1436, %mul3A_1438 : vector<16xi32>
    %and3A_1440 = arith.constant 7 : i32
    %and3A_1441 = vector.broadcast %and3A_1440 : i32 to vector<16xi32>
    %and3A_1442 = arith.andi %get3A_1433, %and3A_1441 : vector<16xi32>
    %mul3A_1443 = arith.constant 128 : i32
    %mul3A_1444 = vector.broadcast %mul3A_1443 : i32 to vector<16xi32>
    %mul3A_1445 = arith.muli %and3A_1442, %mul3A_1444 : vector<16xi32>
    %add3A_1446 = arith.addi %mul3A_1439, %mul3A_1445 : vector<16xi32>
    %mul3A_1447 = arith.constant 1024 : i32
    %mul3A_1448 = arith.muli %add3A, %mul3A_1447 : i32
    %add3A_1449 = arith.constant 16 : i32
    %add3A_1450 = arith.addi %mul3A_1448, %add3A_1449 : i32
    %add3A_1451 = vector.broadcast %add3A_1450 : i32 to vector<16xi32>
    %add3A_1452 = arith.addi %add3A_1446, %add3A_1451 : vector<16xi32>
    %add3A_1453 = arith.addi %add3A_1452, %iota3A : vector<16xi32>
    %swap3A_1454 = arith.constant 6 : i32
    %swap3A_1455 = arith.index_cast %swap3A_1454 : i32 to index
    %swap3A_1456 = arith.constant 16 : index
    %swap3A_1457 = tpu.vector_load %arg6[%swap3A_1455, %swap3A_1456] {strides = array<i32>} : memref<10x128xi32, #tpu.memory_space<vmem>>, vector<16xi32>,
    tpu.vector_store %arg6[%swap3A_1455, %swap3A_1456], %add3A_1453 {strides = array<i32>} : memref<10x128xi32, #tpu.memory_space<vmem>>, vector<16xi32>,
    %get3A_1458 = arith.constant 6 : i32
    %get3A_1459 = arith.index_cast %get3A_1458 : i32 to index
    %get3A_1460 = arith.constant 32 : index
    %get3A_1461 = tpu.vector_load %arg5[%get3A_1459, %get3A_1460] {strides = array<i32>} : memref<10x128xi32, #tpu.memory_space<vmem>>, vector<16xi32>,
    %shift_right_arithmetic3A_1462 = arith.constant 3 : i32
    %shift_right_arithmetic3A_1463 = vector.broadcast %shift_right_arithmetic3A_1462 : i32 to vector<16xi32>
    %shift_right_arithmetic3A_1464 = arith.shrsi %get3A_1461, %shift_right_arithmetic3A_1463 : vector<16xi32>
    %mul3A_1465 = arith.constant 32768 : i32
    %mul3A_1466 = vector.broadcast %mul3A_1465 : i32 to vector<16xi32>
    %mul3A_1467 = arith.muli %shift_right_arithmetic3A_1464, %mul3A_1466 : vector<16xi32>
    %and3A_1468 = arith.constant 7 : i32
    %and3A_1469 = vector.broadcast %and3A_1468 : i32 to vector<16xi32>
    %and3A_1470 = arith.andi %get3A_1461, %and3A_1469 : vector<16xi32>
    %mul3A_1471 = arith.constant 128 : i32
    %mul3A_1472 = vector.broadcast %mul3A_1471 : i32 to vector<16xi32>
    %mul3A_1473 = arith.muli %and3A_1470, %mul3A_1472 : vector<16xi32>
    %add3A_1474 = arith.addi %mul3A_1467, %mul3A_1473 : vector<16xi32>
    %mul3A_1475 = arith.constant 1024 : i32
    %mul3A_1476 = arith.muli %add3A, %mul3A_1475 : i32
    %add3A_1477 = arith.constant 32 : i32
    %add3A_1478 = arith.addi %mul3A_1476, %add3A_1477 : i32
    %add3A_1479 = vector.broadcast %add3A_1478 : i32 to vector<16xi32>
    %add3A_1480 = arith.addi %add3A_1474, %add3A_1479 : vector<16xi32>
    %add3A_1481 = arith.addi %add3A_1480, %iota3A : vector<16xi32>
    %swap3A_1482 = arith.constant 6 : i32
    %swap3A_1483 = arith.index_cast %swap3A_1482 : i32 to index
    %swap3A_1484 = arith.constant 32 : index
    %swap3A_1485 = tpu.vector_load %arg6[%swap3A_1483, %swap3A_1484] {strides = array<i32>} : memref<10x128xi32, #tpu.memory_space<vmem>>, vector<16xi32>,
    tpu.vector_store %arg6[%swap3A_1483, %swap3A_1484], %add3A_1481 {strides = array<i32>} : memref<10x128xi32, #tpu.memory_space<vmem>>, vector<16xi32>,
    %get3A_1486 = arith.constant 6 : i32
    %get3A_1487 = arith.index_cast %get3A_1486 : i32 to index
    %get3A_1488 = arith.constant 48 : index
    %get3A_1489 = tpu.vector_load %arg5[%get3A_1487, %get3A_1488] {strides = array<i32>} : memref<10x128xi32, #tpu.memory_space<vmem>>, vector<16xi32>,
    %shift_right_arithmetic3A_1490 = arith.constant 3 : i32
    %shift_right_arithmetic3A_1491 = vector.broadcast %shift_right_arithmetic3A_1490 : i32 to vector<16xi32>
    %shift_right_arithmetic3A_1492 = arith.shrsi %get3A_1489, %shift_right_arithmetic3A_1491 : vector<16xi32>
    %mul3A_1493 = arith.constant 32768 : i32
    %mul3A_1494 = vector.broadcast %mul3A_1493 : i32 to vector<16xi32>
    %mul3A_1495 = arith.muli %shift_right_arithmetic3A_1492, %mul3A_1494 : vector<16xi32>
    %and3A_1496 = arith.constant 7 : i32
    %and3A_1497 = vector.broadcast %and3A_1496 : i32 to vector<16xi32>
    %and3A_1498 = arith.andi %get3A_1489, %and3A_1497 : vector<16xi32>
    %mul3A_1499 = arith.constant 128 : i32
    %mul3A_1500 = vector.broadcast %mul3A_1499 : i32 to vector<16xi32>
    %mul3A_1501 = arith.muli %and3A_1498, %mul3A_1500 : vector<16xi32>
    %add3A_1502 = arith.addi %mul3A_1495, %mul3A_1501 : vector<16xi32>
    %mul3A_1503 = arith.constant 1024 : i32
    %mul3A_1504 = arith.muli %add3A, %mul3A_1503 : i32
    %add3A_1505 = arith.constant 48 : i32
    %add3A_1506 = arith.addi %mul3A_1504, %add3A_1505 : i32
    %add3A_1507 = vector.broadcast %add3A_1506 : i32 to vector<16xi32>
    %add3A_1508 = arith.addi %add3A_1502, %add3A_1507 : vector<16xi32>
    %add3A_1509 = arith.addi %add3A_1508, %iota3A : vector<16xi32>
    %swap3A_1510 = arith.constant 6 : i32
    %swap3A_1511 = arith.index_cast %swap3A_1510 : i32 to index
    %swap3A_1512 = arith.constant 48 : index
    %swap3A_1513 = tpu.vector_load %arg6[%swap3A_1511, %swap3A_1512] {strides = array<i32>} : memref<10x128xi32, #tpu.memory_space<vmem>>, vector<16xi32>,
    tpu.vector_store %arg6[%swap3A_1511, %swap3A_1512], %add3A_1509 {strides = array<i32>} : memref<10x128xi32, #tpu.memory_space<vmem>>, vector<16xi32>,
    %get3A_1514 = arith.constant 6 : i32
    %get3A_1515 = arith.index_cast %get3A_1514 : i32 to index
    %get3A_1516 = arith.constant 64 : index
    %get3A_1517 = tpu.vector_load %arg5[%get3A_1515, %get3A_1516] {strides = array<i32>} : memref<10x128xi32, #tpu.memory_space<vmem>>, vector<16xi32>,
    %shift_right_arithmetic3A_1518 = arith.constant 3 : i32
    %shift_right_arithmetic3A_1519 = vector.broadcast %shift_right_arithmetic3A_1518 : i32 to vector<16xi32>
    %shift_right_arithmetic3A_1520 = arith.shrsi %get3A_1517, %shift_right_arithmetic3A_1519 : vector<16xi32>
    %mul3A_1521 = arith.constant 32768 : i32
    %mul3A_1522 = vector.broadcast %mul3A_1521 : i32 to vector<16xi32>
    %mul3A_1523 = arith.muli %shift_right_arithmetic3A_1520, %mul3A_1522 : vector<16xi32>
    %and3A_1524 = arith.constant 7 : i32
    %and3A_1525 = vector.broadcast %and3A_1524 : i32 to vector<16xi32>
    %and3A_1526 = arith.andi %get3A_1517, %and3A_1525 : vector<16xi32>
    %mul3A_1527 = arith.constant 128 : i32
    %mul3A_1528 = vector.broadcast %mul3A_1527 : i32 to vector<16xi32>
    %mul3A_1529 = arith.muli %and3A_1526, %mul3A_1528 : vector<16xi32>
    %add3A_1530 = arith.addi %mul3A_1523, %mul3A_1529 : vector<16xi32>
    %mul3A_1531 = arith.constant 1024 : i32
    %mul3A_1532 = arith.muli %add3A, %mul3A_1531 : i32
    %add3A_1533 = arith.constant 64 : i32
    %add3A_1534 = arith.addi %mul3A_1532, %add3A_1533 : i32
    %add3A_1535 = vector.broadcast %add3A_1534 : i32 to vector<16xi32>
    %add3A_1536 = arith.addi %add3A_1530, %add3A_1535 : vector<16xi32>
    %add3A_1537 = arith.addi %add3A_1536, %iota3A : vector<16xi32>
    %swap3A_1538 = arith.constant 6 : i32
    %swap3A_1539 = arith.index_cast %swap3A_1538 : i32 to index
    %swap3A_1540 = arith.constant 64 : index
    %swap3A_1541 = tpu.vector_load %arg6[%swap3A_1539, %swap3A_1540] {strides = array<i32>} : memref<10x128xi32, #tpu.memory_space<vmem>>, vector<16xi32>,
    tpu.vector_store %arg6[%swap3A_1539, %swap3A_1540], %add3A_1537 {strides = array<i32>} : memref<10x128xi32, #tpu.memory_space<vmem>>, vector<16xi32>,
    %get3A_1542 = arith.constant 6 : i32
    %get3A_1543 = arith.index_cast %get3A_1542 : i32 to index
    %get3A_1544 = arith.constant 80 : index
    %get3A_1545 = tpu.vector_load %arg5[%get3A_1543, %get3A_1544] {strides = array<i32>} : memref<10x128xi32, #tpu.memory_space<vmem>>, vector<16xi32>,
    %shift_right_arithmetic3A_1546 = arith.constant 3 : i32
    %shift_right_arithmetic3A_1547 = vector.broadcast %shift_right_arithmetic3A_1546 : i32 to vector<16xi32>
    %shift_right_arithmetic3A_1548 = arith.shrsi %get3A_1545, %shift_right_arithmetic3A_1547 : vector<16xi32>
    %mul3A_1549 = arith.constant 32768 : i32
    %mul3A_1550 = vector.broadcast %mul3A_1549 : i32 to vector<16xi32>
    %mul3A_1551 = arith.muli %shift_right_arithmetic3A_1548, %mul3A_1550 : vector<16xi32>
    %and3A_1552 = arith.constant 7 : i32
    %and3A_1553 = vector.broadcast %and3A_1552 : i32 to vector<16xi32>
    %and3A_1554 = arith.andi %get3A_1545, %and3A_1553 : vector<16xi32>
    %mul3A_1555 = arith.constant 128 : i32
    %mul3A_1556 = vector.broadcast %mul3A_1555 : i32 to vector<16xi32>
    %mul3A_1557 = arith.muli %and3A_1554, %mul3A_1556 : vector<16xi32>
    %add3A_1558 = arith.addi %mul3A_1551, %mul3A_1557 : vector<16xi32>
    %mul3A_1559 = arith.constant 1024 : i32
    %mul3A_1560 = arith.muli %add3A, %mul3A_1559 : i32
    %add3A_1561 = arith.constant 80 : i32
    %add3A_1562 = arith.addi %mul3A_1560, %add3A_1561 : i32
    %add3A_1563 = vector.broadcast %add3A_1562 : i32 to vector<16xi32>
    %add3A_1564 = arith.addi %add3A_1558, %add3A_1563 : vector<16xi32>
    %add3A_1565 = arith.addi %add3A_1564, %iota3A : vector<16xi32>
    %swap3A_1566 = arith.constant 6 : i32
    %swap3A_1567 = arith.index_cast %swap3A_1566 : i32 to index
    %swap3A_1568 = arith.constant 80 : index
    %swap3A_1569 = tpu.vector_load %arg6[%swap3A_1567, %swap3A_1568] {strides = array<i32>} : memref<10x128xi32, #tpu.memory_space<vmem>>, vector<16xi32>,
    tpu.vector_store %arg6[%swap3A_1567, %swap3A_1568], %add3A_1565 {strides = array<i32>} : memref<10x128xi32, #tpu.memory_space<vmem>>, vector<16xi32>,
    %get3A_1570 = arith.constant 6 : i32
    %get3A_1571 = arith.index_cast %get3A_1570 : i32 to index
    %get3A_1572 = arith.constant 96 : index
    %get3A_1573 = tpu.vector_load %arg5[%get3A_1571, %get3A_1572] {strides = array<i32>} : memref<10x128xi32, #tpu.memory_space<vmem>>, vector<16xi32>,
    %shift_right_arithmetic3A_1574 = arith.constant 3 : i32
    %shift_right_arithmetic3A_1575 = vector.broadcast %shift_right_arithmetic3A_1574 : i32 to vector<16xi32>
    %shift_right_arithmetic3A_1576 = arith.shrsi %get3A_1573, %shift_right_arithmetic3A_1575 : vector<16xi32>
    %mul3A_1577 = arith.constant 32768 : i32
    %mul3A_1578 = vector.broadcast %mul3A_1577 : i32 to vector<16xi32>
    %mul3A_1579 = arith.muli %shift_right_arithmetic3A_1576, %mul3A_1578 : vector<16xi32>
    %and3A_1580 = arith.constant 7 : i32
    %and3A_1581 = vector.broadcast %and3A_1580 : i32 to vector<16xi32>
    %and3A_1582 = arith.andi %get3A_1573, %and3A_1581 : vector<16xi32>
    %mul3A_1583 = arith.constant 128 : i32
    %mul3A_1584 = vector.broadcast %mul3A_1583 : i32 to vector<16xi32>
    %mul3A_1585 = arith.muli %and3A_1582, %mul3A_1584 : vector<16xi32>
    %add3A_1586 = arith.addi %mul3A_1579, %mul3A_1585 : vector<16xi32>
    %mul3A_1587 = arith.constant 1024 : i32
    %mul3A_1588 = arith.muli %add3A, %mul3A_1587 : i32
    %add3A_1589 = arith.constant 96 : i32
    %add3A_1590 = arith.addi %mul3A_1588, %add3A_1589 : i32
    %add3A_1591 = vector.broadcast %add3A_1590 : i32 to vector<16xi32>
    %add3A_1592 = arith.addi %add3A_1586, %add3A_1591 : vector<16xi32>
    %add3A_1593 = arith.addi %add3A_1592, %iota3A : vector<16xi32>
    %swap3A_1594 = arith.constant 6 : i32
    %swap3A_1595 = arith.index_cast %swap3A_1594 : i32 to index
    %swap3A_1596 = arith.constant 96 : index
    %swap3A_1597 = tpu.vector_load %arg6[%swap3A_1595, %swap3A_1596] {strides = array<i32>} : memref<10x128xi32, #tpu.memory_space<vmem>>, vector<16xi32>,
    tpu.vector_store %arg6[%swap3A_1595, %swap3A_1596], %add3A_1593 {strides = array<i32>} : memref<10x128xi32, #tpu.memory_space<vmem>>, vector<16xi32>,
    %get3A_1598 = arith.constant 6 : i32
    %get3A_1599 = arith.index_cast %get3A_1598 : i32 to index
    %get3A_1600 = arith.constant 112 : index
    %get3A_1601 = tpu.vector_load %arg5[%get3A_1599, %get3A_1600] {strides = array<i32>} : memref<10x128xi32, #tpu.memory_space<vmem>>, vector<16xi32>,
    %shift_right_arithmetic3A_1602 = arith.constant 3 : i32
    %shift_right_arithmetic3A_1603 = vector.broadcast %shift_right_arithmetic3A_1602 : i32 to vector<16xi32>
    %shift_right_arithmetic3A_1604 = arith.shrsi %get3A_1601, %shift_right_arithmetic3A_1603 : vector<16xi32>
    %mul3A_1605 = arith.constant 32768 : i32
    %mul3A_1606 = vector.broadcast %mul3A_1605 : i32 to vector<16xi32>
    %mul3A_1607 = arith.muli %shift_right_arithmetic3A_1604, %mul3A_1606 : vector<16xi32>
    %and3A_1608 = arith.constant 7 : i32
    %and3A_1609 = vector.broadcast %and3A_1608 : i32 to vector<16xi32>
    %and3A_1610 = arith.andi %get3A_1601, %and3A_1609 : vector<16xi32>
    %mul3A_1611 = arith.constant 128 : i32
    %mul3A_1612 = vector.broadcast %mul3A_1611 : i32 to vector<16xi32>
    %mul3A_1613 = arith.muli %and3A_1610, %mul3A_1612 : vector<16xi32>
    %add3A_1614 = arith.addi %mul3A_1607, %mul3A_1613 : vector<16xi32>
    %mul3A_1615 = arith.constant 1024 : i32
    %mul3A_1616 = arith.muli %add3A, %mul3A_1615 : i32
    %add3A_1617 = arith.constant 112 : i32
    %add3A_1618 = arith.addi %mul3A_1616, %add3A_1617 : i32
    %add3A_1619 = vector.broadcast %add3A_1618 : i32 to vector<16xi32>
    %add3A_1620 = arith.addi %add3A_1614, %add3A_1619 : vector<16xi32>
    %add3A_1621 = arith.addi %add3A_1620, %iota3A : vector<16xi32>
    %swap3A_1622 = arith.constant 6 : i32
    %swap3A_1623 = arith.index_cast %swap3A_1622 : i32 to index
    %swap3A_1624 = arith.constant 112 : index
    %swap3A_1625 = tpu.vector_load %arg6[%swap3A_1623, %swap3A_1624] {strides = array<i32>} : memref<10x128xi32, #tpu.memory_space<vmem>>, vector<16xi32>,
    tpu.vector_store %arg6[%swap3A_1623, %swap3A_1624], %add3A_1621 {strides = array<i32>} : memref<10x128xi32, #tpu.memory_space<vmem>>, vector<16xi32>,
    %dma_start3A_1626 = arith.constant 6 : i32
    %dma_start3A_1627 = arith.constant 6 : i32
    %dma_start3A_1628 = arith.constant 0 : i32
    %dma_start3A_1629 = tpu.memref_slice %arg7[%dma_start3A_1627, %dma_start3A_1628] : memref<10x128xf32, #tpu.memory_space<vmem>> -> memref<1x128xf32, #tpu.memory_space<vmem>>
    %dma_start3A_1630 = tpu.memref_squeeze %dma_start3A_1629 : memref<1x128xf32, #tpu.memory_space<vmem>> -> memref<128xf32, #tpu.memory_space<vmem>>
    %dma_start3A_1631 = arith.constant 0 : i32
    %dma_start3A_1632 = tpu.memref_slice %arg6[%dma_start3A_1626, %dma_start3A_1631] : memref<10x128xi32, #tpu.memory_space<vmem>> -> memref<1x128xi32, #tpu.memory_space<vmem>>
    %dma_start3A_1633 = tpu.memref_squeeze %dma_start3A_1632 : memref<1x128xi32, #tpu.memory_space<vmem>> -> memref<128xi32, #tpu.memory_space<vmem>>
    %dma_start3A_1634 = arith.constant 0 : i32
    %dma_start3A_1635 = tpu.memref_slice %arg2[%dma_start3A_1634] : memref<4096000xf32, #tpu.memory_space<hbm>> -> memref<4096000xf32, #tpu.memory_space<hbm>>
    tpu.enqueue_indirect_dma source(%dma_start3A_1635 : memref<4096000xf32, #tpu.memory_space<hbm>>) target(%dma_start3A_1630 : memref<128xf32, #tpu.memory_space<vmem>>) offsets(%dma_start3A_1633 : memref<128xi32, #tpu.memory_space<vmem>>) semaphore(%arg9 : memref<!tpu.dma_semaphore, #tpu.memory_space<semaphore_mem>>)
    %get3A_1636 = arith.constant 7 : i32
    %get3A_1637 = arith.index_cast %get3A_1636 : i32 to index
    %get3A_1638 = arith.constant 0 : index
    %get3A_1639 = tpu.vector_load %arg5[%get3A_1637, %get3A_1638] {strides = array<i32>} : memref<10x128xi32, #tpu.memory_space<vmem>>, vector<16xi32>,
    %shift_right_arithmetic3A_1640 = arith.constant 3 : i32
    %shift_right_arithmetic3A_1641 = vector.broadcast %shift_right_arithmetic3A_1640 : i32 to vector<16xi32>
    %shift_right_arithmetic3A_1642 = arith.shrsi %get3A_1639, %shift_right_arithmetic3A_1641 : vector<16xi32>
    %mul3A_1643 = arith.constant 32768 : i32
    %mul3A_1644 = vector.broadcast %mul3A_1643 : i32 to vector<16xi32>
    %mul3A_1645 = arith.muli %shift_right_arithmetic3A_1642, %mul3A_1644 : vector<16xi32>
    %and3A_1646 = arith.constant 7 : i32
    %and3A_1647 = vector.broadcast %and3A_1646 : i32 to vector<16xi32>
    %and3A_1648 = arith.andi %get3A_1639, %and3A_1647 : vector<16xi32>
    %mul3A_1649 = arith.constant 128 : i32
    %mul3A_1650 = vector.broadcast %mul3A_1649 : i32 to vector<16xi32>
    %mul3A_1651 = arith.muli %and3A_1648, %mul3A_1650 : vector<16xi32>
    %add3A_1652 = arith.addi %mul3A_1645, %mul3A_1651 : vector<16xi32>
    %mul3A_1653 = arith.constant 1024 : i32
    %mul3A_1654 = arith.muli %add3A, %mul3A_1653 : i32
    %add3A_1655 = arith.constant 0 : i32
    %add3A_1656 = arith.addi %mul3A_1654, %add3A_1655 : i32
    %add3A_1657 = vector.broadcast %add3A_1656 : i32 to vector<16xi32>
    %add3A_1658 = arith.addi %add3A_1652, %add3A_1657 : vector<16xi32>
    %add3A_1659 = arith.addi %add3A_1658, %iota3A : vector<16xi32>
    %swap3A_1660 = arith.constant 7 : i32
    %swap3A_1661 = arith.index_cast %swap3A_1660 : i32 to index
    %swap3A_1662 = arith.constant 0 : index
    %swap3A_1663 = tpu.vector_load %arg6[%swap3A_1661, %swap3A_1662] {strides = array<i32>} : memref<10x128xi32, #tpu.memory_space<vmem>>, vector<16xi32>,
    tpu.vector_store %arg6[%swap3A_1661, %swap3A_1662], %add3A_1659 {strides = array<i32>} : memref<10x128xi32, #tpu.memory_space<vmem>>, vector<16xi32>,
    %get3A_1664 = arith.constant 7 : i32
    %get3A_1665 = arith.index_cast %get3A_1664 : i32 to index
    %get3A_1666 = arith.constant 16 : index
    %get3A_1667 = tpu.vector_load %arg5[%get3A_1665, %get3A_1666] {strides = array<i32>} : memref<10x128xi32, #tpu.memory_space<vmem>>, vector<16xi32>,
    %shift_right_arithmetic3A_1668 = arith.constant 3 : i32
    %shift_right_arithmetic3A_1669 = vector.broadcast %shift_right_arithmetic3A_1668 : i32 to vector<16xi32>
    %shift_right_arithmetic3A_1670 = arith.shrsi %get3A_1667, %shift_right_arithmetic3A_1669 : vector<16xi32>
    %mul3A_1671 = arith.constant 32768 : i32
    %mul3A_1672 = vector.broadcast %mul3A_1671 : i32 to vector<16xi32>
    %mul3A_1673 = arith.muli %shift_right_arithmetic3A_1670, %mul3A_1672 : vector<16xi32>
    %and3A_1674 = arith.constant 7 : i32
    %and3A_1675 = vector.broadcast %and3A_1674 : i32 to vector<16xi32>
    %and3A_1676 = arith.andi %get3A_1667, %and3A_1675 : vector<16xi32>
    %mul3A_1677 = arith.constant 128 : i32
    %mul3A_1678 = vector.broadcast %mul3A_1677 : i32 to vector<16xi32>
    %mul3A_1679 = arith.muli %and3A_1676, %mul3A_1678 : vector<16xi32>
    %add3A_1680 = arith.addi %mul3A_1673, %mul3A_1679 : vector<16xi32>
    %mul3A_1681 = arith.constant 1024 : i32
    %mul3A_1682 = arith.muli %add3A, %mul3A_1681 : i32
    %add3A_1683 = arith.constant 16 : i32
    %add3A_1684 = arith.addi %mul3A_1682, %add3A_1683 : i32
    %add3A_1685 = vector.broadcast %add3A_1684 : i32 to vector<16xi32>
    %add3A_1686 = arith.addi %add3A_1680, %add3A_1685 : vector<16xi32>
    %add3A_1687 = arith.addi %add3A_1686, %iota3A : vector<16xi32>
    %swap3A_1688 = arith.constant 7 : i32
    %swap3A_1689 = arith.index_cast %swap3A_1688 : i32 to index
    %swap3A_1690 = arith.constant 16 : index
    %swap3A_1691 = tpu.vector_load %arg6[%swap3A_1689, %swap3A_1690] {strides = array<i32>} : memref<10x128xi32, #tpu.memory_space<vmem>>, vector<16xi32>,
    tpu.vector_store %arg6[%swap3A_1689, %swap3A_1690], %add3A_1687 {strides = array<i32>} : memref<10x128xi32, #tpu.memory_space<vmem>>, vector<16xi32>,
    %get3A_1692 = arith.constant 7 : i32
    %get3A_1693 = arith.index_cast %get3A_1692 : i32 to index
    %get3A_1694 = arith.constant 32 : index
    %get3A_1695 = tpu.vector_load %arg5[%get3A_1693, %get3A_1694] {strides = array<i32>} : memref<10x128xi32, #tpu.memory_space<vmem>>, vector<16xi32>,
    %shift_right_arithmetic3A_1696 = arith.constant 3 : i32
    %shift_right_arithmetic3A_1697 = vector.broadcast %shift_right_arithmetic3A_1696 : i32 to vector<16xi32>
    %shift_right_arithmetic3A_1698 = arith.shrsi %get3A_1695, %shift_right_arithmetic3A_1697 : vector<16xi32>
    %mul3A_1699 = arith.constant 32768 : i32
    %mul3A_1700 = vector.broadcast %mul3A_1699 : i32 to vector<16xi32>
    %mul3A_1701 = arith.muli %shift_right_arithmetic3A_1698, %mul3A_1700 : vector<16xi32>
    %and3A_1702 = arith.constant 7 : i32
    %and3A_1703 = vector.broadcast %and3A_1702 : i32 to vector<16xi32>
    %and3A_1704 = arith.andi %get3A_1695, %and3A_1703 : vector<16xi32>
    %mul3A_1705 = arith.constant 128 : i32
    %mul3A_1706 = vector.broadcast %mul3A_1705 : i32 to vector<16xi32>
    %mul3A_1707 = arith.muli %and3A_1704, %mul3A_1706 : vector<16xi32>
    %add3A_1708 = arith.addi %mul3A_1701, %mul3A_1707 : vector<16xi32>
    %mul3A_1709 = arith.constant 1024 : i32
    %mul3A_1710 = arith.muli %add3A, %mul3A_1709 : i32
    %add3A_1711 = arith.constant 32 : i32
    %add3A_1712 = arith.addi %mul3A_1710, %add3A_1711 : i32
    %add3A_1713 = vector.broadcast %add3A_1712 : i32 to vector<16xi32>
    %add3A_1714 = arith.addi %add3A_1708, %add3A_1713 : vector<16xi32>
    %add3A_1715 = arith.addi %add3A_1714, %iota3A : vector<16xi32>
    %swap3A_1716 = arith.constant 7 : i32
    %swap3A_1717 = arith.index_cast %swap3A_1716 : i32 to index
    %swap3A_1718 = arith.constant 32 : index
    %swap3A_1719 = tpu.vector_load %arg6[%swap3A_1717, %swap3A_1718] {strides = array<i32>} : memref<10x128xi32, #tpu.memory_space<vmem>>, vector<16xi32>,
    tpu.vector_store %arg6[%swap3A_1717, %swap3A_1718], %add3A_1715 {strides = array<i32>} : memref<10x128xi32, #tpu.memory_space<vmem>>, vector<16xi32>,
    %get3A_1720 = arith.constant 7 : i32
    %get3A_1721 = arith.index_cast %get3A_1720 : i32 to index
    %get3A_1722 = arith.constant 48 : index
    %get3A_1723 = tpu.vector_load %arg5[%get3A_1721, %get3A_1722] {strides = array<i32>} : memref<10x128xi32, #tpu.memory_space<vmem>>, vector<16xi32>,
    %shift_right_arithmetic3A_1724 = arith.constant 3 : i32
    %shift_right_arithmetic3A_1725 = vector.broadcast %shift_right_arithmetic3A_1724 : i32 to vector<16xi32>
    %shift_right_arithmetic3A_1726 = arith.shrsi %get3A_1723, %shift_right_arithmetic3A_1725 : vector<16xi32>
    %mul3A_1727 = arith.constant 32768 : i32
    %mul3A_1728 = vector.broadcast %mul3A_1727 : i32 to vector<16xi32>
    %mul3A_1729 = arith.muli %shift_right_arithmetic3A_1726, %mul3A_1728 : vector<16xi32>
    %and3A_1730 = arith.constant 7 : i32
    %and3A_1731 = vector.broadcast %and3A_1730 : i32 to vector<16xi32>
    %and3A_1732 = arith.andi %get3A_1723, %and3A_1731 : vector<16xi32>
    %mul3A_1733 = arith.constant 128 : i32
    %mul3A_1734 = vector.broadcast %mul3A_1733 : i32 to vector<16xi32>
    %mul3A_1735 = arith.muli %and3A_1732, %mul3A_1734 : vector<16xi32>
    %add3A_1736 = arith.addi %mul3A_1729, %mul3A_1735 : vector<16xi32>
    %mul3A_1737 = arith.constant 1024 : i32
    %mul3A_1738 = arith.muli %add3A, %mul3A_1737 : i32
    %add3A_1739 = arith.constant 48 : i32
    %add3A_1740 = arith.addi %mul3A_1738, %add3A_1739 : i32
    %add3A_1741 = vector.broadcast %add3A_1740 : i32 to vector<16xi32>
    %add3A_1742 = arith.addi %add3A_1736, %add3A_1741 : vector<16xi32>
    %add3A_1743 = arith.addi %add3A_1742, %iota3A : vector<16xi32>
    %swap3A_1744 = arith.constant 7 : i32
    %swap3A_1745 = arith.index_cast %swap3A_1744 : i32 to index
    %swap3A_1746 = arith.constant 48 : index
    %swap3A_1747 = tpu.vector_load %arg6[%swap3A_1745, %swap3A_1746] {strides = array<i32>} : memref<10x128xi32, #tpu.memory_space<vmem>>, vector<16xi32>,
    tpu.vector_store %arg6[%swap3A_1745, %swap3A_1746], %add3A_1743 {strides = array<i32>} : memref<10x128xi32, #tpu.memory_space<vmem>>, vector<16xi32>,
    %get3A_1748 = arith.constant 7 : i32
    %get3A_1749 = arith.index_cast %get3A_1748 : i32 to index
    %get3A_1750 = arith.constant 64 : index
    %get3A_1751 = tpu.vector_load %arg5[%get3A_1749, %get3A_1750] {strides = array<i32>} : memref<10x128xi32, #tpu.memory_space<vmem>>, vector<16xi32>,
    %shift_right_arithmetic3A_1752 = arith.constant 3 : i32
    %shift_right_arithmetic3A_1753 = vector.broadcast %shift_right_arithmetic3A_1752 : i32 to vector<16xi32>
    %shift_right_arithmetic3A_1754 = arith.shrsi %get3A_1751, %shift_right_arithmetic3A_1753 : vector<16xi32>
    %mul3A_1755 = arith.constant 32768 : i32
    %mul3A_1756 = vector.broadcast %mul3A_1755 : i32 to vector<16xi32>
    %mul3A_1757 = arith.muli %shift_right_arithmetic3A_1754, %mul3A_1756 : vector<16xi32>
    %and3A_1758 = arith.constant 7 : i32
    %and3A_1759 = vector.broadcast %and3A_1758 : i32 to vector<16xi32>
    %and3A_1760 = arith.andi %get3A_1751, %and3A_1759 : vector<16xi32>
    %mul3A_1761 = arith.constant 128 : i32
    %mul3A_1762 = vector.broadcast %mul3A_1761 : i32 to vector<16xi32>
    %mul3A_1763 = arith.muli %and3A_1760, %mul3A_1762 : vector<16xi32>
    %add3A_1764 = arith.addi %mul3A_1757, %mul3A_1763 : vector<16xi32>
    %mul3A_1765 = arith.constant 1024 : i32
    %mul3A_1766 = arith.muli %add3A, %mul3A_1765 : i32
    %add3A_1767 = arith.constant 64 : i32
    %add3A_1768 = arith.addi %mul3A_1766, %add3A_1767 : i32
    %add3A_1769 = vector.broadcast %add3A_1768 : i32 to vector<16xi32>
    %add3A_1770 = arith.addi %add3A_1764, %add3A_1769 : vector<16xi32>
    %add3A_1771 = arith.addi %add3A_1770, %iota3A : vector<16xi32>
    %swap3A_1772 = arith.constant 7 : i32
    %swap3A_1773 = arith.index_cast %swap3A_1772 : i32 to index
    %swap3A_1774 = arith.constant 64 : index
    %swap3A_1775 = tpu.vector_load %arg6[%swap3A_1773, %swap3A_1774] {strides = array<i32>} : memref<10x128xi32, #tpu.memory_space<vmem>>, vector<16xi32>,
    tpu.vector_store %arg6[%swap3A_1773, %swap3A_1774], %add3A_1771 {strides = array<i32>} : memref<10x128xi32, #tpu.memory_space<vmem>>, vector<16xi32>,
    %get3A_1776 = arith.constant 7 : i32
    %get3A_1777 = arith.index_cast %get3A_1776 : i32 to index
    %get3A_1778 = arith.constant 80 : index
    %get3A_1779 = tpu.vector_load %arg5[%get3A_1777, %get3A_1778] {strides = array<i32>} : memref<10x128xi32, #tpu.memory_space<vmem>>, vector<16xi32>,
    %shift_right_arithmetic3A_1780 = arith.constant 3 : i32
    %shift_right_arithmetic3A_1781 = vector.broadcast %shift_right_arithmetic3A_1780 : i32 to vector<16xi32>
    %shift_right_arithmetic3A_1782 = arith.shrsi %get3A_1779, %shift_right_arithmetic3A_1781 : vector<16xi32>
    %mul3A_1783 = arith.constant 32768 : i32
    %mul3A_1784 = vector.broadcast %mul3A_1783 : i32 to vector<16xi32>
    %mul3A_1785 = arith.muli %shift_right_arithmetic3A_1782, %mul3A_1784 : vector<16xi32>
    %and3A_1786 = arith.constant 7 : i32
    %and3A_1787 = vector.broadcast %and3A_1786 : i32 to vector<16xi32>
    %and3A_1788 = arith.andi %get3A_1779, %and3A_1787 : vector<16xi32>
    %mul3A_1789 = arith.constant 128 : i32
    %mul3A_1790 = vector.broadcast %mul3A_1789 : i32 to vector<16xi32>
    %mul3A_1791 = arith.muli %and3A_1788, %mul3A_1790 : vector<16xi32>
    %add3A_1792 = arith.addi %mul3A_1785, %mul3A_1791 : vector<16xi32>
    %mul3A_1793 = arith.constant 1024 : i32
    %mul3A_1794 = arith.muli %add3A, %mul3A_1793 : i32
    %add3A_1795 = arith.constant 80 : i32
    %add3A_1796 = arith.addi %mul3A_1794, %add3A_1795 : i32
    %add3A_1797 = vector.broadcast %add3A_1796 : i32 to vector<16xi32>
    %add3A_1798 = arith.addi %add3A_1792, %add3A_1797 : vector<16xi32>
    %add3A_1799 = arith.addi %add3A_1798, %iota3A : vector<16xi32>
    %swap3A_1800 = arith.constant 7 : i32
    %swap3A_1801 = arith.index_cast %swap3A_1800 : i32 to index
    %swap3A_1802 = arith.constant 80 : index
    %swap3A_1803 = tpu.vector_load %arg6[%swap3A_1801, %swap3A_1802] {strides = array<i32>} : memref<10x128xi32, #tpu.memory_space<vmem>>, vector<16xi32>,
    tpu.vector_store %arg6[%swap3A_1801, %swap3A_1802], %add3A_1799 {strides = array<i32>} : memref<10x128xi32, #tpu.memory_space<vmem>>, vector<16xi32>,
    %get3A_1804 = arith.constant 7 : i32
    %get3A_1805 = arith.index_cast %get3A_1804 : i32 to index
    %get3A_1806 = arith.constant 96 : index
    %get3A_1807 = tpu.vector_load %arg5[%get3A_1805, %get3A_1806] {strides = array<i32>} : memref<10x128xi32, #tpu.memory_space<vmem>>, vector<16xi32>,
    %shift_right_arithmetic3A_1808 = arith.constant 3 : i32
    %shift_right_arithmetic3A_1809 = vector.broadcast %shift_right_arithmetic3A_1808 : i32 to vector<16xi32>
    %shift_right_arithmetic3A_1810 = arith.shrsi %get3A_1807, %shift_right_arithmetic3A_1809 : vector<16xi32>
    %mul3A_1811 = arith.constant 32768 : i32
    %mul3A_1812 = vector.broadcast %mul3A_1811 : i32 to vector<16xi32>
    %mul3A_1813 = arith.muli %shift_right_arithmetic3A_1810, %mul3A_1812 : vector<16xi32>
    %and3A_1814 = arith.constant 7 : i32
    %and3A_1815 = vector.broadcast %and3A_1814 : i32 to vector<16xi32>
    %and3A_1816 = arith.andi %get3A_1807, %and3A_1815 : vector<16xi32>
    %mul3A_1817 = arith.constant 128 : i32
    %mul3A_1818 = vector.broadcast %mul3A_1817 : i32 to vector<16xi32>
    %mul3A_1819 = arith.muli %and3A_1816, %mul3A_1818 : vector<16xi32>
    %add3A_1820 = arith.addi %mul3A_1813, %mul3A_1819 : vector<16xi32>
    %mul3A_1821 = arith.constant 1024 : i32
    %mul3A_1822 = arith.muli %add3A, %mul3A_1821 : i32
    %add3A_1823 = arith.constant 96 : i32
    %add3A_1824 = arith.addi %mul3A_1822, %add3A_1823 : i32
    %add3A_1825 = vector.broadcast %add3A_1824 : i32 to vector<16xi32>
    %add3A_1826 = arith.addi %add3A_1820, %add3A_1825 : vector<16xi32>
    %add3A_1827 = arith.addi %add3A_1826, %iota3A : vector<16xi32>
    %swap3A_1828 = arith.constant 7 : i32
    %swap3A_1829 = arith.index_cast %swap3A_1828 : i32 to index
    %swap3A_1830 = arith.constant 96 : index
    %swap3A_1831 = tpu.vector_load %arg6[%swap3A_1829, %swap3A_1830] {strides = array<i32>} : memref<10x128xi32, #tpu.memory_space<vmem>>, vector<16xi32>,
    tpu.vector_store %arg6[%swap3A_1829, %swap3A_1830], %add3A_1827 {strides = array<i32>} : memref<10x128xi32, #tpu.memory_space<vmem>>, vector<16xi32>,
    %get3A_1832 = arith.constant 7 : i32
    %get3A_1833 = arith.index_cast %get3A_1832 : i32 to index
    %get3A_1834 = arith.constant 112 : index
    %get3A_1835 = tpu.vector_load %arg5[%get3A_1833, %get3A_1834] {strides = array<i32>} : memref<10x128xi32, #tpu.memory_space<vmem>>, vector<16xi32>,
    %shift_right_arithmetic3A_1836 = arith.constant 3 : i32
    %shift_right_arithmetic3A_1837 = vector.broadcast %shift_right_arithmetic3A_1836 : i32 to vector<16xi32>
    %shift_right_arithmetic3A_1838 = arith.shrsi %get3A_1835, %shift_right_arithmetic3A_1837 : vector<16xi32>
    %mul3A_1839 = arith.constant 32768 : i32
    %mul3A_1840 = vector.broadcast %mul3A_1839 : i32 to vector<16xi32>
    %mul3A_1841 = arith.muli %shift_right_arithmetic3A_1838, %mul3A_1840 : vector<16xi32>
    %and3A_1842 = arith.constant 7 : i32
    %and3A_1843 = vector.broadcast %and3A_1842 : i32 to vector<16xi32>
    %and3A_1844 = arith.andi %get3A_1835, %and3A_1843 : vector<16xi32>
    %mul3A_1845 = arith.constant 128 : i32
    %mul3A_1846 = vector.broadcast %mul3A_1845 : i32 to vector<16xi32>
    %mul3A_1847 = arith.muli %and3A_1844, %mul3A_1846 : vector<16xi32>
    %add3A_1848 = arith.addi %mul3A_1841, %mul3A_1847 : vector<16xi32>
    %mul3A_1849 = arith.constant 1024 : i32
    %mul3A_1850 = arith.muli %add3A, %mul3A_1849 : i32
    %add3A_1851 = arith.constant 112 : i32
    %add3A_1852 = arith.addi %mul3A_1850, %add3A_1851 : i32
    %add3A_1853 = vector.broadcast %add3A_1852 : i32 to vector<16xi32>
    %add3A_1854 = arith.addi %add3A_1848, %add3A_1853 : vector<16xi32>
    %add3A_1855 = arith.addi %add3A_1854, %iota3A : vector<16xi32>
    %swap3A_1856 = arith.constant 7 : i32
    %swap3A_1857 = arith.index_cast %swap3A_1856 : i32 to index
    %swap3A_1858 = arith.constant 112 : index
    %swap3A_1859 = tpu.vector_load %arg6[%swap3A_1857, %swap3A_1858] {strides = array<i32>} : memref<10x128xi32, #tpu.memory_space<vmem>>, vector<16xi32>,
    tpu.vector_store %arg6[%swap3A_1857, %swap3A_1858], %add3A_1855 {strides = array<i32>} : memref<10x128xi32, #tpu.memory_space<vmem>>, vector<16xi32>,
    %dma_start3A_1860 = arith.constant 7 : i32
    %dma_start3A_1861 = arith.constant 7 : i32
    %dma_start3A_1862 = arith.constant 0 : i32
    %dma_start3A_1863 = tpu.memref_slice %arg7[%dma_start3A_1861, %dma_start3A_1862] : memref<10x128xf32, #tpu.memory_space<vmem>> -> memref<1x128xf32, #tpu.memory_space<vmem>>
    %dma_start3A_1864 = tpu.memref_squeeze %dma_start3A_1863 : memref<1x128xf32, #tpu.memory_space<vmem>> -> memref<128xf32, #tpu.memory_space<vmem>>
    %dma_start3A_1865 = arith.constant 0 : i32
    %dma_start3A_1866 = tpu.memref_slice %arg6[%dma_start3A_1860, %dma_start3A_1865] : memref<10x128xi32, #tpu.memory_space<vmem>> -> memref<1x128xi32, #tpu.memory_space<vmem>>
    %dma_start3A_1867 = tpu.memref_squeeze %dma_start3A_1866 : memref<1x128xi32, #tpu.memory_space<vmem>> -> memref<128xi32, #tpu.memory_space<vmem>>
    %dma_start3A_1868 = arith.constant 0 : i32
    %dma_start3A_1869 = tpu.memref_slice %arg2[%dma_start3A_1868] : memref<4096000xf32, #tpu.memory_space<hbm>> -> memref<4096000xf32, #tpu.memory_space<hbm>>
    tpu.enqueue_indirect_dma source(%dma_start3A_1869 : memref<4096000xf32, #tpu.memory_space<hbm>>) target(%dma_start3A_1864 : memref<128xf32, #tpu.memory_space<vmem>>) offsets(%dma_start3A_1867 : memref<128xi32, #tpu.memory_space<vmem>>) semaphore(%arg9 : memref<!tpu.dma_semaphore, #tpu.memory_space<semaphore_mem>>)
    %get3A_1870 = arith.constant 8 : i32
    %get3A_1871 = arith.index_cast %get3A_1870 : i32 to index
    %get3A_1872 = arith.constant 0 : index
    %get3A_1873 = tpu.vector_load %arg5[%get3A_1871, %get3A_1872] {strides = array<i32>} : memref<10x128xi32, #tpu.memory_space<vmem>>, vector<16xi32>,
    %shift_right_arithmetic3A_1874 = arith.constant 3 : i32
    %shift_right_arithmetic3A_1875 = vector.broadcast %shift_right_arithmetic3A_1874 : i32 to vector<16xi32>
    %shift_right_arithmetic3A_1876 = arith.shrsi %get3A_1873, %shift_right_arithmetic3A_1875 : vector<16xi32>
    %mul3A_1877 = arith.constant 32768 : i32
    %mul3A_1878 = vector.broadcast %mul3A_1877 : i32 to vector<16xi32>
    %mul3A_1879 = arith.muli %shift_right_arithmetic3A_1876, %mul3A_1878 : vector<16xi32>
    %and3A_1880 = arith.constant 7 : i32
    %and3A_1881 = vector.broadcast %and3A_1880 : i32 to vector<16xi32>
    %and3A_1882 = arith.andi %get3A_1873, %and3A_1881 : vector<16xi32>
    %mul3A_1883 = arith.constant 128 : i32
    %mul3A_1884 = vector.broadcast %mul3A_1883 : i32 to vector<16xi32>
    %mul3A_1885 = arith.muli %and3A_1882, %mul3A_1884 : vector<16xi32>
    %add3A_1886 = arith.addi %mul3A_1879, %mul3A_1885 : vector<16xi32>
    %mul3A_1887 = arith.constant 1024 : i32
    %mul3A_1888 = arith.muli %add3A, %mul3A_1887 : i32
    %add3A_1889 = arith.constant 0 : i32
    %add3A_1890 = arith.addi %mul3A_1888, %add3A_1889 : i32
    %add3A_1891 = vector.broadcast %add3A_1890 : i32 to vector<16xi32>
    %add3A_1892 = arith.addi %add3A_1886, %add3A_1891 : vector<16xi32>
    %add3A_1893 = arith.addi %add3A_1892, %iota3A : vector<16xi32>
    %swap3A_1894 = arith.constant 8 : i32
    %swap3A_1895 = arith.index_cast %swap3A_1894 : i32 to index
    %swap3A_1896 = arith.constant 0 : index
    %swap3A_1897 = tpu.vector_load %arg6[%swap3A_1895, %swap3A_1896] {strides = array<i32>} : memref<10x128xi32, #tpu.memory_space<vmem>>, vector<16xi32>,
    tpu.vector_store %arg6[%swap3A_1895, %swap3A_1896], %add3A_1893 {strides = array<i32>} : memref<10x128xi32, #tpu.memory_space<vmem>>, vector<16xi32>,
    %get3A_1898 = arith.constant 8 : i32
    %get3A_1899 = arith.index_cast %get3A_1898 : i32 to index
    %get3A_1900 = arith.constant 16 : index
    %get3A_1901 = tpu.vector_load %arg5[%get3A_1899, %get3A_1900] {strides = array<i32>} : memref<10x128xi32, #tpu.memory_space<vmem>>, vector<16xi32>,
    %shift_right_arithmetic3A_1902 = arith.constant 3 : i32
    %shift_right_arithmetic3A_1903 = vector.broadcast %shift_right_arithmetic3A_1902 : i32 to vector<16xi32>
    %shift_right_arithmetic3A_1904 = arith.shrsi %get3A_1901, %shift_right_arithmetic3A_1903 : vector<16xi32>
    %mul3A_1905 = arith.constant 32768 : i32
    %mul3A_1906 = vector.broadcast %mul3A_1905 : i32 to vector<16xi32>
    %mul3A_1907 = arith.muli %shift_right_arithmetic3A_1904, %mul3A_1906 : vector<16xi32>
    %and3A_1908 = arith.constant 7 : i32
    %and3A_1909 = vector.broadcast %and3A_1908 : i32 to vector<16xi32>
    %and3A_1910 = arith.andi %get3A_1901, %and3A_1909 : vector<16xi32>
    %mul3A_1911 = arith.constant 128 : i32
    %mul3A_1912 = vector.broadcast %mul3A_1911 : i32 to vector<16xi32>
    %mul3A_1913 = arith.muli %and3A_1910, %mul3A_1912 : vector<16xi32>
    %add3A_1914 = arith.addi %mul3A_1907, %mul3A_1913 : vector<16xi32>
    %mul3A_1915 = arith.constant 1024 : i32
    %mul3A_1916 = arith.muli %add3A, %mul3A_1915 : i32
    %add3A_1917 = arith.constant 16 : i32
    %add3A_1918 = arith.addi %mul3A_1916, %add3A_1917 : i32
    %add3A_1919 = vector.broadcast %add3A_1918 : i32 to vector<16xi32>
    %add3A_1920 = arith.addi %add3A_1914, %add3A_1919 : vector<16xi32>
    %add3A_1921 = arith.addi %add3A_1920, %iota3A : vector<16xi32>
    %swap3A_1922 = arith.constant 8 : i32
    %swap3A_1923 = arith.index_cast %swap3A_1922 : i32 to index
    %swap3A_1924 = arith.constant 16 : index
    %swap3A_1925 = tpu.vector_load %arg6[%swap3A_1923, %swap3A_1924] {strides = array<i32>} : memref<10x128xi32, #tpu.memory_space<vmem>>, vector<16xi32>,
    tpu.vector_store %arg6[%swap3A_1923, %swap3A_1924], %add3A_1921 {strides = array<i32>} : memref<10x128xi32, #tpu.memory_space<vmem>>, vector<16xi32>,
    %get3A_1926 = arith.constant 8 : i32
    %get3A_1927 = arith.index_cast %get3A_1926 : i32 to index
    %get3A_1928 = arith.constant 32 : index
    %get3A_1929 = tpu.vector_load %arg5[%get3A_1927, %get3A_1928] {strides = array<i32>} : memref<10x128xi32, #tpu.memory_space<vmem>>, vector<16xi32>,
    %shift_right_arithmetic3A_1930 = arith.constant 3 : i32
    %shift_right_arithmetic3A_1931 = vector.broadcast %shift_right_arithmetic3A_1930 : i32 to vector<16xi32>
    %shift_right_arithmetic3A_1932 = arith.shrsi %get3A_1929, %shift_right_arithmetic3A_1931 : vector<16xi32>
    %mul3A_1933 = arith.constant 32768 : i32
    %mul3A_1934 = vector.broadcast %mul3A_1933 : i32 to vector<16xi32>
    %mul3A_1935 = arith.muli %shift_right_arithmetic3A_1932, %mul3A_1934 : vector<16xi32>
    %and3A_1936 = arith.constant 7 : i32
    %and3A_1937 = vector.broadcast %and3A_1936 : i32 to vector<16xi32>
    %and3A_1938 = arith.andi %get3A_1929, %and3A_1937 : vector<16xi32>
    %mul3A_1939 = arith.constant 128 : i32
    %mul3A_1940 = vector.broadcast %mul3A_1939 : i32 to vector<16xi32>
    %mul3A_1941 = arith.muli %and3A_1938, %mul3A_1940 : vector<16xi32>
    %add3A_1942 = arith.addi %mul3A_1935, %mul3A_1941 : vector<16xi32>
    %mul3A_1943 = arith.constant 1024 : i32
    %mul3A_1944 = arith.muli %add3A, %mul3A_1943 : i32
    %add3A_1945 = arith.constant 32 : i32
    %add3A_1946 = arith.addi %mul3A_1944, %add3A_1945 : i32
    %add3A_1947 = vector.broadcast %add3A_1946 : i32 to vector<16xi32>
    %add3A_1948 = arith.addi %add3A_1942, %add3A_1947 : vector<16xi32>
    %add3A_1949 = arith.addi %add3A_1948, %iota3A : vector<16xi32>
    %swap3A_1950 = arith.constant 8 : i32
    %swap3A_1951 = arith.index_cast %swap3A_1950 : i32 to index
    %swap3A_1952 = arith.constant 32 : index
    %swap3A_1953 = tpu.vector_load %arg6[%swap3A_1951, %swap3A_1952] {strides = array<i32>} : memref<10x128xi32, #tpu.memory_space<vmem>>, vector<16xi32>,
    tpu.vector_store %arg6[%swap3A_1951, %swap3A_1952], %add3A_1949 {strides = array<i32>} : memref<10x128xi32, #tpu.memory_space<vmem>>, vector<16xi32>,
    %get3A_1954 = arith.constant 8 : i32
    %get3A_1955 = arith.index_cast %get3A_1954 : i32 to index
    %get3A_1956 = arith.constant 48 : index
    %get3A_1957 = tpu.vector_load %arg5[%get3A_1955, %get3A_1956] {strides = array<i32>} : memref<10x128xi32, #tpu.memory_space<vmem>>, vector<16xi32>,
    %shift_right_arithmetic3A_1958 = arith.constant 3 : i32
    %shift_right_arithmetic3A_1959 = vector.broadcast %shift_right_arithmetic3A_1958 : i32 to vector<16xi32>
    %shift_right_arithmetic3A_1960 = arith.shrsi %get3A_1957, %shift_right_arithmetic3A_1959 : vector<16xi32>
    %mul3A_1961 = arith.constant 32768 : i32
    %mul3A_1962 = vector.broadcast %mul3A_1961 : i32 to vector<16xi32>
    %mul3A_1963 = arith.muli %shift_right_arithmetic3A_1960, %mul3A_1962 : vector<16xi32>
    %and3A_1964 = arith.constant 7 : i32
    %and3A_1965 = vector.broadcast %and3A_1964 : i32 to vector<16xi32>
    %and3A_1966 = arith.andi %get3A_1957, %and3A_1965 : vector<16xi32>
    %mul3A_1967 = arith.constant 128 : i32
    %mul3A_1968 = vector.broadcast %mul3A_1967 : i32 to vector<16xi32>
    %mul3A_1969 = arith.muli %and3A_1966, %mul3A_1968 : vector<16xi32>
    %add3A_1970 = arith.addi %mul3A_1963, %mul3A_1969 : vector<16xi32>
    %mul3A_1971 = arith.constant 1024 : i32
    %mul3A_1972 = arith.muli %add3A, %mul3A_1971 : i32
    %add3A_1973 = arith.constant 48 : i32
    %add3A_1974 = arith.addi %mul3A_1972, %add3A_1973 : i32
    %add3A_1975 = vector.broadcast %add3A_1974 : i32 to vector<16xi32>
    %add3A_1976 = arith.addi %add3A_1970, %add3A_1975 : vector<16xi32>
    %add3A_1977 = arith.addi %add3A_1976, %iota3A : vector<16xi32>
    %swap3A_1978 = arith.constant 8 : i32
    %swap3A_1979 = arith.index_cast %swap3A_1978 : i32 to index
    %swap3A_1980 = arith.constant 48 : index
    %swap3A_1981 = tpu.vector_load %arg6[%swap3A_1979, %swap3A_1980] {strides = array<i32>} : memref<10x128xi32, #tpu.memory_space<vmem>>, vector<16xi32>,
    tpu.vector_store %arg6[%swap3A_1979, %swap3A_1980], %add3A_1977 {strides = array<i32>} : memref<10x128xi32, #tpu.memory_space<vmem>>, vector<16xi32>,
    %get3A_1982 = arith.constant 8 : i32
    %get3A_1983 = arith.index_cast %get3A_1982 : i32 to index
    %get3A_1984 = arith.constant 64 : index
    %get3A_1985 = tpu.vector_load %arg5[%get3A_1983, %get3A_1984] {strides = array<i32>} : memref<10x128xi32, #tpu.memory_space<vmem>>, vector<16xi32>,
    %shift_right_arithmetic3A_1986 = arith.constant 3 : i32
    %shift_right_arithmetic3A_1987 = vector.broadcast %shift_right_arithmetic3A_1986 : i32 to vector<16xi32>
    %shift_right_arithmetic3A_1988 = arith.shrsi %get3A_1985, %shift_right_arithmetic3A_1987 : vector<16xi32>
    %mul3A_1989 = arith.constant 32768 : i32
    %mul3A_1990 = vector.broadcast %mul3A_1989 : i32 to vector<16xi32>
    %mul3A_1991 = arith.muli %shift_right_arithmetic3A_1988, %mul3A_1990 : vector<16xi32>
    %and3A_1992 = arith.constant 7 : i32
    %and3A_1993 = vector.broadcast %and3A_1992 : i32 to vector<16xi32>
    %and3A_1994 = arith.andi %get3A_1985, %and3A_1993 : vector<16xi32>
    %mul3A_1995 = arith.constant 128 : i32
    %mul3A_1996 = vector.broadcast %mul3A_1995 : i32 to vector<16xi32>
    %mul3A_1997 = arith.muli %and3A_1994, %mul3A_1996 : vector<16xi32>
    %add3A_1998 = arith.addi %mul3A_1991, %mul3A_1997 : vector<16xi32>
    %mul3A_1999 = arith.constant 1024 : i32
    %mul3A_2000 = arith.muli %add3A, %mul3A_1999 : i32
    %add3A_2001 = arith.constant 64 : i32
    %add3A_2002 = arith.addi %mul3A_2000, %add3A_2001 : i32
    %add3A_2003 = vector.broadcast %add3A_2002 : i32 to vector<16xi32>
    %add3A_2004 = arith.addi %add3A_1998, %add3A_2003 : vector<16xi32>
    %add3A_2005 = arith.addi %add3A_2004, %iota3A : vector<16xi32>
    %swap3A_2006 = arith.constant 8 : i32
    %swap3A_2007 = arith.index_cast %swap3A_2006 : i32 to index
    %swap3A_2008 = arith.constant 64 : index
    %swap3A_2009 = tpu.vector_load %arg6[%swap3A_2007, %swap3A_2008] {strides = array<i32>} : memref<10x128xi32, #tpu.memory_space<vmem>>, vector<16xi32>,
    tpu.vector_store %arg6[%swap3A_2007, %swap3A_2008], %add3A_2005 {strides = array<i32>} : memref<10x128xi32, #tpu.memory_space<vmem>>, vector<16xi32>,
    %get3A_2010 = arith.constant 8 : i32
    %get3A_2011 = arith.index_cast %get3A_2010 : i32 to index
    %get3A_2012 = arith.constant 80 : index
    %get3A_2013 = tpu.vector_load %arg5[%get3A_2011, %get3A_2012] {strides = array<i32>} : memref<10x128xi32, #tpu.memory_space<vmem>>, vector<16xi32>,
    %shift_right_arithmetic3A_2014 = arith.constant 3 : i32
    %shift_right_arithmetic3A_2015 = vector.broadcast %shift_right_arithmetic3A_2014 : i32 to vector<16xi32>
    %shift_right_arithmetic3A_2016 = arith.shrsi %get3A_2013, %shift_right_arithmetic3A_2015 : vector<16xi32>
    %mul3A_2017 = arith.constant 32768 : i32
    %mul3A_2018 = vector.broadcast %mul3A_2017 : i32 to vector<16xi32>
    %mul3A_2019 = arith.muli %shift_right_arithmetic3A_2016, %mul3A_2018 : vector<16xi32>
    %and3A_2020 = arith.constant 7 : i32
    %and3A_2021 = vector.broadcast %and3A_2020 : i32 to vector<16xi32>
    %and3A_2022 = arith.andi %get3A_2013, %and3A_2021 : vector<16xi32>
    %mul3A_2023 = arith.constant 128 : i32
    %mul3A_2024 = vector.broadcast %mul3A_2023 : i32 to vector<16xi32>
    %mul3A_2025 = arith.muli %and3A_2022, %mul3A_2024 : vector<16xi32>
    %add3A_2026 = arith.addi %mul3A_2019, %mul3A_2025 : vector<16xi32>
    %mul3A_2027 = arith.constant 1024 : i32
    %mul3A_2028 = arith.muli %add3A, %mul3A_2027 : i32
    %add3A_2029 = arith.constant 80 : i32
    %add3A_2030 = arith.addi %mul3A_2028, %add3A_2029 : i32
    %add3A_2031 = vector.broadcast %add3A_2030 : i32 to vector<16xi32>
    %add3A_2032 = arith.addi %add3A_2026, %add3A_2031 : vector<16xi32>
    %add3A_2033 = arith.addi %add3A_2032, %iota3A : vector<16xi32>
    %swap3A_2034 = arith.constant 8 : i32
    %swap3A_2035 = arith.index_cast %swap3A_2034 : i32 to index
    %swap3A_2036 = arith.constant 80 : index
    %swap3A_2037 = tpu.vector_load %arg6[%swap3A_2035, %swap3A_2036] {strides = array<i32>} : memref<10x128xi32, #tpu.memory_space<vmem>>, vector<16xi32>,
    tpu.vector_store %arg6[%swap3A_2035, %swap3A_2036], %add3A_2033 {strides = array<i32>} : memref<10x128xi32, #tpu.memory_space<vmem>>, vector<16xi32>,
    %get3A_2038 = arith.constant 8 : i32
    %get3A_2039 = arith.index_cast %get3A_2038 : i32 to index
    %get3A_2040 = arith.constant 96 : index
    %get3A_2041 = tpu.vector_load %arg5[%get3A_2039, %get3A_2040] {strides = array<i32>} : memref<10x128xi32, #tpu.memory_space<vmem>>, vector<16xi32>,
    %shift_right_arithmetic3A_2042 = arith.constant 3 : i32
    %shift_right_arithmetic3A_2043 = vector.broadcast %shift_right_arithmetic3A_2042 : i32 to vector<16xi32>
    %shift_right_arithmetic3A_2044 = arith.shrsi %get3A_2041, %shift_right_arithmetic3A_2043 : vector<16xi32>
    %mul3A_2045 = arith.constant 32768 : i32
    %mul3A_2046 = vector.broadcast %mul3A_2045 : i32 to vector<16xi32>
    %mul3A_2047 = arith.muli %shift_right_arithmetic3A_2044, %mul3A_2046 : vector<16xi32>
    %and3A_2048 = arith.constant 7 : i32
    %and3A_2049 = vector.broadcast %and3A_2048 : i32 to vector<16xi32>
    %and3A_2050 = arith.andi %get3A_2041, %and3A_2049 : vector<16xi32>
    %mul3A_2051 = arith.constant 128 : i32
    %mul3A_2052 = vector.broadcast %mul3A_2051 : i32 to vector<16xi32>
    %mul3A_2053 = arith.muli %and3A_2050, %mul3A_2052 : vector<16xi32>
    %add3A_2054 = arith.addi %mul3A_2047, %mul3A_2053 : vector<16xi32>
    %mul3A_2055 = arith.constant 1024 : i32
    %mul3A_2056 = arith.muli %add3A, %mul3A_2055 : i32
    %add3A_2057 = arith.constant 96 : i32
    %add3A_2058 = arith.addi %mul3A_2056, %add3A_2057 : i32
    %add3A_2059 = vector.broadcast %add3A_2058 : i32 to vector<16xi32>
    %add3A_2060 = arith.addi %add3A_2054, %add3A_2059 : vector<16xi32>
    %add3A_2061 = arith.addi %add3A_2060, %iota3A : vector<16xi32>
    %swap3A_2062 = arith.constant 8 : i32
    %swap3A_2063 = arith.index_cast %swap3A_2062 : i32 to index
    %swap3A_2064 = arith.constant 96 : index
    %swap3A_2065 = tpu.vector_load %arg6[%swap3A_2063, %swap3A_2064] {strides = array<i32>} : memref<10x128xi32, #tpu.memory_space<vmem>>, vector<16xi32>,
    tpu.vector_store %arg6[%swap3A_2063, %swap3A_2064], %add3A_2061 {strides = array<i32>} : memref<10x128xi32, #tpu.memory_space<vmem>>, vector<16xi32>,
    %get3A_2066 = arith.constant 8 : i32
    %get3A_2067 = arith.index_cast %get3A_2066 : i32 to index
    %get3A_2068 = arith.constant 112 : index
    %get3A_2069 = tpu.vector_load %arg5[%get3A_2067, %get3A_2068] {strides = array<i32>} : memref<10x128xi32, #tpu.memory_space<vmem>>, vector<16xi32>,
    %shift_right_arithmetic3A_2070 = arith.constant 3 : i32
    %shift_right_arithmetic3A_2071 = vector.broadcast %shift_right_arithmetic3A_2070 : i32 to vector<16xi32>
    %shift_right_arithmetic3A_2072 = arith.shrsi %get3A_2069, %shift_right_arithmetic3A_2071 : vector<16xi32>
    %mul3A_2073 = arith.constant 32768 : i32
    %mul3A_2074 = vector.broadcast %mul3A_2073 : i32 to vector<16xi32>
    %mul3A_2075 = arith.muli %shift_right_arithmetic3A_2072, %mul3A_2074 : vector<16xi32>
    %and3A_2076 = arith.constant 7 : i32
    %and3A_2077 = vector.broadcast %and3A_2076 : i32 to vector<16xi32>
    %and3A_2078 = arith.andi %get3A_2069, %and3A_2077 : vector<16xi32>
    %mul3A_2079 = arith.constant 128 : i32
    %mul3A_2080 = vector.broadcast %mul3A_2079 : i32 to vector<16xi32>
    %mul3A_2081 = arith.muli %and3A_2078, %mul3A_2080 : vector<16xi32>
    %add3A_2082 = arith.addi %mul3A_2075, %mul3A_2081 : vector<16xi32>
    %mul3A_2083 = arith.constant 1024 : i32
    %mul3A_2084 = arith.muli %add3A, %mul3A_2083 : i32
    %add3A_2085 = arith.constant 112 : i32
    %add3A_2086 = arith.addi %mul3A_2084, %add3A_2085 : i32
    %add3A_2087 = vector.broadcast %add3A_2086 : i32 to vector<16xi32>
    %add3A_2088 = arith.addi %add3A_2082, %add3A_2087 : vector<16xi32>
    %add3A_2089 = arith.addi %add3A_2088, %iota3A : vector<16xi32>
    %swap3A_2090 = arith.constant 8 : i32
    %swap3A_2091 = arith.index_cast %swap3A_2090 : i32 to index
    %swap3A_2092 = arith.constant 112 : index
    %swap3A_2093 = tpu.vector_load %arg6[%swap3A_2091, %swap3A_2092] {strides = array<i32>} : memref<10x128xi32, #tpu.memory_space<vmem>>, vector<16xi32>,
    tpu.vector_store %arg6[%swap3A_2091, %swap3A_2092], %add3A_2089 {strides = array<i32>} : memref<10x128xi32, #tpu.memory_space<vmem>>, vector<16xi32>,
    %dma_start3A_2094 = arith.constant 8 : i32
    %dma_start3A_2095 = arith.constant 8 : i32
    %dma_start3A_2096 = arith.constant 0 : i32
    %dma_start3A_2097 = tpu.memref_slice %arg7[%dma_start3A_2095, %dma_start3A_2096] : memref<10x128xf32, #tpu.memory_space<vmem>> -> memref<1x128xf32, #tpu.memory_space<vmem>>
    %dma_start3A_2098 = tpu.memref_squeeze %dma_start3A_2097 : memref<1x128xf32, #tpu.memory_space<vmem>> -> memref<128xf32, #tpu.memory_space<vmem>>
    %dma_start3A_2099 = arith.constant 0 : i32
    %dma_start3A_2100 = tpu.memref_slice %arg6[%dma_start3A_2094, %dma_start3A_2099] : memref<10x128xi32, #tpu.memory_space<vmem>> -> memref<1x128xi32, #tpu.memory_space<vmem>>
    %dma_start3A_2101 = tpu.memref_squeeze %dma_start3A_2100 : memref<1x128xi32, #tpu.memory_space<vmem>> -> memref<128xi32, #tpu.memory_space<vmem>>
    %dma_start3A_2102 = arith.constant 0 : i32
    %dma_start3A_2103 = tpu.memref_slice %arg2[%dma_start3A_2102] : memref<4096000xf32, #tpu.memory_space<hbm>> -> memref<4096000xf32, #tpu.memory_space<hbm>>
    tpu.enqueue_indirect_dma source(%dma_start3A_2103 : memref<4096000xf32, #tpu.memory_space<hbm>>) target(%dma_start3A_2098 : memref<128xf32, #tpu.memory_space<vmem>>) offsets(%dma_start3A_2101 : memref<128xi32, #tpu.memory_space<vmem>>) semaphore(%arg9 : memref<!tpu.dma_semaphore, #tpu.memory_space<semaphore_mem>>)
    %get3A_2104 = arith.constant 9 : i32
    %get3A_2105 = arith.index_cast %get3A_2104 : i32 to index
    %get3A_2106 = arith.constant 0 : index
    %get3A_2107 = tpu.vector_load %arg5[%get3A_2105, %get3A_2106] {strides = array<i32>} : memref<10x128xi32, #tpu.memory_space<vmem>>, vector<16xi32>,
    %shift_right_arithmetic3A_2108 = arith.constant 3 : i32
    %shift_right_arithmetic3A_2109 = vector.broadcast %shift_right_arithmetic3A_2108 : i32 to vector<16xi32>
    %shift_right_arithmetic3A_2110 = arith.shrsi %get3A_2107, %shift_right_arithmetic3A_2109 : vector<16xi32>
    %mul3A_2111 = arith.constant 32768 : i32
    %mul3A_2112 = vector.broadcast %mul3A_2111 : i32 to vector<16xi32>
    %mul3A_2113 = arith.muli %shift_right_arithmetic3A_2110, %mul3A_2112 : vector<16xi32>
    %and3A_2114 = arith.constant 7 : i32
    %and3A_2115 = vector.broadcast %and3A_2114 : i32 to vector<16xi32>
    %and3A_2116 = arith.andi %get3A_2107, %and3A_2115 : vector<16xi32>
    %mul3A_2117 = arith.constant 128 : i32
    %mul3A_2118 = vector.broadcast %mul3A_2117 : i32 to vector<16xi32>
    %mul3A_2119 = arith.muli %and3A_2116, %mul3A_2118 : vector<16xi32>
    %add3A_2120 = arith.addi %mul3A_2113, %mul3A_2119 : vector<16xi32>
    %mul3A_2121 = arith.constant 1024 : i32
    %mul3A_2122 = arith.muli %add3A, %mul3A_2121 : i32
    %add3A_2123 = arith.constant 0 : i32
    %add3A_2124 = arith.addi %mul3A_2122, %add3A_2123 : i32
    %add3A_2125 = vector.broadcast %add3A_2124 : i32 to vector<16xi32>
    %add3A_2126 = arith.addi %add3A_2120, %add3A_2125 : vector<16xi32>
    %add3A_2127 = arith.addi %add3A_2126, %iota3A : vector<16xi32>
    %swap3A_2128 = arith.constant 9 : i32
    %swap3A_2129 = arith.index_cast %swap3A_2128 : i32 to index
    %swap3A_2130 = arith.constant 0 : index
    %swap3A_2131 = tpu.vector_load %arg6[%swap3A_2129, %swap3A_2130] {strides = array<i32>} : memref<10x128xi32, #tpu.memory_space<vmem>>, vector<16xi32>,
    tpu.vector_store %arg6[%swap3A_2129, %swap3A_2130], %add3A_2127 {strides = array<i32>} : memref<10x128xi32, #tpu.memory_space<vmem>>, vector<16xi32>,
    %get3A_2132 = arith.constant 9 : i32
    %get3A_2133 = arith.index_cast %get3A_2132 : i32 to index
    %get3A_2134 = arith.constant 16 : index
    %get3A_2135 = tpu.vector_load %arg5[%get3A_2133, %get3A_2134] {strides = array<i32>} : memref<10x128xi32, #tpu.memory_space<vmem>>, vector<16xi32>,
    %shift_right_arithmetic3A_2136 = arith.constant 3 : i32
    %shift_right_arithmetic3A_2137 = vector.broadcast %shift_right_arithmetic3A_2136 : i32 to vector<16xi32>
    %shift_right_arithmetic3A_2138 = arith.shrsi %get3A_2135, %shift_right_arithmetic3A_2137 : vector<16xi32>
    %mul3A_2139 = arith.constant 32768 : i32
    %mul3A_2140 = vector.broadcast %mul3A_2139 : i32 to vector<16xi32>
    %mul3A_2141 = arith.muli %shift_right_arithmetic3A_2138, %mul3A_2140 : vector<16xi32>
    %and3A_2142 = arith.constant 7 : i32
    %and3A_2143 = vector.broadcast %and3A_2142 : i32 to vector<16xi32>
    %and3A_2144 = arith.andi %get3A_2135, %and3A_2143 : vector<16xi32>
    %mul3A_2145 = arith.constant 128 : i32
    %mul3A_2146 = vector.broadcast %mul3A_2145 : i32 to vector<16xi32>
    %mul3A_2147 = arith.muli %and3A_2144, %mul3A_2146 : vector<16xi32>
    %add3A_2148 = arith.addi %mul3A_2141, %mul3A_2147 : vector<16xi32>
    %mul3A_2149 = arith.constant 1024 : i32
    %mul3A_2150 = arith.muli %add3A, %mul3A_2149 : i32
    %add3A_2151 = arith.constant 16 : i32
    %add3A_2152 = arith.addi %mul3A_2150, %add3A_2151 : i32
    %add3A_2153 = vector.broadcast %add3A_2152 : i32 to vector<16xi32>
    %add3A_2154 = arith.addi %add3A_2148, %add3A_2153 : vector<16xi32>
    %add3A_2155 = arith.addi %add3A_2154, %iota3A : vector<16xi32>
    %swap3A_2156 = arith.constant 9 : i32
    %swap3A_2157 = arith.index_cast %swap3A_2156 : i32 to index
    %swap3A_2158 = arith.constant 16 : index
    %swap3A_2159 = tpu.vector_load %arg6[%swap3A_2157, %swap3A_2158] {strides = array<i32>} : memref<10x128xi32, #tpu.memory_space<vmem>>, vector<16xi32>,
    tpu.vector_store %arg6[%swap3A_2157, %swap3A_2158], %add3A_2155 {strides = array<i32>} : memref<10x128xi32, #tpu.memory_space<vmem>>, vector<16xi32>,
    %get3A_2160 = arith.constant 9 : i32
    %get3A_2161 = arith.index_cast %get3A_2160 : i32 to index
    %get3A_2162 = arith.constant 32 : index
    %get3A_2163 = tpu.vector_load %arg5[%get3A_2161, %get3A_2162] {strides = array<i32>} : memref<10x128xi32, #tpu.memory_space<vmem>>, vector<16xi32>,
    %shift_right_arithmetic3A_2164 = arith.constant 3 : i32
    %shift_right_arithmetic3A_2165 = vector.broadcast %shift_right_arithmetic3A_2164 : i32 to vector<16xi32>
    %shift_right_arithmetic3A_2166 = arith.shrsi %get3A_2163, %shift_right_arithmetic3A_2165 : vector<16xi32>
    %mul3A_2167 = arith.constant 32768 : i32
    %mul3A_2168 = vector.broadcast %mul3A_2167 : i32 to vector<16xi32>
    %mul3A_2169 = arith.muli %shift_right_arithmetic3A_2166, %mul3A_2168 : vector<16xi32>
    %and3A_2170 = arith.constant 7 : i32
    %and3A_2171 = vector.broadcast %and3A_2170 : i32 to vector<16xi32>
    %and3A_2172 = arith.andi %get3A_2163, %and3A_2171 : vector<16xi32>
    %mul3A_2173 = arith.constant 128 : i32
    %mul3A_2174 = vector.broadcast %mul3A_2173 : i32 to vector<16xi32>
    %mul3A_2175 = arith.muli %and3A_2172, %mul3A_2174 : vector<16xi32>
    %add3A_2176 = arith.addi %mul3A_2169, %mul3A_2175 : vector<16xi32>
    %mul3A_2177 = arith.constant 1024 : i32
    %mul3A_2178 = arith.muli %add3A, %mul3A_2177 : i32
    %add3A_2179 = arith.constant 32 : i32
    %add3A_2180 = arith.addi %mul3A_2178, %add3A_2179 : i32
    %add3A_2181 = vector.broadcast %add3A_2180 : i32 to vector<16xi32>
    %add3A_2182 = arith.addi %add3A_2176, %add3A_2181 : vector<16xi32>
    %add3A_2183 = arith.addi %add3A_2182, %iota3A : vector<16xi32>
    %swap3A_2184 = arith.constant 9 : i32
    %swap3A_2185 = arith.index_cast %swap3A_2184 : i32 to index
    %swap3A_2186 = arith.constant 32 : index
    %swap3A_2187 = tpu.vector_load %arg6[%swap3A_2185, %swap3A_2186] {strides = array<i32>} : memref<10x128xi32, #tpu.memory_space<vmem>>, vector<16xi32>,
    tpu.vector_store %arg6[%swap3A_2185, %swap3A_2186], %add3A_2183 {strides = array<i32>} : memref<10x128xi32, #tpu.memory_space<vmem>>, vector<16xi32>,
    %get3A_2188 = arith.constant 9 : i32
    %get3A_2189 = arith.index_cast %get3A_2188 : i32 to index
    %get3A_2190 = arith.constant 48 : index
    %get3A_2191 = tpu.vector_load %arg5[%get3A_2189, %get3A_2190] {strides = array<i32>} : memref<10x128xi32, #tpu.memory_space<vmem>>, vector<16xi32>,
    %shift_right_arithmetic3A_2192 = arith.constant 3 : i32
    %shift_right_arithmetic3A_2193 = vector.broadcast %shift_right_arithmetic3A_2192 : i32 to vector<16xi32>
    %shift_right_arithmetic3A_2194 = arith.shrsi %get3A_2191, %shift_right_arithmetic3A_2193 : vector<16xi32>
    %mul3A_2195 = arith.constant 32768 : i32
    %mul3A_2196 = vector.broadcast %mul3A_2195 : i32 to vector<16xi32>
    %mul3A_2197 = arith.muli %shift_right_arithmetic3A_2194, %mul3A_2196 : vector<16xi32>
    %and3A_2198 = arith.constant 7 : i32
    %and3A_2199 = vector.broadcast %and3A_2198 : i32 to vector<16xi32>
    %and3A_2200 = arith.andi %get3A_2191, %and3A_2199 : vector<16xi32>
    %mul3A_2201 = arith.constant 128 : i32
    %mul3A_2202 = vector.broadcast %mul3A_2201 : i32 to vector<16xi32>
    %mul3A_2203 = arith.muli %and3A_2200, %mul3A_2202 : vector<16xi32>
    %add3A_2204 = arith.addi %mul3A_2197, %mul3A_2203 : vector<16xi32>
    %mul3A_2205 = arith.constant 1024 : i32
    %mul3A_2206 = arith.muli %add3A, %mul3A_2205 : i32
    %add3A_2207 = arith.constant 48 : i32
    %add3A_2208 = arith.addi %mul3A_2206, %add3A_2207 : i32
    %add3A_2209 = vector.broadcast %add3A_2208 : i32 to vector<16xi32>
    %add3A_2210 = arith.addi %add3A_2204, %add3A_2209 : vector<16xi32>
    %add3A_2211 = arith.addi %add3A_2210, %iota3A : vector<16xi32>
    %swap3A_2212 = arith.constant 9 : i32
    %swap3A_2213 = arith.index_cast %swap3A_2212 : i32 to index
    %swap3A_2214 = arith.constant 48 : index
    %swap3A_2215 = tpu.vector_load %arg6[%swap3A_2213, %swap3A_2214] {strides = array<i32>} : memref<10x128xi32, #tpu.memory_space<vmem>>, vector<16xi32>,
    tpu.vector_store %arg6[%swap3A_2213, %swap3A_2214], %add3A_2211 {strides = array<i32>} : memref<10x128xi32, #tpu.memory_space<vmem>>, vector<16xi32>,
    %get3A_2216 = arith.constant 9 : i32
    %get3A_2217 = arith.index_cast %get3A_2216 : i32 to index
    %get3A_2218 = arith.constant 64 : index
    %get3A_2219 = tpu.vector_load %arg5[%get3A_2217, %get3A_2218] {strides = array<i32>} : memref<10x128xi32, #tpu.memory_space<vmem>>, vector<16xi32>,
    %shift_right_arithmetic3A_2220 = arith.constant 3 : i32
    %shift_right_arithmetic3A_2221 = vector.broadcast %shift_right_arithmetic3A_2220 : i32 to vector<16xi32>
    %shift_right_arithmetic3A_2222 = arith.shrsi %get3A_2219, %shift_right_arithmetic3A_2221 : vector<16xi32>
    %mul3A_2223 = arith.constant 32768 : i32
    %mul3A_2224 = vector.broadcast %mul3A_2223 : i32 to vector<16xi32>
    %mul3A_2225 = arith.muli %shift_right_arithmetic3A_2222, %mul3A_2224 : vector<16xi32>
    %and3A_2226 = arith.constant 7 : i32
    %and3A_2227 = vector.broadcast %and3A_2226 : i32 to vector<16xi32>
    %and3A_2228 = arith.andi %get3A_2219, %and3A_2227 : vector<16xi32>
    %mul3A_2229 = arith.constant 128 : i32
    %mul3A_2230 = vector.broadcast %mul3A_2229 : i32 to vector<16xi32>
    %mul3A_2231 = arith.muli %and3A_2228, %mul3A_2230 : vector<16xi32>
    %add3A_2232 = arith.addi %mul3A_2225, %mul3A_2231 : vector<16xi32>
    %mul3A_2233 = arith.constant 1024 : i32
    %mul3A_2234 = arith.muli %add3A, %mul3A_2233 : i32
    %add3A_2235 = arith.constant 64 : i32
    %add3A_2236 = arith.addi %mul3A_2234, %add3A_2235 : i32
    %add3A_2237 = vector.broadcast %add3A_2236 : i32 to vector<16xi32>
    %add3A_2238 = arith.addi %add3A_2232, %add3A_2237 : vector<16xi32>
    %add3A_2239 = arith.addi %add3A_2238, %iota3A : vector<16xi32>
    %swap3A_2240 = arith.constant 9 : i32
    %swap3A_2241 = arith.index_cast %swap3A_2240 : i32 to index
    %swap3A_2242 = arith.constant 64 : index
    %swap3A_2243 = tpu.vector_load %arg6[%swap3A_2241, %swap3A_2242] {strides = array<i32>} : memref<10x128xi32, #tpu.memory_space<vmem>>, vector<16xi32>,
    tpu.vector_store %arg6[%swap3A_2241, %swap3A_2242], %add3A_2239 {strides = array<i32>} : memref<10x128xi32, #tpu.memory_space<vmem>>, vector<16xi32>,
    %get3A_2244 = arith.constant 9 : i32
    %get3A_2245 = arith.index_cast %get3A_2244 : i32 to index
    %get3A_2246 = arith.constant 80 : index
    %get3A_2247 = tpu.vector_load %arg5[%get3A_2245, %get3A_2246] {strides = array<i32>} : memref<10x128xi32, #tpu.memory_space<vmem>>, vector<16xi32>,
    %shift_right_arithmetic3A_2248 = arith.constant 3 : i32
    %shift_right_arithmetic3A_2249 = vector.broadcast %shift_right_arithmetic3A_2248 : i32 to vector<16xi32>
    %shift_right_arithmetic3A_2250 = arith.shrsi %get3A_2247, %shift_right_arithmetic3A_2249 : vector<16xi32>
    %mul3A_2251 = arith.constant 32768 : i32
    %mul3A_2252 = vector.broadcast %mul3A_2251 : i32 to vector<16xi32>
    %mul3A_2253 = arith.muli %shift_right_arithmetic3A_2250, %mul3A_2252 : vector<16xi32>
    %and3A_2254 = arith.constant 7 : i32
    %and3A_2255 = vector.broadcast %and3A_2254 : i32 to vector<16xi32>
    %and3A_2256 = arith.andi %get3A_2247, %and3A_2255 : vector<16xi32>
    %mul3A_2257 = arith.constant 128 : i32
    %mul3A_2258 = vector.broadcast %mul3A_2257 : i32 to vector<16xi32>
    %mul3A_2259 = arith.muli %and3A_2256, %mul3A_2258 : vector<16xi32>
    %add3A_2260 = arith.addi %mul3A_2253, %mul3A_2259 : vector<16xi32>
    %mul3A_2261 = arith.constant 1024 : i32
    %mul3A_2262 = arith.muli %add3A, %mul3A_2261 : i32
    %add3A_2263 = arith.constant 80 : i32
    %add3A_2264 = arith.addi %mul3A_2262, %add3A_2263 : i32
    %add3A_2265 = vector.broadcast %add3A_2264 : i32 to vector<16xi32>
    %add3A_2266 = arith.addi %add3A_2260, %add3A_2265 : vector<16xi32>
    %add3A_2267 = arith.addi %add3A_2266, %iota3A : vector<16xi32>
    %swap3A_2268 = arith.constant 9 : i32
    %swap3A_2269 = arith.index_cast %swap3A_2268 : i32 to index
    %swap3A_2270 = arith.constant 80 : index
    %swap3A_2271 = tpu.vector_load %arg6[%swap3A_2269, %swap3A_2270] {strides = array<i32>} : memref<10x128xi32, #tpu.memory_space<vmem>>, vector<16xi32>,
    tpu.vector_store %arg6[%swap3A_2269, %swap3A_2270], %add3A_2267 {strides = array<i32>} : memref<10x128xi32, #tpu.memory_space<vmem>>, vector<16xi32>,
    %get3A_2272 = arith.constant 9 : i32
    %get3A_2273 = arith.index_cast %get3A_2272 : i32 to index
    %get3A_2274 = arith.constant 96 : index
    %get3A_2275 = tpu.vector_load %arg5[%get3A_2273, %get3A_2274] {strides = array<i32>} : memref<10x128xi32, #tpu.memory_space<vmem>>, vector<16xi32>,
    %shift_right_arithmetic3A_2276 = arith.constant 3 : i32
    %shift_right_arithmetic3A_2277 = vector.broadcast %shift_right_arithmetic3A_2276 : i32 to vector<16xi32>
    %shift_right_arithmetic3A_2278 = arith.shrsi %get3A_2275, %shift_right_arithmetic3A_2277 : vector<16xi32>
    %mul3A_2279 = arith.constant 32768 : i32
    %mul3A_2280 = vector.broadcast %mul3A_2279 : i32 to vector<16xi32>
    %mul3A_2281 = arith.muli %shift_right_arithmetic3A_2278, %mul3A_2280 : vector<16xi32>
    %and3A_2282 = arith.constant 7 : i32
    %and3A_2283 = vector.broadcast %and3A_2282 : i32 to vector<16xi32>
    %and3A_2284 = arith.andi %get3A_2275, %and3A_2283 : vector<16xi32>
    %mul3A_2285 = arith.constant 128 : i32
    %mul3A_2286 = vector.broadcast %mul3A_2285 : i32 to vector<16xi32>
    %mul3A_2287 = arith.muli %and3A_2284, %mul3A_2286 : vector<16xi32>
    %add3A_2288 = arith.addi %mul3A_2281, %mul3A_2287 : vector<16xi32>
    %mul3A_2289 = arith.constant 1024 : i32
    %mul3A_2290 = arith.muli %add3A, %mul3A_2289 : i32
    %add3A_2291 = arith.constant 96 : i32
    %add3A_2292 = arith.addi %mul3A_2290, %add3A_2291 : i32
    %add3A_2293 = vector.broadcast %add3A_2292 : i32 to vector<16xi32>
    %add3A_2294 = arith.addi %add3A_2288, %add3A_2293 : vector<16xi32>
    %add3A_2295 = arith.addi %add3A_2294, %iota3A : vector<16xi32>
    %swap3A_2296 = arith.constant 9 : i32
    %swap3A_2297 = arith.index_cast %swap3A_2296 : i32 to index
    %swap3A_2298 = arith.constant 96 : index
    %swap3A_2299 = tpu.vector_load %arg6[%swap3A_2297, %swap3A_2298] {strides = array<i32>} : memref<10x128xi32, #tpu.memory_space<vmem>>, vector<16xi32>,
    tpu.vector_store %arg6[%swap3A_2297, %swap3A_2298], %add3A_2295 {strides = array<i32>} : memref<10x128xi32, #tpu.memory_space<vmem>>, vector<16xi32>,
    %get3A_2300 = arith.constant 9 : i32
    %get3A_2301 = arith.index_cast %get3A_2300 : i32 to index
    %get3A_2302 = arith.constant 112 : index
    %get3A_2303 = tpu.vector_load %arg5[%get3A_2301, %get3A_2302] {strides = array<i32>} : memref<10x128xi32, #tpu.memory_space<vmem>>, vector<16xi32>,
    %shift_right_arithmetic3A_2304 = arith.constant 3 : i32
    %shift_right_arithmetic3A_2305 = vector.broadcast %shift_right_arithmetic3A_2304 : i32 to vector<16xi32>
    %shift_right_arithmetic3A_2306 = arith.shrsi %get3A_2303, %shift_right_arithmetic3A_2305 : vector<16xi32>
    %mul3A_2307 = arith.constant 32768 : i32
    %mul3A_2308 = vector.broadcast %mul3A_2307 : i32 to vector<16xi32>
    %mul3A_2309 = arith.muli %shift_right_arithmetic3A_2306, %mul3A_2308 : vector<16xi32>
    %and3A_2310 = arith.constant 7 : i32
    %and3A_2311 = vector.broadcast %and3A_2310 : i32 to vector<16xi32>
    %and3A_2312 = arith.andi %get3A_2303, %and3A_2311 : vector<16xi32>
    %mul3A_2313 = arith.constant 128 : i32
    %mul3A_2314 = vector.broadcast %mul3A_2313 : i32 to vector<16xi32>
    %mul3A_2315 = arith.muli %and3A_2312, %mul3A_2314 : vector<16xi32>
    %add3A_2316 = arith.addi %mul3A_2309, %mul3A_2315 : vector<16xi32>
    %mul3A_2317 = arith.constant 1024 : i32
    %mul3A_2318 = arith.muli %add3A, %mul3A_2317 : i32
    %add3A_2319 = arith.constant 112 : i32
    %add3A_2320 = arith.addi %mul3A_2318, %add3A_2319 : i32
    %add3A_2321 = vector.broadcast %add3A_2320 : i32 to vector<16xi32>
    %add3A_2322 = arith.addi %add3A_2316, %add3A_2321 : vector<16xi32>
    %add3A_2323 = arith.addi %add3A_2322, %iota3A : vector<16xi32>
    %swap3A_2324 = arith.constant 9 : i32
    %swap3A_2325 = arith.index_cast %swap3A_2324 : i32 to index
    %swap3A_2326 = arith.constant 112 : index
    %swap3A_2327 = tpu.vector_load %arg6[%swap3A_2325, %swap3A_2326] {strides = array<i32>} : memref<10x128xi32, #tpu.memory_space<vmem>>, vector<16xi32>,
    tpu.vector_store %arg6[%swap3A_2325, %swap3A_2326], %add3A_2323 {strides = array<i32>} : memref<10x128xi32, #tpu.memory_space<vmem>>, vector<16xi32>,
    %dma_start3A_2328 = arith.constant 9 : i32
    %dma_start3A_2329 = arith.constant 9 : i32
    %dma_start3A_2330 = arith.constant 0 : i32
    %dma_start3A_2331 = tpu.memref_slice %arg7[%dma_start3A_2329, %dma_start3A_2330] : memref<10x128xf32, #tpu.memory_space<vmem>> -> memref<1x128xf32, #tpu.memory_space<vmem>>
    %dma_start3A_2332 = tpu.memref_squeeze %dma_start3A_2331 : memref<1x128xf32, #tpu.memory_space<vmem>> -> memref<128xf32, #tpu.memory_space<vmem>>
    %dma_start3A_2333 = arith.constant 0 : i32
    %dma_start3A_2334 = tpu.memref_slice %arg6[%dma_start3A_2328, %dma_start3A_2333] : memref<10x128xi32, #tpu.memory_space<vmem>> -> memref<1x128xi32, #tpu.memory_space<vmem>>
    %dma_start3A_2335 = tpu.memref_squeeze %dma_start3A_2334 : memref<1x128xi32, #tpu.memory_space<vmem>> -> memref<128xi32, #tpu.memory_space<vmem>>
    %dma_start3A_2336 = arith.constant 0 : i32
    %dma_start3A_2337 = tpu.memref_slice %arg2[%dma_start3A_2336] : memref<4096000xf32, #tpu.memory_space<hbm>> -> memref<4096000xf32, #tpu.memory_space<hbm>>
    tpu.enqueue_indirect_dma source(%dma_start3A_2337 : memref<4096000xf32, #tpu.memory_space<hbm>>) target(%dma_start3A_2332 : memref<128xf32, #tpu.memory_space<vmem>>) offsets(%dma_start3A_2335 : memref<128xi32, #tpu.memory_space<vmem>>) semaphore(%arg9 : memref<!tpu.dma_semaphore, #tpu.memory_space<semaphore_mem>>)
    %dma_wait3A = arith.constant 0 : i32
    %dma_wait3A_2338 = arith.constant 0 : i32
    %dma_wait3A_2339 = arith.constant 0 : i32
    %dma_wait3A_2340 = tpu.memref_slice %arg7[%dma_wait3A_2338, %dma_wait3A_2339] : memref<10x128xf32, #tpu.memory_space<vmem>> -> memref<1x128xf32, #tpu.memory_space<vmem>>
    %dma_wait3A_2341 = tpu.memref_squeeze %dma_wait3A_2340 : memref<1x128xf32, #tpu.memory_space<vmem>> -> memref<128xf32, #tpu.memory_space<vmem>>
    %dma_wait3A_2342 = arith.constant 0 : i32
    %dma_wait3A_2343 = tpu.memref_slice %arg6[%dma_wait3A, %dma_wait3A_2342] : memref<10x128xi32, #tpu.memory_space<vmem>> -> memref<1x128xi32, #tpu.memory_space<vmem>>
    %dma_wait3A_2344 = tpu.memref_squeeze %dma_wait3A_2343 : memref<1x128xi32, #tpu.memory_space<vmem>> -> memref<128xi32, #tpu.memory_space<vmem>>
    %dma_wait3A_2345 = arith.constant 0 : i32
    %dma_wait3A_2346 = tpu.memref_slice %arg2[%dma_wait3A_2345] : memref<4096000xf32, #tpu.memory_space<hbm>> -> memref<4096000xf32, #tpu.memory_space<hbm>>
    tpu.wait_indirect_dma semaphore(%arg9 : memref<!tpu.dma_semaphore, #tpu.memory_space<semaphore_mem>>) src(%dma_wait3A_2346 : memref<4096000xf32, #tpu.memory_space<hbm>>) dst(%dma_wait3A_2341 : memref<128xf32, #tpu.memory_space<vmem>>)
    %dma_wait3A_2347 = arith.constant 1 : i32
    %dma_wait3A_2348 = arith.constant 1 : i32
    %dma_wait3A_2349 = arith.constant 0 : i32
    %dma_wait3A_2350 = tpu.memref_slice %arg7[%dma_wait3A_2348, %dma_wait3A_2349] : memref<10x128xf32, #tpu.memory_space<vmem>> -> memref<1x128xf32, #tpu.memory_space<vmem>>
    %dma_wait3A_2351 = tpu.memref_squeeze %dma_wait3A_2350 : memref<1x128xf32, #tpu.memory_space<vmem>> -> memref<128xf32, #tpu.memory_space<vmem>>
    %dma_wait3A_2352 = arith.constant 0 : i32
    %dma_wait3A_2353 = tpu.memref_slice %arg6[%dma_wait3A_2347, %dma_wait3A_2352] : memref<10x128xi32, #tpu.memory_space<vmem>> -> memref<1x128xi32, #tpu.memory_space<vmem>>
    %dma_wait3A_2354 = tpu.memref_squeeze %dma_wait3A_2353 : memref<1x128xi32, #tpu.memory_space<vmem>> -> memref<128xi32, #tpu.memory_space<vmem>>
    %dma_wait3A_2355 = arith.constant 0 : i32
    %dma_wait3A_2356 = tpu.memref_slice %arg2[%dma_wait3A_2355] : memref<4096000xf32, #tpu.memory_space<hbm>> -> memref<4096000xf32, #tpu.memory_space<hbm>>
    tpu.wait_indirect_dma semaphore(%arg9 : memref<!tpu.dma_semaphore, #tpu.memory_space<semaphore_mem>>) src(%dma_wait3A_2356 : memref<4096000xf32, #tpu.memory_space<hbm>>) dst(%dma_wait3A_2351 : memref<128xf32, #tpu.memory_space<vmem>>)
    %dma_wait3A_2357 = arith.constant 2 : i32
    %dma_wait3A_2358 = arith.constant 2 : i32
    %dma_wait3A_2359 = arith.constant 0 : i32
    %dma_wait3A_2360 = tpu.memref_slice %arg7[%dma_wait3A_2358, %dma_wait3A_2359] : memref<10x128xf32, #tpu.memory_space<vmem>> -> memref<1x128xf32, #tpu.memory_space<vmem>>
    %dma_wait3A_2361 = tpu.memref_squeeze %dma_wait3A_2360 : memref<1x128xf32, #tpu.memory_space<vmem>> -> memref<128xf32, #tpu.memory_space<vmem>>
    %dma_wait3A_2362 = arith.constant 0 : i32
    %dma_wait3A_2363 = tpu.memref_slice %arg6[%dma_wait3A_2357, %dma_wait3A_2362] : memref<10x128xi32, #tpu.memory_space<vmem>> -> memref<1x128xi32, #tpu.memory_space<vmem>>
    %dma_wait3A_2364 = tpu.memref_squeeze %dma_wait3A_2363 : memref<1x128xi32, #tpu.memory_space<vmem>> -> memref<128xi32, #tpu.memory_space<vmem>>
    %dma_wait3A_2365 = arith.constant 0 : i32
    %dma_wait3A_2366 = tpu.memref_slice %arg2[%dma_wait3A_2365] : memref<4096000xf32, #tpu.memory_space<hbm>> -> memref<4096000xf32, #tpu.memory_space<hbm>>
    tpu.wait_indirect_dma semaphore(%arg9 : memref<!tpu.dma_semaphore, #tpu.memory_space<semaphore_mem>>) src(%dma_wait3A_2366 : memref<4096000xf32, #tpu.memory_space<hbm>>) dst(%dma_wait3A_2361 : memref<128xf32, #tpu.memory_space<vmem>>)
    %dma_wait3A_2367 = arith.constant 3 : i32
    %dma_wait3A_2368 = arith.constant 3 : i32
    %dma_wait3A_2369 = arith.constant 0 : i32
    %dma_wait3A_2370 = tpu.memref_slice %arg7[%dma_wait3A_2368, %dma_wait3A_2369] : memref<10x128xf32, #tpu.memory_space<vmem>> -> memref<1x128xf32, #tpu.memory_space<vmem>>
    %dma_wait3A_2371 = tpu.memref_squeeze %dma_wait3A_2370 : memref<1x128xf32, #tpu.memory_space<vmem>> -> memref<128xf32, #tpu.memory_space<vmem>>
    %dma_wait3A_2372 = arith.constant 0 : i32
    %dma_wait3A_2373 = tpu.memref_slice %arg6[%dma_wait3A_2367, %dma_wait3A_2372] : memref<10x128xi32, #tpu.memory_space<vmem>> -> memref<1x128xi32, #tpu.memory_space<vmem>>
    %dma_wait3A_2374 = tpu.memref_squeeze %dma_wait3A_2373 : memref<1x128xi32, #tpu.memory_space<vmem>> -> memref<128xi32, #tpu.memory_space<vmem>>
    %dma_wait3A_2375 = arith.constant 0 : i32
    %dma_wait3A_2376 = tpu.memref_slice %arg2[%dma_wait3A_2375] : memref<4096000xf32, #tpu.memory_space<hbm>> -> memref<4096000xf32, #tpu.memory_space<hbm>>
    tpu.wait_indirect_dma semaphore(%arg9 : memref<!tpu.dma_semaphore, #tpu.memory_space<semaphore_mem>>) src(%dma_wait3A_2376 : memref<4096000xf32, #tpu.memory_space<hbm>>) dst(%dma_wait3A_2371 : memref<128xf32, #tpu.memory_space<vmem>>)
    %dma_wait3A_2377 = arith.constant 4 : i32
    %dma_wait3A_2378 = arith.constant 4 : i32
    %dma_wait3A_2379 = arith.constant 0 : i32
    %dma_wait3A_2380 = tpu.memref_slice %arg7[%dma_wait3A_2378, %dma_wait3A_2379] : memref<10x128xf32, #tpu.memory_space<vmem>> -> memref<1x128xf32, #tpu.memory_space<vmem>>
    %dma_wait3A_2381 = tpu.memref_squeeze %dma_wait3A_2380 : memref<1x128xf32, #tpu.memory_space<vmem>> -> memref<128xf32, #tpu.memory_space<vmem>>
    %dma_wait3A_2382 = arith.constant 0 : i32
    %dma_wait3A_2383 = tpu.memref_slice %arg6[%dma_wait3A_2377, %dma_wait3A_2382] : memref<10x128xi32, #tpu.memory_space<vmem>> -> memref<1x128xi32, #tpu.memory_space<vmem>>
    %dma_wait3A_2384 = tpu.memref_squeeze %dma_wait3A_2383 : memref<1x128xi32, #tpu.memory_space<vmem>> -> memref<128xi32, #tpu.memory_space<vmem>>
    %dma_wait3A_2385 = arith.constant 0 : i32
    %dma_wait3A_2386 = tpu.memref_slice %arg2[%dma_wait3A_2385] : memref<4096000xf32, #tpu.memory_space<hbm>> -> memref<4096000xf32, #tpu.memory_space<hbm>>
    tpu.wait_indirect_dma semaphore(%arg9 : memref<!tpu.dma_semaphore, #tpu.memory_space<semaphore_mem>>) src(%dma_wait3A_2386 : memref<4096000xf32, #tpu.memory_space<hbm>>) dst(%dma_wait3A_2381 : memref<128xf32, #tpu.memory_space<vmem>>)
    %dma_wait3A_2387 = arith.constant 5 : i32
    %dma_wait3A_2388 = arith.constant 5 : i32
    %dma_wait3A_2389 = arith.constant 0 : i32
    %dma_wait3A_2390 = tpu.memref_slice %arg7[%dma_wait3A_2388, %dma_wait3A_2389] : memref<10x128xf32, #tpu.memory_space<vmem>> -> memref<1x128xf32, #tpu.memory_space<vmem>>
    %dma_wait3A_2391 = tpu.memref_squeeze %dma_wait3A_2390 : memref<1x128xf32, #tpu.memory_space<vmem>> -> memref<128xf32, #tpu.memory_space<vmem>>
    %dma_wait3A_2392 = arith.constant 0 : i32
    %dma_wait3A_2393 = tpu.memref_slice %arg6[%dma_wait3A_2387, %dma_wait3A_2392] : memref<10x128xi32, #tpu.memory_space<vmem>> -> memref<1x128xi32, #tpu.memory_space<vmem>>
    %dma_wait3A_2394 = tpu.memref_squeeze %dma_wait3A_2393 : memref<1x128xi32, #tpu.memory_space<vmem>> -> memref<128xi32, #tpu.memory_space<vmem>>
    %dma_wait3A_2395 = arith.constant 0 : i32
    %dma_wait3A_2396 = tpu.memref_slice %arg2[%dma_wait3A_2395] : memref<4096000xf32, #tpu.memory_space<hbm>> -> memref<4096000xf32, #tpu.memory_space<hbm>>
    tpu.wait_indirect_dma semaphore(%arg9 : memref<!tpu.dma_semaphore, #tpu.memory_space<semaphore_mem>>) src(%dma_wait3A_2396 : memref<4096000xf32, #tpu.memory_space<hbm>>) dst(%dma_wait3A_2391 : memref<128xf32, #tpu.memory_space<vmem>>)
    %dma_wait3A_2397 = arith.constant 6 : i32
    %dma_wait3A_2398 = arith.constant 6 : i32
    %dma_wait3A_2399 = arith.constant 0 : i32
    %dma_wait3A_2400 = tpu.memref_slice %arg7[%dma_wait3A_2398, %dma_wait3A_2399] : memref<10x128xf32, #tpu.memory_space<vmem>> -> memref<1x128xf32, #tpu.memory_space<vmem>>
    %dma_wait3A_2401 = tpu.memref_squeeze %dma_wait3A_2400 : memref<1x128xf32, #tpu.memory_space<vmem>> -> memref<128xf32, #tpu.memory_space<vmem>>
    %dma_wait3A_2402 = arith.constant 0 : i32
    %dma_wait3A_2403 = tpu.memref_slice %arg6[%dma_wait3A_2397, %dma_wait3A_2402] : memref<10x128xi32, #tpu.memory_space<vmem>> -> memref<1x128xi32, #tpu.memory_space<vmem>>
    %dma_wait3A_2404 = tpu.memref_squeeze %dma_wait3A_2403 : memref<1x128xi32, #tpu.memory_space<vmem>> -> memref<128xi32, #tpu.memory_space<vmem>>
    %dma_wait3A_2405 = arith.constant 0 : i32
    %dma_wait3A_2406 = tpu.memref_slice %arg2[%dma_wait3A_2405] : memref<4096000xf32, #tpu.memory_space<hbm>> -> memref<4096000xf32, #tpu.memory_space<hbm>>
    tpu.wait_indirect_dma semaphore(%arg9 : memref<!tpu.dma_semaphore, #tpu.memory_space<semaphore_mem>>) src(%dma_wait3A_2406 : memref<4096000xf32, #tpu.memory_space<hbm>>) dst(%dma_wait3A_2401 : memref<128xf32, #tpu.memory_space<vmem>>)
    %dma_wait3A_2407 = arith.constant 7 : i32
    %dma_wait3A_2408 = arith.constant 7 : i32
    %dma_wait3A_2409 = arith.constant 0 : i32
    %dma_wait3A_2410 = tpu.memref_slice %arg7[%dma_wait3A_2408, %dma_wait3A_2409] : memref<10x128xf32, #tpu.memory_space<vmem>> -> memref<1x128xf32, #tpu.memory_space<vmem>>
    %dma_wait3A_2411 = tpu.memref_squeeze %dma_wait3A_2410 : memref<1x128xf32, #tpu.memory_space<vmem>> -> memref<128xf32, #tpu.memory_space<vmem>>
    %dma_wait3A_2412 = arith.constant 0 : i32
    %dma_wait3A_2413 = tpu.memref_slice %arg6[%dma_wait3A_2407, %dma_wait3A_2412] : memref<10x128xi32, #tpu.memory_space<vmem>> -> memref<1x128xi32, #tpu.memory_space<vmem>>
    %dma_wait3A_2414 = tpu.memref_squeeze %dma_wait3A_2413 : memref<1x128xi32, #tpu.memory_space<vmem>> -> memref<128xi32, #tpu.memory_space<vmem>>
    %dma_wait3A_2415 = arith.constant 0 : i32
    %dma_wait3A_2416 = tpu.memref_slice %arg2[%dma_wait3A_2415] : memref<4096000xf32, #tpu.memory_space<hbm>> -> memref<4096000xf32, #tpu.memory_space<hbm>>
    tpu.wait_indirect_dma semaphore(%arg9 : memref<!tpu.dma_semaphore, #tpu.memory_space<semaphore_mem>>) src(%dma_wait3A_2416 : memref<4096000xf32, #tpu.memory_space<hbm>>) dst(%dma_wait3A_2411 : memref<128xf32, #tpu.memory_space<vmem>>)
    %dma_wait3A_2417 = arith.constant 8 : i32
    %dma_wait3A_2418 = arith.constant 8 : i32
    %dma_wait3A_2419 = arith.constant 0 : i32
    %dma_wait3A_2420 = tpu.memref_slice %arg7[%dma_wait3A_2418, %dma_wait3A_2419] : memref<10x128xf32, #tpu.memory_space<vmem>> -> memref<1x128xf32, #tpu.memory_space<vmem>>
    %dma_wait3A_2421 = tpu.memref_squeeze %dma_wait3A_2420 : memref<1x128xf32, #tpu.memory_space<vmem>> -> memref<128xf32, #tpu.memory_space<vmem>>
    %dma_wait3A_2422 = arith.constant 0 : i32
    %dma_wait3A_2423 = tpu.memref_slice %arg6[%dma_wait3A_2417, %dma_wait3A_2422] : memref<10x128xi32, #tpu.memory_space<vmem>> -> memref<1x128xi32, #tpu.memory_space<vmem>>
    %dma_wait3A_2424 = tpu.memref_squeeze %dma_wait3A_2423 : memref<1x128xi32, #tpu.memory_space<vmem>> -> memref<128xi32, #tpu.memory_space<vmem>>
    %dma_wait3A_2425 = arith.constant 0 : i32
    %dma_wait3A_2426 = tpu.memref_slice %arg2[%dma_wait3A_2425] : memref<4096000xf32, #tpu.memory_space<hbm>> -> memref<4096000xf32, #tpu.memory_space<hbm>>
    tpu.wait_indirect_dma semaphore(%arg9 : memref<!tpu.dma_semaphore, #tpu.memory_space<semaphore_mem>>) src(%dma_wait3A_2426 : memref<4096000xf32, #tpu.memory_space<hbm>>) dst(%dma_wait3A_2421 : memref<128xf32, #tpu.memory_space<vmem>>)
    %dma_wait3A_2427 = arith.constant 9 : i32
    %dma_wait3A_2428 = arith.constant 9 : i32
    %dma_wait3A_2429 = arith.constant 0 : i32
    %dma_wait3A_2430 = tpu.memref_slice %arg7[%dma_wait3A_2428, %dma_wait3A_2429] : memref<10x128xf32, #tpu.memory_space<vmem>> -> memref<1x128xf32, #tpu.memory_space<vmem>>
    %dma_wait3A_2431 = tpu.memref_squeeze %dma_wait3A_2430 : memref<1x128xf32, #tpu.memory_space<vmem>> -> memref<128xf32, #tpu.memory_space<vmem>>
    %dma_wait3A_2432 = arith.constant 0 : i32
    %dma_wait3A_2433 = tpu.memref_slice %arg6[%dma_wait3A_2427, %dma_wait3A_2432] : memref<10x128xi32, #tpu.memory_space<vmem>> -> memref<1x128xi32, #tpu.memory_space<vmem>>
    %dma_wait3A_2434 = tpu.memref_squeeze %dma_wait3A_2433 : memref<1x128xi32, #tpu.memory_space<vmem>> -> memref<128xi32, #tpu.memory_space<vmem>>
    %dma_wait3A_2435 = arith.constant 0 : i32
    %dma_wait3A_2436 = tpu.memref_slice %arg2[%dma_wait3A_2435] : memref<4096000xf32, #tpu.memory_space<hbm>> -> memref<4096000xf32, #tpu.memory_space<hbm>>
    tpu.wait_indirect_dma semaphore(%arg9 : memref<!tpu.dma_semaphore, #tpu.memory_space<semaphore_mem>>) src(%dma_wait3A_2436 : memref<4096000xf32, #tpu.memory_space<hbm>>) dst(%dma_wait3A_2431 : memref<128xf32, #tpu.memory_space<vmem>>)
    %broadcast_in_dim3A = arith.constant 0.000000e+00 : f32
    %broadcast_in_dim3A_2437 = vector.broadcast %broadcast_in_dim3A : f32 to vector<16xf32>
    %scan3A = arith.constant 0 : i32
    %scan3A_2438 = arith.constant 8 : i32
    %scan3A_2439 = arith.addi %scan3A, %scan3A_2438 : i32
    %scan3A_2440 = arith.constant 1 : i32
    %scan3A_2441 = scf.for %scan3A_2445 = %scan3A to %scan3A_2439 step %scan3A_2440 iter_args(%scan3A_2446 = %broadcast_in_dim3A_2437) -> (vector<16xf32>)  : i32 {
      %mul3A_2447 = arith.constant 16 : i32
      %mul3A_2448 = arith.muli %scan3A_2445, %mul3A_2447 : i32
      %get3A_2449 = arith.constant 0 : i32
      %get3A_2450 = arith.index_cast %get3A_2449 : i32 to index
      %get3A_2451 = arith.index_cast %mul3A_2448 : i32 to index
      %get3A_2452 = tpu.vector_load %arg5[%get3A_2450, %get3A_2451] {strides = array<i32>} : memref<10x128xi32, #tpu.memory_space<vmem>>, vector<16xi32>,
      %mul3A_2453 = arith.constant 16 : i32
      %mul3A_2454 = arith.muli %scan3A_2445, %mul3A_2453 : i32
      %get3A_2455 = arith.constant 1 : i32
      %get3A_2456 = arith.index_cast %get3A_2455 : i32 to index
      %get3A_2457 = arith.index_cast %mul3A_2454 : i32 to index
      %get3A_2458 = tpu.vector_load %arg5[%get3A_2456, %get3A_2457] {strides = array<i32>} : memref<10x128xi32, #tpu.memory_space<vmem>>, vector<16xi32>,
      %mul3A_2459 = arith.constant 16 : i32
      %mul3A_2460 = arith.muli %scan3A_2445, %mul3A_2459 : i32
      %get3A_2461 = arith.constant 2 : i32
      %get3A_2462 = arith.index_cast %get3A_2461 : i32 to index
      %get3A_2463 = arith.index_cast %mul3A_2460 : i32 to index
      %get3A_2464 = tpu.vector_load %arg5[%get3A_2462, %get3A_2463] {strides = array<i32>} : memref<10x128xi32, #tpu.memory_space<vmem>>, vector<16xi32>,
      %mul3A_2465 = arith.constant 16 : i32
      %mul3A_2466 = arith.muli %scan3A_2445, %mul3A_2465 : i32
      %get3A_2467 = arith.constant 3 : i32
      %get3A_2468 = arith.index_cast %get3A_2467 : i32 to index
      %get3A_2469 = arith.index_cast %mul3A_2466 : i32 to index
      %get3A_2470 = tpu.vector_load %arg5[%get3A_2468, %get3A_2469] {strides = array<i32>} : memref<10x128xi32, #tpu.memory_space<vmem>>, vector<16xi32>,
      %mul3A_2471 = arith.constant 16 : i32
      %mul3A_2472 = arith.muli %scan3A_2445, %mul3A_2471 : i32
      %get3A_2473 = arith.constant 4 : i32
      %get3A_2474 = arith.index_cast %get3A_2473 : i32 to index
      %get3A_2475 = arith.index_cast %mul3A_2472 : i32 to index
      %get3A_2476 = tpu.vector_load %arg5[%get3A_2474, %get3A_2475] {strides = array<i32>} : memref<10x128xi32, #tpu.memory_space<vmem>>, vector<16xi32>,
      %mul3A_2477 = arith.constant 16 : i32
      %mul3A_2478 = arith.muli %scan3A_2445, %mul3A_2477 : i32
      %get3A_2479 = arith.constant 5 : i32
      %get3A_2480 = arith.index_cast %get3A_2479 : i32 to index
      %get3A_2481 = arith.index_cast %mul3A_2478 : i32 to index
      %get3A_2482 = tpu.vector_load %arg5[%get3A_2480, %get3A_2481] {strides = array<i32>} : memref<10x128xi32, #tpu.memory_space<vmem>>, vector<16xi32>,
      %mul3A_2483 = arith.constant 16 : i32
      %mul3A_2484 = arith.muli %scan3A_2445, %mul3A_2483 : i32
      %get3A_2485 = arith.constant 6 : i32
      %get3A_2486 = arith.index_cast %get3A_2485 : i32 to index
      %get3A_2487 = arith.index_cast %mul3A_2484 : i32 to index
      %get3A_2488 = tpu.vector_load %arg5[%get3A_2486, %get3A_2487] {strides = array<i32>} : memref<10x128xi32, #tpu.memory_space<vmem>>, vector<16xi32>,
      %mul3A_2489 = arith.constant 16 : i32
      %mul3A_2490 = arith.muli %scan3A_2445, %mul3A_2489 : i32
      %get3A_2491 = arith.constant 7 : i32
      %get3A_2492 = arith.index_cast %get3A_2491 : i32 to index
      %get3A_2493 = arith.index_cast %mul3A_2490 : i32 to index
      %get3A_2494 = tpu.vector_load %arg5[%get3A_2492, %get3A_2493] {strides = array<i32>} : memref<10x128xi32, #tpu.memory_space<vmem>>, vector<16xi32>,
      %mul3A_2495 = arith.constant 16 : i32
      %mul3A_2496 = arith.muli %scan3A_2445, %mul3A_2495 : i32
      %get3A_2497 = arith.constant 8 : i32
      %get3A_2498 = arith.index_cast %get3A_2497 : i32 to index
      %get3A_2499 = arith.index_cast %mul3A_2496 : i32 to index
      %get3A_2500 = tpu.vector_load %arg5[%get3A_2498, %get3A_2499] {strides = array<i32>} : memref<10x128xi32, #tpu.memory_space<vmem>>, vector<16xi32>,
      %mul3A_2501 = arith.constant 16 : i32
      %mul3A_2502 = arith.muli %scan3A_2445, %mul3A_2501 : i32
      %get3A_2503 = arith.constant 9 : i32
      %get3A_2504 = arith.index_cast %get3A_2503 : i32 to index
      %get3A_2505 = arith.index_cast %mul3A_2502 : i32 to index
      %get3A_2506 = tpu.vector_load %arg5[%get3A_2504, %get3A_2505] {strides = array<i32>} : memref<10x128xi32, #tpu.memory_space<vmem>>, vector<16xi32>,
      %mul3A_2507 = arith.constant 16 : i32
      %mul3A_2508 = arith.muli %scan3A_2445, %mul3A_2507 : i32
      %get3A_2509 = arith.constant 0 : i32
      %get3A_2510 = arith.index_cast %get3A_2509 : i32 to index
      %get3A_2511 = arith.index_cast %mul3A_2508 : i32 to index
      %get3A_2512 = tpu.vector_load %arg7[%get3A_2510, %get3A_2511] {strides = array<i32>} : memref<10x128xf32, #tpu.memory_space<vmem>>, vector<16xf32>,
      %mul3A_2513 = arith.constant 16 : i32
      %mul3A_2514 = arith.muli %scan3A_2445, %mul3A_2513 : i32
      %get3A_2515 = arith.constant 1 : i32
      %get3A_2516 = arith.index_cast %get3A_2515 : i32 to index
      %get3A_2517 = arith.index_cast %mul3A_2514 : i32 to index
      %get3A_2518 = tpu.vector_load %arg7[%get3A_2516, %get3A_2517] {strides = array<i32>} : memref<10x128xf32, #tpu.memory_space<vmem>>, vector<16xf32>,
      %mul3A_2519 = arith.constant 16 : i32
      %mul3A_2520 = arith.muli %scan3A_2445, %mul3A_2519 : i32
      %get3A_2521 = arith.constant 2 : i32
      %get3A_2522 = arith.index_cast %get3A_2521 : i32 to index
      %get3A_2523 = arith.index_cast %mul3A_2520 : i32 to index
      %get3A_2524 = tpu.vector_load %arg7[%get3A_2522, %get3A_2523] {strides = array<i32>} : memref<10x128xf32, #tpu.memory_space<vmem>>, vector<16xf32>,
      %mul3A_2525 = arith.constant 16 : i32
      %mul3A_2526 = arith.muli %scan3A_2445, %mul3A_2525 : i32
      %get3A_2527 = arith.constant 3 : i32
      %get3A_2528 = arith.index_cast %get3A_2527 : i32 to index
      %get3A_2529 = arith.index_cast %mul3A_2526 : i32 to index
      %get3A_2530 = tpu.vector_load %arg7[%get3A_2528, %get3A_2529] {strides = array<i32>} : memref<10x128xf32, #tpu.memory_space<vmem>>, vector<16xf32>,
      %mul3A_2531 = arith.constant 16 : i32
      %mul3A_2532 = arith.muli %scan3A_2445, %mul3A_2531 : i32
      %get3A_2533 = arith.constant 4 : i32
      %get3A_2534 = arith.index_cast %get3A_2533 : i32 to index
      %get3A_2535 = arith.index_cast %mul3A_2532 : i32 to index
      %get3A_2536 = tpu.vector_load %arg7[%get3A_2534, %get3A_2535] {strides = array<i32>} : memref<10x128xf32, #tpu.memory_space<vmem>>, vector<16xf32>,
      %mul3A_2537 = arith.constant 16 : i32
      %mul3A_2538 = arith.muli %scan3A_2445, %mul3A_2537 : i32
      %get3A_2539 = arith.constant 5 : i32
      %get3A_2540 = arith.index_cast %get3A_2539 : i32 to index
      %get3A_2541 = arith.index_cast %mul3A_2538 : i32 to index
      %get3A_2542 = tpu.vector_load %arg7[%get3A_2540, %get3A_2541] {strides = array<i32>} : memref<10x128xf32, #tpu.memory_space<vmem>>, vector<16xf32>,
      %mul3A_2543 = arith.constant 16 : i32
      %mul3A_2544 = arith.muli %scan3A_2445, %mul3A_2543 : i32
      %get3A_2545 = arith.constant 6 : i32
      %get3A_2546 = arith.index_cast %get3A_2545 : i32 to index
      %get3A_2547 = arith.index_cast %mul3A_2544 : i32 to index
      %get3A_2548 = tpu.vector_load %arg7[%get3A_2546, %get3A_2547] {strides = array<i32>} : memref<10x128xf32, #tpu.memory_space<vmem>>, vector<16xf32>,
      %mul3A_2549 = arith.constant 16 : i32
      %mul3A_2550 = arith.muli %scan3A_2445, %mul3A_2549 : i32
      %get3A_2551 = arith.constant 7 : i32
      %get3A_2552 = arith.index_cast %get3A_2551 : i32 to index
      %get3A_2553 = arith.index_cast %mul3A_2550 : i32 to index
      %get3A_2554 = tpu.vector_load %arg7[%get3A_2552, %get3A_2553] {strides = array<i32>} : memref<10x128xf32, #tpu.memory_space<vmem>>, vector<16xf32>,
      %mul3A_2555 = arith.constant 16 : i32
      %mul3A_2556 = arith.muli %scan3A_2445, %mul3A_2555 : i32
      %get3A_2557 = arith.constant 8 : i32
      %get3A_2558 = arith.index_cast %get3A_2557 : i32 to index
      %get3A_2559 = arith.index_cast %mul3A_2556 : i32 to index
      %get3A_2560 = tpu.vector_load %arg7[%get3A_2558, %get3A_2559] {strides = array<i32>} : memref<10x128xf32, #tpu.memory_space<vmem>>, vector<16xf32>,
      %mul3A_2561 = arith.constant 16 : i32
      %mul3A_2562 = arith.muli %scan3A_2445, %mul3A_2561 : i32
      %get3A_2563 = arith.constant 9 : i32
      %get3A_2564 = arith.index_cast %get3A_2563 : i32 to index
      %get3A_2565 = arith.index_cast %mul3A_2562 : i32 to index
      %get3A_2566 = tpu.vector_load %arg7[%get3A_2564, %get3A_2565] {strides = array<i32>} : memref<10x128xf32, #tpu.memory_space<vmem>>, vector<16xf32>,
      %exp3A = math.exp %get3A_2512 : vector<16xf32>
      %add3A_2567 = arith.addf %scan3A_2446, %exp3A : vector<16xf32>
      %ne3A = arith.cmpi ne, %get3A_2458, %get3A_2452 : vector<16xi32>
      %exp3A_2568 = math.exp %get3A_2518 : vector<16xf32>
      %jit3A = arith.constant 0.000000e+00 : f32
      %broadcast_in_dim3A_2569 = vector.broadcast %jit3A : f32 to vector<16xf32>
      %select_n3A = arith.select %ne3A, %exp3A_2568, %broadcast_in_dim3A_2569 : vector<16xi1>, vector<16xf32>
      %add3A_2570 = arith.addf %add3A_2567, %select_n3A : vector<16xf32>
      %ne3A_2571 = arith.cmpi ne, %get3A_2464, %get3A_2452 : vector<16xi32>
      %ne3A_2572 = arith.cmpi ne, %get3A_2464, %get3A_2458 : vector<16xi32>
      %and3A_2573 = arith.andi %ne3A_2571, %ne3A_2572 : vector<16xi1>
      %exp3A_2574 = math.exp %get3A_2524 : vector<16xf32>
      %jit3A_2575 = arith.constant 0.000000e+00 : f32
      %broadcast_in_dim3A_2576 = vector.broadcast %jit3A_2575 : f32 to vector<16xf32>
      %select_n3A_2577 = arith.select %and3A_2573, %exp3A_2574, %broadcast_in_dim3A_2576 : vector<16xi1>, vector<16xf32>
      %add3A_2578 = arith.addf %add3A_2570, %select_n3A_2577 : vector<16xf32>
      %ne3A_2579 = arith.cmpi ne, %get3A_2470, %get3A_2452 : vector<16xi32>
      %ne3A_2580 = arith.cmpi ne, %get3A_2470, %get3A_2458 : vector<16xi32>
      %and3A_2581 = arith.andi %ne3A_2579, %ne3A_2580 : vector<16xi1>
      %ne3A_2582 = arith.cmpi ne, %get3A_2470, %get3A_2464 : vector<16xi32>
      %and3A_2583 = arith.andi %and3A_2581, %ne3A_2582 : vector<16xi1>
      %exp3A_2584 = math.exp %get3A_2530 : vector<16xf32>
      %jit3A_2585 = arith.constant 0.000000e+00 : f32
      %broadcast_in_dim3A_2586 = vector.broadcast %jit3A_2585 : f32 to vector<16xf32>
      %select_n3A_2587 = arith.select %and3A_2583, %exp3A_2584, %broadcast_in_dim3A_2586 : vector<16xi1>, vector<16xf32>
      %add3A_2588 = arith.addf %add3A_2578, %select_n3A_2587 : vector<16xf32>
      %ne3A_2589 = arith.cmpi ne, %get3A_2476, %get3A_2452 : vector<16xi32>
      %ne3A_2590 = arith.cmpi ne, %get3A_2476, %get3A_2458 : vector<16xi32>
      %and3A_2591 = arith.andi %ne3A_2589, %ne3A_2590 : vector<16xi1>
      %ne3A_2592 = arith.cmpi ne, %get3A_2476, %get3A_2464 : vector<16xi32>
      %and3A_2593 = arith.andi %and3A_2591, %ne3A_2592 : vector<16xi1>
      %ne3A_2594 = arith.cmpi ne, %get3A_2476, %get3A_2470 : vector<16xi32>
      %and3A_2595 = arith.andi %and3A_2593, %ne3A_2594 : vector<16xi1>
      %exp3A_2596 = math.exp %get3A_2536 : vector<16xf32>
      %jit3A_2597 = arith.constant 0.000000e+00 : f32
      %broadcast_in_dim3A_2598 = vector.broadcast %jit3A_2597 : f32 to vector<16xf32>
      %select_n3A_2599 = arith.select %and3A_2595, %exp3A_2596, %broadcast_in_dim3A_2598 : vector<16xi1>, vector<16xf32>
      %add3A_2600 = arith.addf %add3A_2588, %select_n3A_2599 : vector<16xf32>
      %ne3A_2601 = arith.cmpi ne, %get3A_2482, %get3A_2452 : vector<16xi32>
      %ne3A_2602 = arith.cmpi ne, %get3A_2482, %get3A_2458 : vector<16xi32>
      %and3A_2603 = arith.andi %ne3A_2601, %ne3A_2602 : vector<16xi1>
      %ne3A_2604 = arith.cmpi ne, %get3A_2482, %get3A_2464 : vector<16xi32>
      %and3A_2605 = arith.andi %and3A_2603, %ne3A_2604 : vector<16xi1>
      %ne3A_2606 = arith.cmpi ne, %get3A_2482, %get3A_2470 : vector<16xi32>
      %and3A_2607 = arith.andi %and3A_2605, %ne3A_2606 : vector<16xi1>
      %ne3A_2608 = arith.cmpi ne, %get3A_2482, %get3A_2476 : vector<16xi32>
      %and3A_2609 = arith.andi %and3A_2607, %ne3A_2608 : vector<16xi1>
      %exp3A_2610 = math.exp %get3A_2542 : vector<16xf32>
      %jit3A_2611 = arith.constant 0.000000e+00 : f32
      %broadcast_in_dim3A_2612 = vector.broadcast %jit3A_2611 : f32 to vector<16xf32>
      %select_n3A_2613 = arith.select %and3A_2609, %exp3A_2610, %broadcast_in_dim3A_2612 : vector<16xi1>, vector<16xf32>
      %add3A_2614 = arith.addf %add3A_2600, %select_n3A_2613 : vector<16xf32>
      %ne3A_2615 = arith.cmpi ne, %get3A_2488, %get3A_2452 : vector<16xi32>
      %ne3A_2616 = arith.cmpi ne, %get3A_2488, %get3A_2458 : vector<16xi32>
      %and3A_2617 = arith.andi %ne3A_2615, %ne3A_2616 : vector<16xi1>
      %ne3A_2618 = arith.cmpi ne, %get3A_2488, %get3A_2464 : vector<16xi32>
      %and3A_2619 = arith.andi %and3A_2617, %ne3A_2618 : vector<16xi1>
      %ne3A_2620 = arith.cmpi ne, %get3A_2488, %get3A_2470 : vector<16xi32>
      %and3A_2621 = arith.andi %and3A_2619, %ne3A_2620 : vector<16xi1>
      %ne3A_2622 = arith.cmpi ne, %get3A_2488, %get3A_2476 : vector<16xi32>
      %and3A_2623 = arith.andi %and3A_2621, %ne3A_2622 : vector<16xi1>
      %ne3A_2624 = arith.cmpi ne, %get3A_2488, %get3A_2482 : vector<16xi32>
      %and3A_2625 = arith.andi %and3A_2623, %ne3A_2624 : vector<16xi1>
      %exp3A_2626 = math.exp %get3A_2548 : vector<16xf32>
      %jit3A_2627 = arith.constant 0.000000e+00 : f32
      %broadcast_in_dim3A_2628 = vector.broadcast %jit3A_2627 : f32 to vector<16xf32>
      %select_n3A_2629 = arith.select %and3A_2625, %exp3A_2626, %broadcast_in_dim3A_2628 : vector<16xi1>, vector<16xf32>
      %add3A_2630 = arith.addf %add3A_2614, %select_n3A_2629 : vector<16xf32>
      %ne3A_2631 = arith.cmpi ne, %get3A_2494, %get3A_2452 : vector<16xi32>
      %ne3A_2632 = arith.cmpi ne, %get3A_2494, %get3A_2458 : vector<16xi32>
      %and3A_2633 = arith.andi %ne3A_2631, %ne3A_2632 : vector<16xi1>
      %ne3A_2634 = arith.cmpi ne, %get3A_2494, %get3A_2464 : vector<16xi32>
      %and3A_2635 = arith.andi %and3A_2633, %ne3A_2634 : vector<16xi1>
      %ne3A_2636 = arith.cmpi ne, %get3A_2494, %get3A_2470 : vector<16xi32>
      %and3A_2637 = arith.andi %and3A_2635, %ne3A_2636 : vector<16xi1>
      %ne3A_2638 = arith.cmpi ne, %get3A_2494, %get3A_2476 : vector<16xi32>
      %and3A_2639 = arith.andi %and3A_2637, %ne3A_2638 : vector<16xi1>
      %ne3A_2640 = arith.cmpi ne, %get3A_2494, %get3A_2482 : vector<16xi32>
      %and3A_2641 = arith.andi %and3A_2639, %ne3A_2640 : vector<16xi1>
      %ne3A_2642 = arith.cmpi ne, %get3A_2494, %get3A_2488 : vector<16xi32>
      %and3A_2643 = arith.andi %and3A_2641, %ne3A_2642 : vector<16xi1>
      %exp3A_2644 = math.exp %get3A_2554 : vector<16xf32>
      %jit3A_2645 = arith.constant 0.000000e+00 : f32
      %broadcast_in_dim3A_2646 = vector.broadcast %jit3A_2645 : f32 to vector<16xf32>
      %select_n3A_2647 = arith.select %and3A_2643, %exp3A_2644, %broadcast_in_dim3A_2646 : vector<16xi1>, vector<16xf32>
      %add3A_2648 = arith.addf %add3A_2630, %select_n3A_2647 : vector<16xf32>
      %ne3A_2649 = arith.cmpi ne, %get3A_2500, %get3A_2452 : vector<16xi32>
      %ne3A_2650 = arith.cmpi ne, %get3A_2500, %get3A_2458 : vector<16xi32>
      %and3A_2651 = arith.andi %ne3A_2649, %ne3A_2650 : vector<16xi1>
      %ne3A_2652 = arith.cmpi ne, %get3A_2500, %get3A_2464 : vector<16xi32>
      %and3A_2653 = arith.andi %and3A_2651, %ne3A_2652 : vector<16xi1>
      %ne3A_2654 = arith.cmpi ne, %get3A_2500, %get3A_2470 : vector<16xi32>
      %and3A_2655 = arith.andi %and3A_2653, %ne3A_2654 : vector<16xi1>
      %ne3A_2656 = arith.cmpi ne, %get3A_2500, %get3A_2476 : vector<16xi32>
      %and3A_2657 = arith.andi %and3A_2655, %ne3A_2656 : vector<16xi1>
      %ne3A_2658 = arith.cmpi ne, %get3A_2500, %get3A_2482 : vector<16xi32>
      %and3A_2659 = arith.andi %and3A_2657, %ne3A_2658 : vector<16xi1>
      %ne3A_2660 = arith.cmpi ne, %get3A_2500, %get3A_2488 : vector<16xi32>
      %and3A_2661 = arith.andi %and3A_2659, %ne3A_2660 : vector<16xi1>
      %ne3A_2662 = arith.cmpi ne, %get3A_2500, %get3A_2494 : vector<16xi32>
      %and3A_2663 = arith.andi %and3A_2661, %ne3A_2662 : vector<16xi1>
      %exp3A_2664 = math.exp %get3A_2560 : vector<16xf32>
      %jit3A_2665 = arith.constant 0.000000e+00 : f32
      %broadcast_in_dim3A_2666 = vector.broadcast %jit3A_2665 : f32 to vector<16xf32>
      %select_n3A_2667 = arith.select %and3A_2663, %exp3A_2664, %broadcast_in_dim3A_2666 : vector<16xi1>, vector<16xf32>
      %add3A_2668 = arith.addf %add3A_2648, %select_n3A_2667 : vector<16xf32>
      %ne3A_2669 = arith.cmpi ne, %get3A_2506, %get3A_2452 : vector<16xi32>
      %ne3A_2670 = arith.cmpi ne, %get3A_2506, %get3A_2458 : vector<16xi32>
      %and3A_2671 = arith.andi %ne3A_2669, %ne3A_2670 : vector<16xi1>
      %ne3A_2672 = arith.cmpi ne, %get3A_2506, %get3A_2464 : vector<16xi32>
      %and3A_2673 = arith.andi %and3A_2671, %ne3A_2672 : vector<16xi1>
      %ne3A_2674 = arith.cmpi ne, %get3A_2506, %get3A_2470 : vector<16xi32>
      %and3A_2675 = arith.andi %and3A_2673, %ne3A_2674 : vector<16xi1>
      %ne3A_2676 = arith.cmpi ne, %get3A_2506, %get3A_2476 : vector<16xi32>
      %and3A_2677 = arith.andi %and3A_2675, %ne3A_2676 : vector<16xi1>
      %ne3A_2678 = arith.cmpi ne, %get3A_2506, %get3A_2482 : vector<16xi32>
      %and3A_2679 = arith.andi %and3A_2677, %ne3A_2678 : vector<16xi1>
      %ne3A_2680 = arith.cmpi ne, %get3A_2506, %get3A_2488 : vector<16xi32>
      %and3A_2681 = arith.andi %and3A_2679, %ne3A_2680 : vector<16xi1>
      %ne3A_2682 = arith.cmpi ne, %get3A_2506, %get3A_2494 : vector<16xi32>
      %and3A_2683 = arith.andi %and3A_2681, %ne3A_2682 : vector<16xi1>
      %ne3A_2684 = arith.cmpi ne, %get3A_2506, %get3A_2500 : vector<16xi32>
      %and3A_2685 = arith.andi %and3A_2683, %ne3A_2684 : vector<16xi1>
      %exp3A_2686 = math.exp %get3A_2566 : vector<16xf32>
      %jit3A_2687 = arith.constant 0.000000e+00 : f32
      %broadcast_in_dim3A_2688 = vector.broadcast %jit3A_2687 : f32 to vector<16xf32>
      %select_n3A_2689 = arith.select %and3A_2685, %exp3A_2686, %broadcast_in_dim3A_2688 : vector<16xi1>, vector<16xf32>
      %add3A_2690 = arith.addf %add3A_2668, %select_n3A_2689 : vector<16xf32>
      scf.yield %add3A_2690 : vector<16xf32>
    }
    %scan3A_2442 = arith.constant 8 : i32
    %swap3A_2443 = arith.constant 0 : index
    %swap3A_2444 = tpu.vector_load %arg8[%swap3A_2443] {strides = array<i32>} : memref<16xf32, #tpu.memory_space<vmem>>, vector<16xf32>,
    tpu.vector_store %arg8[%swap3A_2443], %scan3A_2441 {strides = array<i32>} : memref<16xf32, #tpu.memory_space<vmem>>, vector<16xf32>,
    "tpu.region"() ({
      %run_scoped3A = tpu.sem_alloc : memref<!tpu.dma_semaphore, #tpu.memory_space<semaphore_mem>>
      %dma_start3A_2445 = arith.constant 0 : i32
      %dma_start3A_2446 = tpu.memref_slice %arg4[%add3A, %dma_start3A_2445] : memref<32x16xf32, #tpu.memory_space<hbm>> -> memref<1x16xf32, #tpu.memory_space<hbm>>
      %dma_start3A_2447 = tpu.memref_squeeze %dma_start3A_2446 : memref<1x16xf32, #tpu.memory_space<hbm>> -> memref<16xf32, #tpu.memory_space<hbm>>
      %dma_start3A_2448 = arith.constant 0 : i32
      %dma_start3A_2449 = tpu.memref_slice %arg4[%add3A, %dma_start3A_2448] : memref<32x16xf32, #tpu.memory_space<hbm>> -> memref<1x16xf32, #tpu.memory_space<hbm>>
      %dma_start3A_2450 = tpu.memref_squeeze %dma_start3A_2449 : memref<1x16xf32, #tpu.memory_space<hbm>> -> memref<16xf32, #tpu.memory_space<hbm>>
      tpu.enqueue_dma source(%arg8 : memref<16xf32, #tpu.memory_space<vmem>>) target(%dma_start3A_2450 : memref<16xf32, #tpu.memory_space<hbm>>) target_semaphore(%run_scoped3A : memref<!tpu.dma_semaphore, #tpu.memory_space<semaphore_mem>>)
      %dma_wait3A_2451 = arith.constant 0 : i32
      %dma_wait3A_2452 = tpu.memref_slice %arg4[%add3A, %dma_wait3A_2451] : memref<32x16xf32, #tpu.memory_space<hbm>> -> memref<1x16xf32, #tpu.memory_space<hbm>>
      %dma_wait3A_2453 = tpu.memref_squeeze %dma_wait3A_2452 : memref<1x16xf32, #tpu.memory_space<hbm>> -> memref<16xf32, #tpu.memory_space<hbm>>
      %dma_wait3A_2454 = arith.constant 0 : i32
      %dma_wait3A_2455 = tpu.memref_slice %arg4[%add3A, %dma_wait3A_2454] : memref<32x16xf32, #tpu.memory_space<hbm>> -> memref<1x16xf32, #tpu.memory_space<hbm>>
      %dma_wait3A_2456 = tpu.memref_squeeze %dma_wait3A_2455 : memref<1x16xf32, #tpu.memory_space<hbm>> -> memref<16xf32, #tpu.memory_space<hbm>>
      tpu.wait_dma2 semaphore(%run_scoped3A : memref<!tpu.dma_semaphore, #tpu.memory_space<semaphore_mem>>) src(%arg8 : memref<16xf32, #tpu.memory_space<vmem>>) dst(%dma_wait3A_2456 : memref<16xf32, #tpu.memory_space<hbm>>)
      tpu.yield
    }) : () -> ()
    return
  }
}

</mosaic_0001>

<sc_bundles>
// kernel: kernel.3.cloned.1.call-start
scs
__scs_entry_jumppad:
0x0: {  	(pc) =	sbr.rel $0x88, $3  }
0x1: {  	(tag) =	ssettag $0x0;
	lr =	simm.s32 $0x1  }
0x2: {  	[smem:$0x3F9F] =	sst lr;
	_ =	strace $0xD0000000  }
0x3: {  	_ = 	snop  }
0x4: {  	_ = 	snop  }
0x5: {  	_ = 	snop  }
0x6: {  	_ = 	snop  }
0x7: {  	_ = 	snop  }
__scs_overlays_trampoline_lowered:
0x8: {  	[smem:$0x3FAE] =	sst s0  }
0x9: {  	[smem:$0x3FAF] =	sst s1  }
0xa: {  	[smem:$0x3FB0] =	sst s2  }
0xb: {  	[smem:$0x3FB1] =	sst s3  }
0xc: {  	[smem:$0x3FB2] =	sst s4  }
0xd: {  	[smem:$0x3FB3] =	sst s5  }
0xe: {  	[smem:$0x3FB4] =	sst s6  }
0xf: {  	[smem:$0x3FB5] =	sst s7  }
0x10: {  	[smem:$0x3FB6] =	sst s8  }
0x11: {  	[smem:$0x3FB7] =	sst s9;
	s0 =	simm.s32 @!p0 $0x0  }
0x12: {  	s1 =	sld [smem:$0x3F9D];
	s0 =	simm.s32 @p0 $0x1  }
0x13: {  	[smem:$0x3FB8] =	sst s0;
	s0 =	simm.s32 @!p1 $0x0  }
0x14: {  	s2 =	sld [smem:$0x3F9C];
	s0 =	simm.s32 @p1 $0x1  }
0x15: {  	[smem:$0x3FB9] =	sst s0;
	s0 =	simm.s32 @!p2 $0x0  }
0x16: {  	s3 =	sld [smem:$0x3FDB];
	s0 =	simm.s32 @p2 $0x1  }
0x17: {  	s4 =	simm.s32 $0x1BF5;
	[smem:$0x3FBB] =	sst s0  }
0x18: {  	s0 =	sld [smem:$0x3F9E];
	_ =	swait.ge [sflag:s4], $0x0  }
0x19: {  	s7 =	sld [smem:$0x3F9F]  }
0x1a: {  	s8 =	sadd.s32 $0xFFFFE003, lr  }
0x1b: {  	s9 =	sadd.s32 $0xFFFFFEF7, lr;
	s5 =	simm.s32 $0xFFFFFFFF;
	p2 =	slt.u32 s8, $0xFFFFF086  }
0x1c: {  	p1 =	slt.u32 s9, $0xF7A;
	s5 =	simm.s32 @!p2 $0x0  }
0x1d: {  	s5 =	simm.s32 @p1 $0x1;
	p0 =	seq.s32 s7, s2  }
0x1e: {  	s7 =	smul.u32 @!p0 $0xF7A, s2;
	p2 =	seq.s32 @!p0 s5, $0x0  }
0x1f: {  	s9 =	smul.u32 $0xF7A, s1;
	s8 =	simm.s32 @!p0 $0x1BF5;
	p2 =	por !p2, p0  }
0x20: {  	[sflag:s8] =	ssyncset.s32 @!p0 $0xFFFFF086;
	s6 =	sadd.s32 @!p0 s3, s7;
	s7 =	simm.s32 @!p0 $0x108  }
0x21: {  	s3 =	sadd.s32 s3, s9;
	s6 =	sadd.s32 @!p0 $0x88, s6;
	s7 =	simm.s32 @p2 $0x1082  }
0x22: {  	[simem:s7], [sflag:s8] =	dma.local @!p0 [hbm:s6], $0xF7A  }
0x23: {  	s9 =	sor.u32 $0xD0000000, s2;
	s6 =	simm.s32 $0x108;
	_ =	swait.ge @!p0 [sflag:s8], $0x0  }
0x24: {  	s3 =	sadd.s32 $0x88, s3;
	s6 =	simm.s32 @!p1 $0x1082;
	[sflag:s4] =	ssyncset.s32 $0xFFFFF086  }
0x25: {  	[simem:s6], [sflag:s4] =	dma.local [hbm:s3], $0xF7A  }
0x26: {  	[smem:$0x3F9F] =	sst s1;
	(tag) =	ssettag s2;
	_ =	strace s9  }
0x27: {  	s1 =	sld [smem:$0x3FAF]  }
0x28: {  	s2 =	sld [smem:$0x3FB0]  }
0x29: {  	s4 =	sld [smem:$0x3FB2]  }
0x2a: {  	p0 =	seq.s32 s5, $0x0;
	s5 =	sld [smem:$0x3FB3]  }
0x2b: {  	s6 =	sld [smem:$0x3FB4]  }
0x2c: {  	s7 =	sld [smem:$0x3FB5]  }
0x2d: {  	s3 =	simm.s32 $0x108;
	s8 =	sld [smem:$0x3FB6]  }
0x2e: {  	s3 =	simm.s32 @!p0 $0x1082;
	s9 =	sld [smem:$0x3FB7]  }
0x2f: {  	lr =	sadd.s32 s0, s3;
	s0 =	sld [smem:$0x3FAE]  }
0x30: {  	s3 =	sld [smem:$0x3FB1]  }
0x31: {  	[smem:$0x3FBA] =	sst s10  }
0x32: {  	s10 =	sld [smem:$0x3FB8];
	_ =	sdelay $0x3  }
0x33: {  	p0 =	seq.s32 s10, $0x1;
	s10 =	sld [smem:$0x3FBA];
	_ =	sdelay $0x3  }
0x34: {  	[smem:$0x3FBA] =	sst s10  }
0x35: {  	s10 =	sld [smem:$0x3FB9];
	_ =	sdelay $0x3  }
0x36: {  	p1 =	seq.s32 s10, $0x1;
	s10 =	sld [smem:$0x3FBA];
	_ =	sdelay $0x3  }
0x37: {  	[smem:$0x3FBA] =	sst s10  }
0x38: {  	s10 =	sld [smem:$0x3FBB]  }
0x39: {  	_ = 	snop;
	(pc) =	sbr.ind lr, $3  }
0x3a: {  	_ = 	snop  }
0x3b: {  	_ = 	snop  }
0x3c: {  	p2 =	seq.s32 s10, $0x1;
	s10 =	sld [smem:$0x3FBA]  }
0x3d: {  	_ =	shalt  }
0x3e: {  	_ =	shalt  }
0x3f: {  	_ =	shalt  }
0x40: {  	_ =	shalt  }
0x41: {  	_ =	shalt  }
0x42: {  	_ =	shalt  }
0x43: {  	_ =	shalt  }
0x44: {  	_ =	shalt  }
0x45: {  	_ =	shalt  }
0x46: {  	_ =	shalt  }
0x47: {  	_ =	shalt  }
0x48: {  	_ =	shalt  }
0x49: {  	_ =	shalt  }
0x4a: {  	_ =	shalt  }
0x4b: {  	_ =	shalt  }
0x4c: {  	_ =	shalt  }
0x4d: {  	_ =	shalt  }
0x4e: {  	_ =	shalt  }
0x4f: {  	_ =	shalt  }
0x50: {  	_ =	shalt  }
0x51: {  	_ =	shalt  }
0x52: {  	_ =	shalt  }
0x53: {  	_ =	shalt  }
0x54: {  	_ =	shalt  }
0x55: {  	_ =	shalt  }
0x56: {  	_ =	shalt  }
0x57: {  	_ =	shalt  }
0x58: {  	_ =	shalt  }
0x59: {  	_ =	shalt  }
0x5a: {  	_ =	shalt  }
0x5b: {  	_ =	shalt  }
0x5c: {  	_ =	shalt  }
0x5d: {  	_ =	shalt  }
0x5e: {  	_ =	shalt  }
0x5f: {  	_ =	shalt  }
0x60: {  	_ =	shalt  }
0x61: {  	_ =	shalt  }
0x62: {  	_ =	shalt  }
0x63: {  	_ =	shalt  }
0x64: {  	_ =	shalt  }
0x65: {  	_ =	shalt  }
0x66: {  	_ =	shalt  }
0x67: {  	_ =	shalt  }
0x68: {  	_ =	shalt  }
0x69: {  	_ =	shalt  }
0x6a: {  	_ =	shalt  }
0x6b: {  	_ =	shalt  }
0x6c: {  	_ =	shalt  }
0x6d: {  	_ =	shalt  }
0x6e: {  	_ =	shalt  }
0x6f: {  	_ =	shalt  }
0x70: {  	_ =	shalt  }
0x71: {  	_ =	shalt  }
0x72: {  	_ =	shalt  }
0x73: {  	_ =	shalt  }
0x74: {  	_ =	shalt  }
0x75: {  	_ =	shalt  }
0x76: {  	_ =	shalt  }
0x77: {  	_ =	shalt  }
0x78: {  	_ =	shalt  }
0x79: {  	_ =	shalt  }
0x7a: {  	_ =	shalt  }
0x7b: {  	_ =	shalt  }
0x7c: {  	_ =	shalt  }
0x7d: {  	_ =	shalt  }
0x7e: {  	_ =	shalt  }
0x7f: {  	_ =	shalt  }
0x80: {  	_ =	shalt  }
0x81: {  	_ =	shalt  }
0x82: {  	_ =	shalt  }
0x83: {  	_ =	shalt  }
0x84: {  	_ =	shalt  }
0x85: {  	_ =	shalt  }
0x86: {  	_ =	shalt  }
0x87: {  	_ =	shalt  }
.Lfunc_end0:
.L_simem_size_0:
called_computation_lowered:
.L_overlay_start_0:
0x88: {  	s2 =	sld [smem:$0x3FD9]  }
0x89: {  	s3 =	sld [smem:$0x3FFE];
	_ =	sdelay $0x1  }
0x8a: {  	s1 =	srdreg.scid  }
0x8b: {  	s0 =	sand.u32 $0x1, s1  }
0x8c: {  	s17 =	sshll.u32 s0, $0xA;
	s2 =	sadd.s32 s3, s2  }
0x8d: {  	s2 =	sadd.s32 s2, s17  }
0x8e: {  	[smem:$0x3FC6] =	sst s2  }
0x8f: {  	_ = 	snop  }
0x90: {  	s2 =	sld [smem:$0x3FC9]  }
0x91: {  	s18 =	sld [smem:$0x3FC8];
	(tm) =	ssettm $0x1  }
0x92: {  	s4 =	sld [smem:$0x3FFB];
	_ =	sdelay $0x3  }
0x93: {  	_ =	strace s4  }
0x94: {  	s4 =	sld [smem:$0x3FFC];
	_ =	sdelay $0x3  }
0x95: {  	_ =	strace s4  }
0x96: {  	s4 =	sld [smem:$0x3FFD];
	_ =	sdelay $0x3  }
0x97: {  	_ =	strace s4  }
0x98: {  	_ =	strace $0x8FFFFFFF  }
0x99: {  	s19 =	sld [smem:$0x3FDB];
	_ =	sdelay $0x1  }
0x9a: {  	s5 =	simm.s32 $_scs_section_size  }
0x9b: {  	s6 =	simm.s32 $_size__tile_overlayer_lowered;
	s7 =	simm.s32 $_tile_overlayer_lowered  }
0x9c: {  	s22 =	simm.s32 $0x1BFF;
	s21 =	sshll.u32 s7, $0x1;
	s4 =	sadd.s32 s5, s19  }
0x9d: {  	s8 =	simm.s32 $0x0;
	s20 =	sshll.u32 s6, $0x1;
	s6 =	sadd.s32 s21, s4  }
0x9e: {  	[timem:s8], [sflag:s22] =	dma.local [hbm:s6], s20  }
0x9f: {  	_ =	swait.ge [sflag:s22], s20  }
0xa0: {  	s5 =	ssub.s32 $0x0, s20;
	[sflag:s22] =	ssyncset.done $0x0  }
0xa1: {  	[sflag:s22] =	ssyncadd.s32 s5;
	_ =	sdelay $0x1  }
0xa2: {  	s23 =	simm.s32 $0x1B8B  }
0xa3: {  	_ =	swait.ge [sflag:s23], $0x1  }
0xa4: {  	[sflag:s23] =	ssyncset.done $0x0  }
0xa5: {  	s25 =	simm.s32 $0x1B8E;
	s24 =	sld [smem:$0x3FFE];
	[sflag:s23] =	ssyncadd.s32 $0xFFFFFFFF  }
0xa6: {  	s26 =	simm.s32 $execute0_lowered;
	[smem:$0x3FD2] =	sst s25  }
0xa7: {  	s6 =	sshll.u32 s26, $0x1;
	_ =	strace $0x80000046;
	[dreg:$0x1] =	wrdreg $0xFFFFFFFF  }
0xa8: {  	s28 =	simm.s32 $_size_execute0_lowered;
	s4 =	sadd.s32 s4, s6;
	[dreg:$0x0] =	wrdreg $0x0  }
0xa9: {  	s6 =	sshll.u32 s28, $0x1;
	[dreg:$0x2] =	wrdreg s4  }
0xaa: {  	[dreg:$0x3] =	wrdreg s6  }
0xab: {  	[dreg:$0x4] =	wrdreg $0xC0  }
0xac: {  	_ =	task [dreg:s8], $0x5FFFF  }
0xad: {  	[dreg:$0x1] =	wrdreg $0xFFFFFFFF  }
0xae: {  	[dreg:$0x0] =	wrdreg $0x60  }
0xaf: {  	[dreg:$0x2] =	wrdreg s2  }
0xb0: {  	[dreg:$0x3] =	wrdreg s18  }
0xb1: {  	[dreg:$0x4] =	wrdreg s24  }
0xb2: {  	[dreg:$0x5] =	wrdreg $0x9  }
0xb3: {  	_ =	task.clear_ibuf [dreg:s8], $0x6FFFF;
	_ =	strace $0x90000046  }
0xb4: {  	s29 =	simm.s32 $0x9;
	_ =	strace $0x80000048  }
0xb5: {  	_ =	swait.ge [sflag:s29], $0x1  }
0xb6: {  	[sflag:s29] =	ssyncadd.s32 $0xFFFFFFFF  }
0xb7: {  	_ =	strace $0x90000048  }
0xb8: {  	_ =	sfence  }
0xb9: {  	s30 =	sld [smem:$0x0];
	_ =	sdelay $0x2  }
0xba: {  	s31 =	sshll.u32 s1, $0xD;
	s1 =	sshrl.u32 s1, $0x2  }
0xbb: {  	s3 =	sand.u32 $0x4000, s31;
	s1 =	sadd.s32 s1, s30  }
0xbc: {  	s0 =	sor.u32 s3, s0;
	s1 =	sshll.u32 s1, $0x11  }
0xbd: {  	s0 =	sor.u32 s1, s0  }
0xbe: {  	s0 =	sadd.s32 $0x8F2B, s0  }
0xbf: {  	[sflag:s0] =	ssyncadd.remote.s32 $0x1  }
0xc0: {  	_ =	sfence.sel $0xFFFF  }
0xc1: {  	[dreg:$0x0] =	wrdreg $0xFFFFFFFF;
	(pc) =	sbr.abs _section_cstart, $3  }
0xc2: {  	[dreg:$0x1] =	wrdreg $0xFFFFFFFF  }
0xc3: {  	_ =	task.clear_ibuf [dreg:s8], $0x2FFFF;
	_ =	strace $0x9FFFFFFF  }
0xc4: {  	(tm) =	ssettm $0x7FFFFFFF  }
0xc5: {  	_ =	shalt  }
tec
execute0_lowered:
.L_overlay_start_1:
0x0: {  	(tag) =	ssettag $0x1  }
0x1: {  	s1 =	rddreg [dreg:$0x0]  }
0x2: {  	s0 =	rddreg [dreg:$0x1];
	s2 =	srdreg.scid  }
0x3: {  	s3 =	stileid.u32;
	s6 =	rddreg [dreg:$0x2];
	s9 =	simm.s32 $0x2  }
0x4: {  	s10 =	simm.s32 $0x80;
	s16 =	simm.s32 $0x1100;
	s17 =	simm.s32 $0x980  }
0x5: {  	s18 =	simm.s32 $0x1180;
	s19 =	simm.s32 $0xA00;
	s20 =	simm.s32 $0x1200  }
0x6: {  	s21 =	simm.s32 $0xA80;
	s22 =	simm.s32 $0x1280;
	s23 =	simm.s32 $0xB00  }
0x7: {  	s24 =	simm.s32 $0x1300;
	s28 =	simm.s32 $0xC00;
	s30 =	simm.s32 $0xC80  }
0x8: {  	s2 =	sand.u32 $0x1, s2;
	s4 =	sshll.u32 s3, $0x1;
	s3 =	simm.s32 $0x0  }
0x9: {  	s31 =	simm.s32 $0x1480;
	s7 =	sor.u32 s2, s4;
	[smem:$0x7FF] =	sst s3  }
0xa: {  	s2 =	ssub.s32 $0x2, s2;
	s4 =	sshll.u32 s7, $0x7;
	_ =	strace $0x80000047  }
0xb: {  	s5 =	sshrl.u32 s2, $0x1;
	s26 =	sshll.u32 s7, $0xA;
	s7 =	sshll.u32 s7, $0x4  }
0xc: {  	s4 =	sadd.s32 s0, s4;
	s25 =	ssub.s32 s2, s5;
	s8 =	sor.u32 $0x10, s26  }
0xd: {  	s11 =	sor.u32 $0x20, s26;
	s12 =	sor.u32 $0x30, s26;
	s29 =	sor.u32 $0x40, s26  }
0xe: {  	v7 =	vlaneseq.u32;
	s13 =	sor.u32 $0x50, s26;
	s14 =	sor.u32 $0x60, s26;
	s15 =	sor.u32 $0x70, s26  }
0xf: {  	s6 =	sadd.s32 s6, s7;
	v0 =	vor.u32 s26, v7;
	s26 =	simm.s32 $0x1380;
	s2 =	simm.s32 $0x1  }
0x10: {  	s0 =	simm.s32 $0x1800;
	s5 =	sadd.s32 $0x1000, s4;
	s7 =	smax.u32 s25, $0x1;
	v1 =	vor.u32 s8, v7  }
0x11: {  	s25 =	simm.s32 $0xB80;
	v2 =	vor.u32 s11, v7;
	v4 =	vor.u32 s29, v7;
	s29 =	simm.s32 $0x1400;
	v5 =	vor.u32 s13, v7;
	s13 =	simm.s32 $0x400  }
0x12: {  	v3 =	vor.u32 s12, v7;
	v6 =	vor.u32 s14, v7;
	s14 =	simm.s32 $0x800;
	v7 =	vor.u32 s15, v7;
	s15 =	simm.s32 $0x1000;
	s8 =	simm.s32 $0x0  }
.LBB2_1:
0x13: {  	[tilespmem:s3], [sflag:$0x2] =	stream.linear.gather [hbm4b:s4+s3], $0x400, $0x38;
	[tilespmem:$0x1880] =	vst v63  }
0x14: {  	_ = 	snop  }
0x15: {  	[tilespmem:s13], [sflag:$0x2] =	stream.linear.gather [hbm4b:s5+s3], $0x100, $0x38;
	[tilespmem:$0x1880] =	vst v63  }
0x16: {  	_ =	swait.ge [sflag:s9], $0x500  }
0x17: {  	[sflag:s9] =	ssyncset.done $0x0  }
0x18: {  	[sflag:s9] =	ssyncadd.s32 $0xFFFFFB00  }
0x19: {  	v8 =	vld [tilespmem:$0x0]  }
0x1a: {  	v9 =	vld [tilespmem:$0x10]  }
0x1b: {  	v12 =	vld [tilespmem:$0x30]  }
0x1c: {  	v14 =	vld [tilespmem:$0x50];
	_ =	sdelay $0x1  }
0x1d: {  	v10 =	vld [tilespmem:$0x20]  }
0x1e: {  	v11 =	vshll.u32 v8, $0xC;
	v8 =	vshll.u32 v8, $0x7;
	v13 =	vshll.u32 v9, $0xC  }
0x1f: {  	v9 =	vshll.u32 v9, $0x7;
	v15 =	vshll.u32 v12, $0xC;
	v12 =	vshll.u32 v12, $0x7  }
0x20: {  	v17 =	vshll.u32 v14, $0xC;
	v11 =	vand.u32 $0xFFFF8000, v11;
	v8 =	vand.u32 $0x380, v8  }
0x21: {  	v9 =	vand.u32 $0x380, v9;
	v8 =	vor.u32 v11, v8;
	v11 =	vand.u32 $0xFFFF8000, v13;
	v13 =	vld [tilespmem:$0x40]  }
0x22: {  	v9 =	vor.u32 v11, v9;
	v11 =	vshll.u32 v10, $0xC;
	v10 =	vshll.u32 v10, $0x7  }
0x23: {  	v14 =	vshll.u32 v14, $0x7;
	v11 =	vand.u32 $0xFFFF8000, v11;
	v10 =	vand.u32 $0x380, v10  }
0x24: {  	v12 =	vand.u32 $0x380, v12;
	v10 =	vor.u32 v11, v10;
	v11 =	vand.u32 $0xFFFF8000, v15;
	v15 =	vld [tilespmem:$0x60]  }
0x25: {  	v16 =	vld [tilespmem:$0x70];
	v8 =	vor.u32 v0, v8;
	v9 =	vor.u32 v1, v9;
	v10 =	vor.u32 v2, v10  }
0x26: {  	v11 =	vor.u32 v11, v12;
	v12 =	vshll.u32 v13, $0xC;
	v13 =	vshll.u32 v13, $0x7  }
0x27: {  	v11 =	vor.u32 v3, v11;
	v12 =	vand.u32 $0xFFFF8000, v12;
	v13 =	vand.u32 $0x380, v13  }
0x28: {  	[tilespmem:$0x800] =	vst v8;
	v8 =	vor.u32 v12, v13;
	v12 =	vand.u32 $0xFFFF8000, v17;
	v13 =	vand.u32 $0x380, v14  }
0x29: {  	[tilespmem:$0x810] =	vst v9;
	v8 =	vor.u32 v4, v8;
	v9 =	vor.u32 v12, v13;
	v12 =	vshll.u32 v15, $0xC  }
0x2a: {  	[tilespmem:$0x820] =	vst v10;
	v13 =	vshll.u32 v16, $0x7;
	v10 =	vand.u32 $0xFFFF8000, v12;
	v12 =	vshll.u32 v15, $0x7  }
0x2b: {  	[tilespmem:$0x830] =	vst v11;
	v9 =	vor.u32 v5, v9;
	v11 =	vand.u32 $0x380, v12;
	v12 =	vshll.u32 v16, $0xC  }
0x2c: {  	[tilespmem:$0x840] =	vst v8;
	v8 =	vor.u32 v10, v11;
	v10 =	vand.u32 $0xFFFF8000, v12;
	v11 =	vand.u32 $0x380, v13  }
0x2d: {  	[tilespmem:$0x850] =	vst v9;
	v8 =	vor.u32 v6, v8;
	v9 =	vor.u32 v10, v11  }
0x2e: {  	[tilespmem:$0x860] =	vst v8;
	v8 =	vor.u32 v7, v9  }
0x2f: {  	[tilespmem:$0x870] =	vst v8  }
0x30: {  	[tilespmem:s15], [sflag:$0x1] =	stream.indirect.gather [hbm4b:s1+s10], $0x1, s14, s10, $0xb8;
	[tilespmem:$0x1880] =	vst v63  }
0x31: {  	v8 =	vld [tilespmem:$0x80]  }
0x32: {  	v9 =	vld [tilespmem:$0x90]  }
0x33: {  	v12 =	vld [tilespmem:$0xB0]  }
0x34: {  	v14 =	vld [tilespmem:$0xD0];
	_ =	sdelay $0x1  }
0x35: {  	v10 =	vld [tilespmem:$0xA0]  }
0x36: {  	v11 =	vshll.u32 v8, $0xC;
	v8 =	vshll.u32 v8, $0x7;
	v13 =	vshll.u32 v9, $0xC  }
0x37: {  	v9 =	vshll.u32 v9, $0x7;
	v15 =	vshll.u32 v12, $0xC;
	v12 =	vshll.u32 v12, $0x7  }
0x38: {  	v17 =	vshll.u32 v14, $0xC;
	v11 =	vand.u32 $0xFFFF8000, v11;
	v8 =	vand.u32 $0x380, v8  }
0x39: {  	v9 =	vand.u32 $0x380, v9;
	v8 =	vor.u32 v11, v8;
	v11 =	vand.u32 $0xFFFF8000, v13;
	v13 =	vld [tilespmem:$0xC0]  }
0x3a: {  	v9 =	vor.u32 v11, v9;
	v11 =	vshll.u32 v10, $0xC;
	v10 =	vshll.u32 v10, $0x7  }
0x3b: {  	v14 =	vshll.u32 v14, $0x7;
	v11 =	vand.u32 $0xFFFF8000, v11;
	v10 =	vand.u32 $0x380, v10  }
0x3c: {  	v12 =	vand.u32 $0x380, v12;
	v10 =	vor.u32 v11, v10;
	v11 =	vand.u32 $0xFFFF8000, v15;
	v15 =	vld [tilespmem:$0xE0]  }
0x3d: {  	v16 =	vld [tilespmem:$0xF0];
	v8 =	vor.u32 v0, v8;
	v9 =	vor.u32 v1, v9;
	v10 =	vor.u32 v2, v10  }
0x3e: {  	v11 =	vor.u32 v11, v12;
	v12 =	vshll.u32 v13, $0xC;
	v13 =	vshll.u32 v13, $0x7  }
0x3f: {  	v11 =	vor.u32 v3, v11;
	v12 =	vand.u32 $0xFFFF8000, v12;
	v13 =	vand.u32 $0x380, v13  }
0x40: {  	[tilespmem:$0x880] =	vst v8;
	v8 =	vor.u32 v12, v13;
	v12 =	vand.u32 $0xFFFF8000, v17;
	v13 =	vand.u32 $0x380, v14  }
0x41: {  	[tilespmem:$0x890] =	vst v9;
	v8 =	vor.u32 v4, v8;
	v9 =	vor.u32 v12, v13;
	v12 =	vshll.u32 v15, $0xC  }
0x42: {  	[tilespmem:$0x8A0] =	vst v10;
	v13 =	vshll.u32 v16, $0x7;
	v10 =	vand.u32 $0xFFFF8000, v12;
	v12 =	vshll.u32 v15, $0x7  }
0x43: {  	[tilespmem:$0x8B0] =	vst v11;
	v9 =	vor.u32 v5, v9;
	v11 =	vand.u32 $0x380, v12;
	v12 =	vshll.u32 v16, $0xC  }
0x44: {  	[tilespmem:$0x8C0] =	vst v8;
	v8 =	vor.u32 v10, v11;
	v10 =	vand.u32 $0xFFFF8000, v12;
	v11 =	vand.u32 $0x380, v13  }
0x45: {  	[tilespmem:$0x8D0] =	vst v9;
	v8 =	vor.u32 v6, v8;
	v9 =	vor.u32 v10, v11  }
0x46: {  	[tilespmem:$0x8E0] =	vst v8;
	v8 =	vor.u32 v7, v9  }
0x47: {  	s11 =	simm.s32 $0x880;
	s12 =	simm.s32 $0x1080;
	[tilespmem:$0x8F0] =	vst v8  }
0x48: {  	[tilespmem:s12], [sflag:$0x1] =	stream.indirect.gather [hbm4b:s1+s10], $0x1, s11, s10, $0xb8;
	[tilespmem:$0x1880] =	vst v63  }
0x49: {  	v8 =	vld [tilespmem:$0x100]  }
0x4a: {  	v9 =	vld [tilespmem:$0x110]  }
0x4b: {  	v12 =	vld [tilespmem:$0x130]  }
0x4c: {  	v14 =	vld [tilespmem:$0x150];
	_ =	sdelay $0x1  }
0x4d: {  	v10 =	vld [tilespmem:$0x120]  }
0x4e: {  	v11 =	vshll.u32 v8, $0xC;
	v8 =	vshll.u32 v8, $0x7;
	v13 =	vshll.u32 v9, $0xC  }
0x4f: {  	v9 =	vshll.u32 v9, $0x7;
	v15 =	vshll.u32 v12, $0xC;
	v12 =	vshll.u32 v12, $0x7  }
0x50: {  	v17 =	vshll.u32 v14, $0xC;
	v11 =	vand.u32 $0xFFFF8000, v11;
	v8 =	vand.u32 $0x380, v8  }
0x51: {  	v9 =	vand.u32 $0x380, v9;
	v8 =	vor.u32 v11, v8;
	v11 =	vand.u32 $0xFFFF8000, v13;
	v13 =	vld [tilespmem:$0x140]  }
0x52: {  	v9 =	vor.u32 v11, v9;
	v11 =	vshll.u32 v10, $0xC;
	v10 =	vshll.u32 v10, $0x7  }
0x53: {  	v14 =	vshll.u32 v14, $0x7;
	v11 =	vand.u32 $0xFFFF8000, v11;
	v10 =	vand.u32 $0x380, v10  }
0x54: {  	v12 =	vand.u32 $0x380, v12;
	v10 =	vor.u32 v11, v10;
	v11 =	vand.u32 $0xFFFF8000, v15;
	v15 =	vld [tilespmem:$0x160]  }
0x55: {  	v16 =	vld [tilespmem:$0x170];
	v8 =	vor.u32 v0, v8;
	v9 =	vor.u32 v1, v9;
	v10 =	vor.u32 v2, v10  }
0x56: {  	v11 =	vor.u32 v11, v12;
	v12 =	vshll.u32 v13, $0xC;
	v13 =	vshll.u32 v13, $0x7  }
0x57: {  	v11 =	vor.u32 v3, v11;
	v12 =	vand.u32 $0xFFFF8000, v12;
	v13 =	vand.u32 $0x380, v13  }
0x58: {  	[tilespmem:$0x900] =	vst v8;
	v8 =	vor.u32 v12, v13;
	v12 =	vand.u32 $0xFFFF8000, v17;
	v13 =	vand.u32 $0x380, v14  }
0x59: {  	[tilespmem:$0x910] =	vst v9;
	v8 =	vor.u32 v4, v8;
	v9 =	vor.u32 v12, v13;
	v12 =	vshll.u32 v15, $0xC  }
0x5a: {  	[tilespmem:$0x920] =	vst v10;
	v13 =	vshll.u32 v16, $0x7;
	v10 =	vand.u32 $0xFFFF8000, v12;
	v12 =	vshll.u32 v15, $0x7  }
0x5b: {  	[tilespmem:$0x930] =	vst v11;
	v9 =	vor.u32 v5, v9;
	v11 =	vand.u32 $0x380, v12;
	v12 =	vshll.u32 v16, $0xC  }
0x5c: {  	[tilespmem:$0x940] =	vst v8;
	v8 =	vor.u32 v10, v11;
	v10 =	vand.u32 $0xFFFF8000, v12;
	v11 =	vand.u32 $0x380, v13  }
0x5d: {  	[tilespmem:$0x950] =	vst v9;
	v8 =	vor.u32 v6, v8;
	v9 =	vor.u32 v10, v11  }
0x5e: {  	[tilespmem:$0x960] =	vst v8;
	v8 =	vor.u32 v7, v9  }
0x5f: {  	s12 =	simm.s32 $0x900;
	[tilespmem:$0x970] =	vst v8  }
0x60: {  	[tilespmem:s16], [sflag:$0x1] =	stream.indirect.gather [hbm4b:s1+s10], $0x1, s12, s10, $0xb8;
	[tilespmem:$0x1880] =	vst v63  }
0x61: {  	v8 =	vld [tilespmem:$0x180]  }
0x62: {  	v9 =	vld [tilespmem:$0x190]  }
0x63: {  	v12 =	vld [tilespmem:$0x1B0]  }
0x64: {  	v14 =	vld [tilespmem:$0x1D0];
	_ =	sdelay $0x1  }
0x65: {  	v10 =	vld [tilespmem:$0x1A0]  }
0x66: {  	v11 =	vshll.u32 v8, $0xC;
	v8 =	vshll.u32 v8, $0x7;
	v13 =	vshll.u32 v9, $0xC  }
0x67: {  	v9 =	vshll.u32 v9, $0x7;
	v15 =	vshll.u32 v12, $0xC;
	v12 =	vshll.u32 v12, $0x7  }
0x68: {  	v17 =	vshll.u32 v14, $0xC;
	v11 =	vand.u32 $0xFFFF8000, v11;
	v8 =	vand.u32 $0x380, v8  }
0x69: {  	v9 =	vand.u32 $0x380, v9;
	v8 =	vor.u32 v11, v8;
	v11 =	vand.u32 $0xFFFF8000, v13;
	v13 =	vld [tilespmem:$0x1C0]  }
0x6a: {  	v9 =	vor.u32 v11, v9;
	v11 =	vshll.u32 v10, $0xC;
	v10 =	vshll.u32 v10, $0x7  }
0x6b: {  	v14 =	vshll.u32 v14, $0x7;
	v11 =	vand.u32 $0xFFFF8000, v11;
	v10 =	vand.u32 $0x380, v10  }
0x6c: {  	v12 =	vand.u32 $0x380, v12;
	v10 =	vor.u32 v11, v10;
	v11 =	vand.u32 $0xFFFF8000, v15;
	v15 =	vld [tilespmem:$0x1E0]  }
0x6d: {  	v16 =	vld [tilespmem:$0x1F0];
	v8 =	vor.u32 v0, v8;
	v9 =	vor.u32 v1, v9;
	v10 =	vor.u32 v2, v10  }
0x6e: {  	v11 =	vor.u32 v11, v12;
	v12 =	vshll.u32 v13, $0xC;
	v13 =	vshll.u32 v13, $0x7  }
0x6f: {  	v11 =	vor.u32 v3, v11;
	v12 =	vand.u32 $0xFFFF8000, v12;
	v13 =	vand.u32 $0x380, v13  }
0x70: {  	[tilespmem:$0x980] =	vst v8;
	v8 =	vor.u32 v12, v13;
	v12 =	vand.u32 $0xFFFF8000, v17;
	v13 =	vand.u32 $0x380, v14  }
0x71: {  	[tilespmem:$0x990] =	vst v9;
	v8 =	vor.u32 v4, v8;
	v9 =	vor.u32 v12, v13;
	v12 =	vshll.u32 v15, $0xC  }
0x72: {  	[tilespmem:$0x9A0] =	vst v10;
	v13 =	vshll.u32 v16, $0x7;
	v10 =	vand.u32 $0xFFFF8000, v12;
	v12 =	vshll.u32 v15, $0x7  }
0x73: {  	[tilespmem:$0x9B0] =	vst v11;
	v9 =	vor.u32 v5, v9;
	v11 =	vand.u32 $0x380, v12;
	v12 =	vshll.u32 v16, $0xC  }
0x74: {  	[tilespmem:$0x9C0] =	vst v8;
	v8 =	vor.u32 v10, v11;
	v10 =	vand.u32 $0xFFFF8000, v12;
	v11 =	vand.u32 $0x380, v13  }
0x75: {  	[tilespmem:$0x9D0] =	vst v9;
	v8 =	vor.u32 v6, v8;
	v9 =	vor.u32 v10, v11  }
0x76: {  	[tilespmem:$0x9E0] =	vst v8;
	v8 =	vor.u32 v7, v9  }
0x77: {  	[tilespmem:$0x9F0] =	vst v8  }
0x78: {  	[tilespmem:s18], [sflag:$0x1] =	stream.indirect.gather [hbm4b:s1+s10], $0x1, s17, s10, $0xb8;
	[tilespmem:$0x1880] =	vst v63  }
0x79: {  	v8 =	vld [tilespmem:$0x200]  }
0x7a: {  	v9 =	vld [tilespmem:$0x210]  }
0x7b: {  	v12 =	vld [tilespmem:$0x230]  }
0x7c: {  	v14 =	vld [tilespmem:$0x250];
	_ =	sdelay $0x1  }
0x7d: {  	v10 =	vld [tilespmem:$0x220]  }
0x7e: {  	v11 =	vshll.u32 v8, $0xC;
	v8 =	vshll.u32 v8, $0x7;
	v13 =	vshll.u32 v9, $0xC  }
0x7f: {  	v9 =	vshll.u32 v9, $0x7;
	v15 =	vshll.u32 v12, $0xC;
	v12 =	vshll.u32 v12, $0x7  }
0x80: {  	v17 =	vshll.u32 v14, $0xC;
	v11 =	vand.u32 $0xFFFF8000, v11;
	v8 =	vand.u32 $0x380, v8  }
0x81: {  	v9 =	vand.u32 $0x380, v9;
	v8 =	vor.u32 v11, v8;
	v11 =	vand.u32 $0xFFFF8000, v13;
	v13 =	vld [tilespmem:$0x240]  }
0x82: {  	v9 =	vor.u32 v11, v9;
	v11 =	vshll.u32 v10, $0xC;
	v10 =	vshll.u32 v10, $0x7  }
0x83: {  	v14 =	vshll.u32 v14, $0x7;
	v11 =	vand.u32 $0xFFFF8000, v11;
	v10 =	vand.u32 $0x380, v10  }
0x84: {  	v12 =	vand.u32 $0x380, v12;
	v10 =	vor.u32 v11, v10;
	v11 =	vand.u32 $0xFFFF8000, v15;
	v15 =	vld [tilespmem:$0x260]  }
0x85: {  	v16 =	vld [tilespmem:$0x270];
	v8 =	vor.u32 v0, v8;
	v9 =	vor.u32 v1, v9;
	v10 =	vor.u32 v2, v10  }
0x86: {  	v11 =	vor.u32 v11, v12;
	v12 =	vshll.u32 v13, $0xC;
	v13 =	vshll.u32 v13, $0x7  }
0x87: {  	v11 =	vor.u32 v3, v11;
	v12 =	vand.u32 $0xFFFF8000, v12;
	v13 =	vand.u32 $0x380, v13  }
0x88: {  	[tilespmem:$0xA00] =	vst v8;
	v8 =	vor.u32 v12, v13;
	v12 =	vand.u32 $0xFFFF8000, v17;
	v13 =	vand.u32 $0x380, v14  }
0x89: {  	[tilespmem:$0xA10] =	vst v9;
	v8 =	vor.u32 v4, v8;
	v9 =	vor.u32 v12, v13;
	v12 =	vshll.u32 v15, $0xC  }
0x8a: {  	[tilespmem:$0xA20] =	vst v10;
	v13 =	vshll.u32 v16, $0x7;
	v10 =	vand.u32 $0xFFFF8000, v12;
	v12 =	vshll.u32 v15, $0x7  }
0x8b: {  	[tilespmem:$0xA30] =	vst v11;
	v9 =	vor.u32 v5, v9;
	v11 =	vand.u32 $0x380, v12;
	v12 =	vshll.u32 v16, $0xC  }
0x8c: {  	[tilespmem:$0xA40] =	vst v8;
	v8 =	vor.u32 v10, v11;
	v10 =	vand.u32 $0xFFFF8000, v12;
	v11 =	vand.u32 $0x380, v13  }
0x8d: {  	[tilespmem:$0xA50] =	vst v9;
	v8 =	vor.u32 v6, v8;
	v9 =	vor.u32 v10, v11  }
0x8e: {  	[tilespmem:$0xA60] =	vst v8;
	v8 =	vor.u32 v7, v9  }
0x8f: {  	[tilespmem:$0xA70] =	vst v8  }
0x90: {  	[tilespmem:s20], [sflag:$0x1] =	stream.indirect.gather [hbm4b:s1+s10], $0x1, s19, s10, $0xb8;
	[tilespmem:$0x1880] =	vst v63  }
0x91: {  	v8 =	vld [tilespmem:$0x280]  }
0x92: {  	v9 =	vld [tilespmem:$0x290]  }
0x93: {  	v12 =	vld [tilespmem:$0x2B0]  }
0x94: {  	v14 =	vld [tilespmem:$0x2D0];
	_ =	sdelay $0x1  }
0x95: {  	v10 =	vld [tilespmem:$0x2A0]  }
0x96: {  	v11 =	vshll.u32 v8, $0xC;
	v8 =	vshll.u32 v8, $0x7;
	v13 =	vshll.u32 v9, $0xC  }
0x97: {  	v9 =	vshll.u32 v9, $0x7;
	v15 =	vshll.u32 v12, $0xC;
	v12 =	vshll.u32 v12, $0x7  }
0x98: {  	v17 =	vshll.u32 v14, $0xC;
	v11 =	vand.u32 $0xFFFF8000, v11;
	v8 =	vand.u32 $0x380, v8  }
0x99: {  	v9 =	vand.u32 $0x380, v9;
	v8 =	vor.u32 v11, v8;
	v11 =	vand.u32 $0xFFFF8000, v13;
	v13 =	vld [tilespmem:$0x2C0]  }
0x9a: {  	v9 =	vor.u32 v11, v9;
	v11 =	vshll.u32 v10, $0xC;
	v10 =	vshll.u32 v10, $0x7  }
0x9b: {  	v14 =	vshll.u32 v14, $0x7;
	v11 =	vand.u32 $0xFFFF8000, v11;
	v10 =	vand.u32 $0x380, v10  }
0x9c: {  	v12 =	vand.u32 $0x380, v12;
	v10 =	vor.u32 v11, v10;
	v11 =	vand.u32 $0xFFFF8000, v15;
	v15 =	vld [tilespmem:$0x2E0]  }
0x9d: {  	v16 =	vld [tilespmem:$0x2F0];
	v8 =	vor.u32 v0, v8;
	v9 =	vor.u32 v1, v9;
	v10 =	vor.u32 v2, v10  }
0x9e: {  	v11 =	vor.u32 v11, v12;
	v12 =	vshll.u32 v13, $0xC;
	v13 =	vshll.u32 v13, $0x7  }
0x9f: {  	v11 =	vor.u32 v3, v11;
	v12 =	vand.u32 $0xFFFF8000, v12;
	v13 =	vand.u32 $0x380, v13  }
0xa0: {  	[tilespmem:$0xA80] =	vst v8;
	v8 =	vor.u32 v12, v13;
	v12 =	vand.u32 $0xFFFF8000, v17;
	v13 =	vand.u32 $0x380, v14  }
0xa1: {  	[tilespmem:$0xA90] =	vst v9;
	v8 =	vor.u32 v4, v8;
	v9 =	vor.u32 v12, v13;
	v12 =	vshll.u32 v15, $0xC  }
0xa2: {  	[tilespmem:$0xAA0] =	vst v10;
	v13 =	vshll.u32 v16, $0x7;
	v10 =	vand.u32 $0xFFFF8000, v12;
	v12 =	vshll.u32 v15, $0x7  }
0xa3: {  	[tilespmem:$0xAB0] =	vst v11;
	v9 =	vor.u32 v5, v9;
	v11 =	vand.u32 $0x380, v12;
	v12 =	vshll.u32 v16, $0xC  }
0xa4: {  	[tilespmem:$0xAC0] =	vst v8;
	v8 =	vor.u32 v10, v11;
	v10 =	vand.u32 $0xFFFF8000, v12;
	v11 =	vand.u32 $0x380, v13  }
0xa5: {  	[tilespmem:$0xAD0] =	vst v9;
	v8 =	vor.u32 v6, v8;
	v9 =	vor.u32 v10, v11  }
0xa6: {  	[tilespmem:$0xAE0] =	vst v8;
	v8 =	vor.u32 v7, v9  }
0xa7: {  	[tilespmem:$0xAF0] =	vst v8  }
0xa8: {  	[tilespmem:s22], [sflag:$0x1] =	stream.indirect.gather [hbm4b:s1+s10], $0x1, s21, s10, $0xb8;
	[tilespmem:$0x1880] =	vst v63  }
0xa9: {  	v8 =	vld [tilespmem:$0x300]  }
0xaa: {  	v9 =	vld [tilespmem:$0x310]  }
0xab: {  	v12 =	vld [tilespmem:$0x330]  }
0xac: {  	v14 =	vld [tilespmem:$0x350];
	_ =	sdelay $0x1  }
0xad: {  	v10 =	vld [tilespmem:$0x320]  }
0xae: {  	v11 =	vshll.u32 v8, $0xC;
	v8 =	vshll.u32 v8, $0x7;
	v13 =	vshll.u32 v9, $0xC  }
0xaf: {  	v9 =	vshll.u32 v9, $0x7;
	v15 =	vshll.u32 v12, $0xC;
	v12 =	vshll.u32 v12, $0x7  }
0xb0: {  	v17 =	vshll.u32 v14, $0xC;
	v11 =	vand.u32 $0xFFFF8000, v11;
	v8 =	vand.u32 $0x380, v8  }
0xb1: {  	v9 =	vand.u32 $0x380, v9;
	v8 =	vor.u32 v11, v8;
	v11 =	vand.u32 $0xFFFF8000, v13;
	v13 =	vld [tilespmem:$0x340]  }
0xb2: {  	v9 =	vor.u32 v11, v9;
	v11 =	vshll.u32 v10, $0xC;
	v10 =	vshll.u32 v10, $0x7  }
0xb3: {  	v14 =	vshll.u32 v14, $0x7;
	v11 =	vand.u32 $0xFFFF8000, v11;
	v10 =	vand.u32 $0x380, v10  }
0xb4: {  	v12 =	vand.u32 $0x380, v12;
	v10 =	vor.u32 v11, v10;
	v11 =	vand.u32 $0xFFFF8000, v15;
	v15 =	vld [tilespmem:$0x360]  }
0xb5: {  	v16 =	vld [tilespmem:$0x370];
	v8 =	vor.u32 v0, v8;
	v9 =	vor.u32 v1, v9;
	v10 =	vor.u32 v2, v10  }
0xb6: {  	v11 =	vor.u32 v11, v12;
	v12 =	vshll.u32 v13, $0xC;
	v13 =	vshll.u32 v13, $0x7  }
0xb7: {  	v11 =	vor.u32 v3, v11;
	v12 =	vand.u32 $0xFFFF8000, v12;
	v13 =	vand.u32 $0x380, v13  }
0xb8: {  	[tilespmem:$0xB00] =	vst v8;
	v8 =	vor.u32 v12, v13;
	v12 =	vand.u32 $0xFFFF8000, v17;
	v13 =	vand.u32 $0x380, v14  }
0xb9: {  	[tilespmem:$0xB10] =	vst v9;
	v8 =	vor.u32 v4, v8;
	v9 =	vor.u32 v12, v13;
	v12 =	vshll.u32 v15, $0xC  }
0xba: {  	[tilespmem:$0xB20] =	vst v10;
	v13 =	vshll.u32 v16, $0x7;
	v10 =	vand.u32 $0xFFFF8000, v12;
	v12 =	vshll.u32 v15, $0x7  }
0xbb: {  	[tilespmem:$0xB30] =	vst v11;
	v9 =	vor.u32 v5, v9;
	v11 =	vand.u32 $0x380, v12;
	v12 =	vshll.u32 v16, $0xC  }
0xbc: {  	[tilespmem:$0xB40] =	vst v8;
	v8 =	vor.u32 v10, v11;
	v10 =	vand.u32 $0xFFFF8000, v12;
	v11 =	vand.u32 $0x380, v13  }
0xbd: {  	[tilespmem:$0xB50] =	vst v9;
	v8 =	vor.u32 v6, v8;
	v9 =	vor.u32 v10, v11  }
0xbe: {  	[tilespmem:$0xB60] =	vst v8;
	v8 =	vor.u32 v7, v9  }
0xbf: {  	[tilespmem:$0xB70] =	vst v8  }
0xc0: {  	[tilespmem:s24], [sflag:$0x1] =	stream.indirect.gather [hbm4b:s1+s10], $0x1, s23, s10, $0xb8;
	[tilespmem:$0x1880] =	vst v63  }
0xc1: {  	v8 =	vld [tilespmem:$0x380]  }
0xc2: {  	v9 =	vld [tilespmem:$0x390]  }
0xc3: {  	v12 =	vld [tilespmem:$0x3B0]  }
0xc4: {  	v14 =	vld [tilespmem:$0x3D0];
	_ =	sdelay $0x1  }
0xc5: {  	v10 =	vld [tilespmem:$0x3A0]  }
0xc6: {  	v11 =	vshll.u32 v8, $0xC;
	v8 =	vshll.u32 v8, $0x7;
	v13 =	vshll.u32 v9, $0xC  }
0xc7: {  	v9 =	vshll.u32 v9, $0x7;
	v15 =	vshll.u32 v12, $0xC;
	v12 =	vshll.u32 v12, $0x7  }
0xc8: {  	v17 =	vshll.u32 v14, $0xC;
	v11 =	vand.u32 $0xFFFF8000, v11;
	v8 =	vand.u32 $0x380, v8  }
0xc9: {  	v9 =	vand.u32 $0x380, v9;
	v8 =	vor.u32 v11, v8;
	v11 =	vand.u32 $0xFFFF8000, v13;
	v13 =	vld [tilespmem:$0x3C0]  }
0xca: {  	v9 =	vor.u32 v11, v9;
	v11 =	vshll.u32 v10, $0xC;
	v10 =	vshll.u32 v10, $0x7  }
0xcb: {  	v14 =	vshll.u32 v14, $0x7;
	v11 =	vand.u32 $0xFFFF8000, v11;
	v10 =	vand.u32 $0x380, v10  }
0xcc: {  	v12 =	vand.u32 $0x380, v12;
	v10 =	vor.u32 v11, v10;
	v11 =	vand.u32 $0xFFFF8000, v15;
	v15 =	vld [tilespmem:$0x3E0]  }
0xcd: {  	v16 =	vld [tilespmem:$0x3F0];
	v8 =	vor.u32 v0, v8;
	v9 =	vor.u32 v1, v9;
	v10 =	vor.u32 v2, v10  }
0xce: {  	v11 =	vor.u32 v11, v12;
	v12 =	vshll.u32 v13, $0xC;
	v13 =	vshll.u32 v13, $0x7  }
0xcf: {  	v11 =	vor.u32 v3, v11;
	v12 =	vand.u32 $0xFFFF8000, v12;
	v13 =	vand.u32 $0x380, v13  }
0xd0: {  	[tilespmem:$0xB80] =	vst v8;
	v8 =	vor.u32 v12, v13;
	v12 =	vand.u32 $0xFFFF8000, v17;
	v13 =	vand.u32 $0x380, v14  }
0xd1: {  	[tilespmem:$0xB90] =	vst v9;
	v8 =	vor.u32 v4, v8;
	v9 =	vor.u32 v12, v13;
	v12 =	vshll.u32 v15, $0xC  }
0xd2: {  	[tilespmem:$0xBA0] =	vst v10;
	v13 =	vshll.u32 v16, $0x7;
	v10 =	vand.u32 $0xFFFF8000, v12;
	v12 =	vshll.u32 v15, $0x7  }
0xd3: {  	[tilespmem:$0xBB0] =	vst v11;
	v9 =	vor.u32 v5, v9;
	v11 =	vand.u32 $0x380, v12;
	v12 =	vshll.u32 v16, $0xC  }
0xd4: {  	[tilespmem:$0xBC0] =	vst v8;
	v8 =	vor.u32 v10, v11;
	v10 =	vand.u32 $0xFFFF8000, v12;
	v11 =	vand.u32 $0x380, v13  }
0xd5: {  	[tilespmem:$0xBD0] =	vst v9;
	v8 =	vor.u32 v6, v8;
	v9 =	vor.u32 v10, v11  }
0xd6: {  	[tilespmem:$0xBE0] =	vst v8;
	v8 =	vor.u32 v7, v9  }
0xd7: {  	[tilespmem:$0xBF0] =	vst v8  }
0xd8: {  	[tilespmem:s26], [sflag:$0x1] =	stream.indirect.gather [hbm4b:s1+s10], $0x1, s25, s10, $0xb8;
	[tilespmem:$0x1880] =	vst v63  }
0xd9: {  	v8 =	vld [tilespmem:$0x400]  }
0xda: {  	v9 =	vld [tilespmem:$0x410]  }
0xdb: {  	v12 =	vld [tilespmem:$0x430]  }
0xdc: {  	v14 =	vld [tilespmem:$0x450];
	_ =	sdelay $0x1  }
0xdd: {  	v10 =	vld [tilespmem:$0x420]  }
0xde: {  	v11 =	vshll.u32 v8, $0xC;
	v8 =	vshll.u32 v8, $0x7;
	v13 =	vshll.u32 v9, $0xC  }
0xdf: {  	v9 =	vshll.u32 v9, $0x7;
	v15 =	vshll.u32 v12, $0xC;
	v12 =	vshll.u32 v12, $0x7  }
0xe0: {  	v17 =	vshll.u32 v14, $0xC;
	v11 =	vand.u32 $0xFFFF8000, v11;
	v8 =	vand.u32 $0x380, v8  }
0xe1: {  	v9 =	vand.u32 $0x380, v9;
	v8 =	vor.u32 v11, v8;
	v11 =	vand.u32 $0xFFFF8000, v13;
	v13 =	vld [tilespmem:$0x440]  }
0xe2: {  	v9 =	vor.u32 v11, v9;
	v11 =	vshll.u32 v10, $0xC;
	v10 =	vshll.u32 v10, $0x7  }
0xe3: {  	v14 =	vshll.u32 v14, $0x7;
	v11 =	vand.u32 $0xFFFF8000, v11;
	v10 =	vand.u32 $0x380, v10  }
0xe4: {  	v12 =	vand.u32 $0x380, v12;
	v10 =	vor.u32 v11, v10;
	v11 =	vand.u32 $0xFFFF8000, v15;
	v15 =	vld [tilespmem:$0x460]  }
0xe5: {  	v16 =	vld [tilespmem:$0x470];
	v8 =	vor.u32 v0, v8;
	v9 =	vor.u32 v1, v9;
	v10 =	vor.u32 v2, v10  }
0xe6: {  	v11 =	vor.u32 v11, v12;
	v12 =	vshll.u32 v13, $0xC;
	v13 =	vshll.u32 v13, $0x7  }
0xe7: {  	v11 =	vor.u32 v3, v11;
	v12 =	vand.u32 $0xFFFF8000, v12;
	v13 =	vand.u32 $0x380, v13  }
0xe8: {  	[tilespmem:$0xC00] =	vst v8;
	v8 =	vor.u32 v12, v13;
	v12 =	vand.u32 $0xFFFF8000, v17;
	v13 =	vand.u32 $0x380, v14  }
0xe9: {  	[tilespmem:$0xC10] =	vst v9;
	v8 =	vor.u32 v4, v8;
	v9 =	vor.u32 v12, v13;
	v12 =	vshll.u32 v15, $0xC  }
0xea: {  	[tilespmem:$0xC20] =	vst v10;
	v13 =	vshll.u32 v16, $0x7;
	v10 =	vand.u32 $0xFFFF8000, v12;
	v12 =	vshll.u32 v15, $0x7  }
0xeb: {  	[tilespmem:$0xC30] =	vst v11;
	v9 =	vor.u32 v5, v9;
	v11 =	vand.u32 $0x380, v12;
	v12 =	vshll.u32 v16, $0xC  }
0xec: {  	[tilespmem:$0xC40] =	vst v8;
	v8 =	vor.u32 v10, v11;
	v10 =	vand.u32 $0xFFFF8000, v12;
	v11 =	vand.u32 $0x380, v13  }
0xed: {  	[tilespmem:$0xC50] =	vst v9;
	v8 =	vor.u32 v6, v8;
	v9 =	vor.u32 v10, v11  }
0xee: {  	[tilespmem:$0xC60] =	vst v8;
	v8 =	vor.u32 v7, v9  }
0xef: {  	[tilespmem:$0xC70] =	vst v8  }
0xf0: {  	[tilespmem:s29], [sflag:$0x1] =	stream.indirect.gather [hbm4b:s1+s10], $0x1, s28, s10, $0xb8;
	[tilespmem:$0x1880] =	vst v63  }
0xf1: {  	v8 =	vld [tilespmem:$0x480]  }
0xf2: {  	v9 =	vld [tilespmem:$0x490]  }
0xf3: {  	v12 =	vld [tilespmem:$0x4B0]  }
0xf4: {  	v14 =	vld [tilespmem:$0x4D0];
	_ =	sdelay $0x1  }
0xf5: {  	v10 =	vld [tilespmem:$0x4A0]  }
0xf6: {  	v11 =	vshll.u32 v8, $0xC;
	v8 =	vshll.u32 v8, $0x7;
	v13 =	vshll.u32 v9, $0xC  }
0xf7: {  	v9 =	vshll.u32 v9, $0x7;
	v15 =	vshll.u32 v12, $0xC;
	v12 =	vshll.u32 v12, $0x7  }
0xf8: {  	v17 =	vshll.u32 v14, $0xC;
	v11 =	vand.u32 $0xFFFF8000, v11;
	v8 =	vand.u32 $0x380, v8  }
0xf9: {  	v9 =	vand.u32 $0x380, v9;
	v8 =	vor.u32 v11, v8;
	v11 =	vand.u32 $0xFFFF8000, v13;
	v13 =	vld [tilespmem:$0x4C0]  }
0xfa: {  	v9 =	vor.u32 v11, v9;
	v11 =	vshll.u32 v10, $0xC;
	v10 =	vshll.u32 v10, $0x7  }
0xfb: {  	v14 =	vshll.u32 v14, $0x7;
	v11 =	vand.u32 $0xFFFF8000, v11;
	v10 =	vand.u32 $0x380, v10  }
0xfc: {  	v12 =	vand.u32 $0x380, v12;
	v10 =	vor.u32 v11, v10;
	v11 =	vand.u32 $0xFFFF8000, v15;
	v15 =	vld [tilespmem:$0x4E0]  }
0xfd: {  	v16 =	vld [tilespmem:$0x4F0];
	v8 =	vor.u32 v0, v8;
	v9 =	vor.u32 v1, v9;
	v10 =	vor.u32 v2, v10  }
0xfe: {  	v11 =	vor.u32 v11, v12;
	v12 =	vshll.u32 v13, $0xC;
	v13 =	vshll.u32 v13, $0x7  }
0xff: {  	v11 =	vor.u32 v3, v11;
	v12 =	vand.u32 $0xFFFF8000, v12;
	v13 =	vand.u32 $0x380, v13  }
0x100: {  	[tilespmem:$0xC80] =	vst v8;
	v8 =	vor.u32 v12, v13;
	v12 =	vand.u32 $0xFFFF8000, v17;
	v13 =	vand.u32 $0x380, v14  }
0x101: {  	[tilespmem:$0xC90] =	vst v9;
	v8 =	vor.u32 v4, v8;
	v9 =	vor.u32 v12, v13;
	v12 =	vshll.u32 v15, $0xC  }
0x102: {  	[tilespmem:$0xCA0] =	vst v10;
	v13 =	vshll.u32 v16, $0x7;
	v10 =	vand.u32 $0xFFFF8000, v12;
	v12 =	vshll.u32 v15, $0x7  }
0x103: {  	[tilespmem:$0xCB0] =	vst v11;
	v9 =	vor.u32 v5, v9;
	v11 =	vand.u32 $0x380, v12;
	v12 =	vshll.u32 v16, $0xC  }
0x104: {  	[tilespmem:$0xCC0] =	vst v8;
	v8 =	vor.u32 v10, v11;
	v10 =	vand.u32 $0xFFFF8000, v12;
	v11 =	vand.u32 $0x380, v13  }
0x105: {  	[tilespmem:$0xCD0] =	vst v9;
	v8 =	vor.u32 v6, v8;
	v9 =	vor.u32 v10, v11  }
0x106: {  	[tilespmem:$0xCE0] =	vst v8;
	v8 =	vor.u32 v7, v9  }
0x107: {  	[tilespmem:$0xCF0] =	vst v8  }
0x108: {  	[tilespmem:s31], [sflag:$0x1] =	stream.indirect.gather [hbm4b:s1+s10], $0x1, s30, s10, $0xb8;
	[tilespmem:$0x1880] =	vst v63  }
0x109: {  	_ =	swait.ge [sflag:s2], $0x80  }
0x10a: {  	[sflag:s2] =	ssyncset.done $0x0  }
0x10b: {  	[sflag:s2] =	ssyncadd.s32 $0xFFFFFF80  }
0x10c: {  	_ =	swait.ge [sflag:s2], $0x80  }
0x10d: {  	[sflag:s2] =	ssyncset.done $0x0  }
0x10e: {  	[sflag:s2] =	ssyncadd.s32 $0xFFFFFF80  }
0x10f: {  	_ =	swait.ge [sflag:s2], $0x80  }
0x110: {  	[sflag:s2] =	ssyncset.done $0x0  }
0x111: {  	[sflag:s2] =	ssyncadd.s32 $0xFFFFFF80  }
0x112: {  	_ =	swait.ge [sflag:s2], $0x80  }
0x113: {  	[sflag:s2] =	ssyncset.done $0x0  }
0x114: {  	[sflag:s2] =	ssyncadd.s32 $0xFFFFFF80  }
0x115: {  	_ =	swait.ge [sflag:s2], $0x80  }
0x116: {  	[sflag:s2] =	ssyncset.done $0x0  }
0x117: {  	[sflag:s2] =	ssyncadd.s32 $0xFFFFFF80  }
0x118: {  	_ =	swait.ge [sflag:s2], $0x80  }
0x119: {  	[sflag:s2] =	ssyncset.done $0x0  }
0x11a: {  	[sflag:s2] =	ssyncadd.s32 $0xFFFFFF80  }
0x11b: {  	_ =	swait.ge [sflag:s2], $0x80  }
0x11c: {  	[sflag:s2] =	ssyncset.done $0x0  }
0x11d: {  	[sflag:s2] =	ssyncadd.s32 $0xFFFFFF80  }
0x11e: {  	_ =	swait.ge [sflag:s2], $0x80  }
0x11f: {  	[sflag:s2] =	ssyncset.done $0x0  }
0x120: {  	[sflag:s2] =	ssyncadd.s32 $0xFFFFFF80  }
0x121: {  	_ =	swait.ge [sflag:s2], $0x80  }
0x122: {  	[sflag:s2] =	ssyncset.done $0x0  }
0x123: {  	[sflag:s2] =	ssyncadd.s32 $0xFFFFFF80  }
0x124: {  	_ =	swait.ge [sflag:s2], $0x80  }
0x125: {  	[sflag:s2] =	ssyncset.done $0x0  }
0x126: {  	s11 =	simm.s32 $0xFFFFFF80;
	[sflag:s2] =	ssyncadd.s32 $0xFFFFFF80  }
0x127: {  	v8 =	vld [tilespmem:s11+$0x500]  }
0x128: {  	v9 =	vld [tilespmem:s11+$0x480]  }
0x129: {  	v11 =	vld [tilespmem:s11+$0x300]  }
0x12a: {  	v16 =	vld [tilespmem:s11+$0x400]  }
0x12b: {  	v10 =	vld [tilespmem:s11+$0x280];
	_ =	sdelay $0x1  }
0x12c: {  	v18 =	vimm.s32 $0x0;
	v13 =	vld [tilespmem:s11+$0x380]  }
0x12d: {  	v19 =	vimm.s32 $0x0;
	v17 =	vimm.s32 $0x0;
	v12 =	vld [tilespmem:s11+$0x200];
	vm0 =	vne.s32 v9, v11  }
0x12e: {  	v20 =	vimm.s32 $0x0;
	vm7 =	vne.s32 v16, v11;
	v17 =	vsel vm0, $0xFFFFFFFF, v17  }
0x12f: {  	vm6 =	vne.s32 v8, v10;
	v18 =	vsel vm7, $0xFFFFFFFF, v18;
	[tilespmem:$0x1FF50] =	vst v17;
	v17 =	vimm.s32 $0x0  }
0x130: {  	vm4 =	vne.s32 v9, v10;
	[tilespmem:$0x1FF70] =	vst v18;
	v18 =	vimm.s32 $0x0;
	v17 =	vsel vm6, $0xFFFFFFFF, v17  }
0x131: {  	v14 =	vimm.f32 $0.0e+00;
	v18 =	vsel vm4, $0xFFFFFFFF, v18;
	vm6 =	vne.s32 v13, v11;
	[tilespmem:$0x1FF60] =	vst v17  }
0x132: {  	v15 =	vld [tilespmem:s11+$0x180];
	vm5 =	vne.s32 v8, v12;
	[tilespmem:$0x1FF80] =	vst v18;
	v18 =	vimm.s32 $0x0;
	v19 =	vsel vm6, $0xFFFFFFFF, v19  }
0x133: {  	vm10 =	vne.s32 v8, v16;
	v18 =	vsel vm5, $0xFFFFFFFF, v18;
	[tilespmem:$0x1FFA0] =	vst v19;
	vm5 =	vne.s32 v13, v10  }
0x134: {  	vm7 =	vne.s32 v16, v10;
	v19 =	vimm.s32 $0x0;
	[tilespmem:$0x1FF90] =	vst v18;
	v20 =	vsel vm5, $0xFFFFFFFF, v20  }
0x135: {  	vm6 =	vne.s32 v16, v12;
	v19 =	vsel vm7, $0xFFFFFFFF, v19;
	[tilespmem:$0x1FFD0] =	vst v20;
	v20 =	vimm.s32 $0x0  }
0x136: {  	vm4 =	vne.s32 v9, v12;
	[tilespmem:$0x1FFB0] =	vst v19;
	v19 =	vimm.s32 $0x0;
	v20 =	vsel vm6, $0xFFFFFFFF, v20  }
0x137: {  	v17 =	vld [tilespmem:s11+$0x80];
	vm7 =	vne.s32 v8, v15;
	v19 =	vsel vm4, $0xFFFFFFFF, v19;
	[tilespmem:$0x1FFE0] =	vst v20;
	v20 =	vimm.s32 $0x0  }
0x138: {  	vm11 =	vne.s32 v9, v16;
	vm12 =	vne.s32 v8, v13;
	v18 =	vld [tilespmem:s11+$0x100];
	[tilespmem:$0x1FFC0] =	vst v19;
	v20 =	vsel vm7, $0xFFFFFFFF, v20  }
0x139: {  	s12 =	simm.s32 $0xFFFFFE40;
	vm13 =	vne.s32 v9, v13;
	vm14 =	vne.s32 v8, v11;
	vm15 =	vne.s32 v16, v13;
	v19 =	vld [tilespmem:s11+$0x1500];
	[tilespmem:$0x1FFF0] =	vst v20  }
.LBB2_2:
0x13a: {  	v20 =	vimm.s32 $0x0  }
0x13b: {  	v20 =	vsel vm11, $0xFFFFFFFF, v20  }
0x13c: {  	[tilespmem:$0x1FF20] =	vst v20;
	v20 =	vimm.s32 $0x0  }
0x13d: {  	v20 =	vsel vm10, $0xFFFFFFFF, v20  }
0x13e: {  	vm0 =	vne.s32 v9, v15;
	[tilespmem:$0x1FF40] =	vst v20;
	v20 =	vimm.s32 $0x0  }
0x13f: {  	v21 =	vimm.s32 $0x0;
	v52 =	vimm.s32 $0x0;
	v20 =	vsel vm15, $0xFFFFFFFF, v20  }
0x140: {  	v53 =	vimm.s32 $0x0;
	vm6 =	vne.s32 v11, v10;
	[tilespmem:$0x1FEF0] =	vst v20;
	v20 =	vimm.s32 $0x0  }
0x141: {  	v22 =	vimm.s32 $0x0;
	vm7 =	vne.s32 v13, v12;
	v20 =	vsel vm13, $0xFFFFFFFF, v20  }
0x142: {  	v55 =	vimm.s32 $0x0;
	v56 =	vimm.s32 $0x0;
	[tilespmem:$0x1FF00] =	vst v20;
	v20 =	vimm.s32 $0x0  }
0x143: {  	v23 =	vimm.s32 $0x0;
	v58 =	vimm.s32 $0x0;
	v20 =	vsel vm14, $0xFFFFFFFF, v20  }
0x144: {  	v24 =	vimm.s32 $0x0;
	v22 =	vsel vm6, $0xFFFFFFFF, v22;
	[tilespmem:$0x1FF10] =	vst v20;
	v20 =	vimm.s32 $0x0  }
0x145: {  	v60 =	vimm.s32 $0x0;
	v61 =	vimm.s32 $0x0;
	[tilespmem:$0x1FED0] =	vst v22;
	v20 =	vsel vm12, $0xFFFFFFFF, v20  }
0x146: {  	v25 =	vimm.s32 $0x0;
	v22 =	vsel vm7, $0xFFFFFFFF, v55;
	vm7 =	vne.s32 v13, v15;
	[tilespmem:$0x1FF30] =	vst v20;
	v20 =	vld [tilespmem:s11+$0x1080]  }
0x147: {  	vm1 =	vne.s32 v12, v15;
	v21 =	vsel vm0, $0xFFFFFFFF, v21;
	v24 =	vsel vm7, $0xFFFFFFFF, v24  }
0x148: {  	vm4 =	vne.s32 v8, v17;
	vm5 =	vne.s32 v8, v18;
	vm6 =	vne.s32 v9, v17  }
0x149: {  	[tilespmem:$0x1FE50] =	vst v21;
	vm3 =	vne.s32 v16, v17;
	vm0 =	vne.s32 v11, v17;
	vm9 =	vne.s32 v15, v17  }
0x14a: {  	v54 =	vld [tilespmem:s11+$0x1100];
	[tilespmem:$0x1FEE0] =	vst v22;
	vm11 =	veq.s32 v18, v17;
	v21 =	vsel vm4, $0xFFFFFFFF, v52;
	vm4 =	vne.s32 v16, v15  }
0x14b: {  	v59 =	vld [tilespmem:s11+$0x1180];
	[tilespmem:$0x1FE20] =	vst v21;
	v21 =	vsel vm5, $0xFFFFFFFF, v53;
	v22 =	vsel vm4, $0xFFFFFFFF, v56;
	v20 =	vmul.f32 $1.442695020e+00, v20  }
0x14c: {  	vm5 =	vne.s32 v11, v12;
	vm4 =	vne.s32 v10, v12;
	vm14 =	vne.s32 v16, v18;
	v16 =	vld [tilespmem:s11+$0x1400]  }
0x14d: {  	v63 =	vld [tilespmem:s11+$0x1280];
	[tilespmem:$0x1FE70] =	vst v24;
	v23 =	vsel vm5, $0xFFFFFFFF, v23;
	v24 =	vsel vm4, $0xFFFFFFFF, v60;
	(erf) = vpow2.f32 v20  }
0x14e: {  	v62 =	vld [tilespmem:s11+$0x1200];
	vm5 =	vne.s32 v11, v15;
	vm13 =	vne.s32 v13, v17;
	vm4 =	vne.s32 v11, v18;
	[tilespmem:$0x1FEC0] =	vst v23  }
0x14f: {  	v11 =	vld [tilespmem:s11+$0x1300];
	v23 =	vsel vm6, $0xFFFFFFFF, v58;
	[tilespmem:$0x1FEB0] =	vst v24;
	v24 =	vsel vm5, $0xFFFFFFFF, v61;
	vm6 =	vne.s32 v10, v15  }
0x150: {  	vm5 =	vne.s32 v10, v17;
	v25 =	vsel vm6, $0xFFFFFFFF, v25;
	vm6 =	vne.s32 v12, v17;
	v17 =	vld [tilespmem:$0x1FE20]  }
0x151: {  	vm10 =	vne.s32 v15, v18;
	[tilespmem:$0x1FE30] =	vst v21;
	v21 =	vmul.f32 $1.442695020e+00, v54;
	v15 =	vmul.f32 $1.442695020e+00, v16  }
0x152: {  	v26 =	vimm.s32 $0x0;
	v16 =	vmul.f32 $1.442695020e+00, v63;
	v20 =	vmul.f32 $1.442695020e+00, v59  }
0x153: {  	vm8 =	vne.s32 v12, v18;
	v12 =	vmul.f32 $1.442695020e+00, v62;
	(erf) = vpow2.f32 v21  }
0x154: {  	v26 =	vsel vm1, $0xFFFFFFFF, v26;
	(erf) = vpow2.f32 v20  }
0x155: {  	v11 =	vmul.f32 $1.442695020e+00, v11;
	vm1 =	vnez.u8 v17;
	v17 =	vld [tilespmem:$0x1FE30];
	(erf) = vpow2.f32 v12  }
0x156: {  	(erf) = vpow2.f32 v16;
	v16 =	vpop (erf)  }
0x157: {  	(erf) = vpow2.f32 v11;
	v11 =	vadd.f32 v16, v14;
	v14 =	vld [tilespmem:$0x1FE50];
	_ =	sdelay $0x1  }
0x158: {  	vm15 =	vne.s32 v13, v18;
	v13 =	vmul.f32 $1.442695020e+00, v19;
	v19 =	vld [tilespmem:s11+$0x1380];
	[tilespmem:$0x1FE40] =	vst v23  }
0x159: {  	vm12 =	vnez.u8 v17;
	v17 =	vld [tilespmem:$0x1FE40];
	_ =	sdelay $0x1  }
0x15a: {  	vm6 =	vmand vm6, vm8;
	vm8 =	vnez.u8 v14;
	v14 =	vld [tilespmem:$0x1FFF0];
	_ =	sdelay $0x1  }
0x15b: {  	vm2 =	vne.s32 v9, v18  }
0x15c: {  	[tilespmem:$0x1FE60] =	vst v22;
	vm1 =	vmand vm1, vm12;
	v12 =	vmul.f32 $1.442695020e+00, v19;
	vm12 =	vnez.u8 v17  }
0x15d: {  	vm2 =	vmand vm12, vm2;
	v16 =	vld [tilespmem:$0x1FE60]  }
0x15e: {  	vm2 =	vmand vm8, vm2;
	vm8 =	vnez.u8 v14;
	v14 =	vpop (erf);
	(erf) = vpow2.f32 v12;
	v12 =	vld [tilespmem:$0x1FE70];
	_ =	sdelay $0x1  }
0x15f: {  	vm7 =	vne.s32 v10, v18  }
0x160: {  	vm5 =	vmand vm5, vm7;
	vm7 =	vmand vm9, vm10;
	vm3 =	vmand vm3, vm14  }
0x161: {  	vm1 =	vmand vm8, vm1;
	v14 =	vsel vm11, $0x0, v14;
	vm8 =	vnez.u8 v16  }
0x162: {  	[tilespmem:$0x1FE80] =	vst v24;
	vm3 =	vmand vm8, vm3;
	v11 =	vadd.f32 v14, v11;
	vm8 =	vnez.u8 v12;
	v12 =	vpop (erf)  }
0x163: {  	[tilespmem:$0x1FE90] =	vst v26;
	(erf) = vpow2.f32 v13;
	v13 =	vld [tilespmem:$0x1FE80];
	v12 =	vnsel vm7, $0x0, v12  }
0x164: {  	v11 =	vadd.f32 v12, v11;
	v12 =	vld [tilespmem:$0x1FE90];
	_ =	sdelay $0x3  }
0x165: {  	v57 =	vld [tilespmem:s11+$0x1480];
	vm0 =	vmand vm0, vm4;
	[tilespmem:$0x1FEA0] =	vst v25;
	vm7 =	vnez.u8 v13  }
0x166: {  	vm0 =	vmand vm7, vm0;
	vm7 =	vnez.u8 v12;
	v12 =	vld [tilespmem:$0x1FEA0];
	_ =	sdelay $0x4  }
0x167: {  	v10 =	vmul.f32 $1.442695020e+00, v57;
	vm6 =	vmand vm7, vm6;
	vm7 =	vnez.u8 v12;
	v12 =	vpop (erf)  }
0x168: {  	(erf) = vpow2.f32 v15;
	v13 =	vld [tilespmem:$0x1FF90];
	v12 =	vnsel vm6, $0x0, v12  }
0x169: {  	(erf) = vpow2.f32 v10;
	v10 =	vadd.f32 v12, v11;
	v11 =	vld [tilespmem:$0x1FEB0];
	_ =	sdelay $0x3  }
0x16a: {  	vm6 =	vnez.u8 v13  }
0x16b: {  	vm1 =	vmand vm6, vm1;
	vm6 =	vnez.u8 v11;
	v11 =	vld [tilespmem:$0x1FFC0]  }
0x16c: {  	v12 =	vld [tilespmem:$0x1FEC0];
	_ =	sdelay $0x2  }
0x16d: {  	vm5 =	vmand vm7, vm5  }
0x16e: {  	vm5 =	vmand vm6, vm5;
	vm6 =	vnez.u8 v11;
	v11 =	vpop (erf)  }
0x16f: {  	v11 =	vnsel vm5, $0x0, v11;
	vm5 =	vnez.u8 v12;
	v12 =	vld [tilespmem:$0x1FFE0]  }
0x170: {  	v10 =	vadd.f32 v11, v10;
	v11 =	vld [tilespmem:$0x1FED0];
	_ =	sdelay $0x3  }
0x171: {  	vm0 =	vmand vm5, vm0;
	vm5 =	vnez.u8 v12;
	v12 =	vld [tilespmem:$0x1FFD0]  }
0x172: {  	vm3 =	vmand vm5, vm3;
	vm5 =	vnez.u8 v11;
	v11 =	vld [tilespmem:$0x1FEE0];
	_ =	sdelay $0x3  }
0x173: {  	vm7 =	vnez.u8 v12;
	v12 =	vld [tilespmem:$0x1FF60]  }
0x174: {  	vm0 =	vmand vm5, vm0;
	vm5 =	vnez.u8 v11;
	v11 =	vpop (erf)  }
0x175: {  	vm4 =	vmand vm13, vm15;
	v11 =	vnsel vm0, $0x0, v11  }
0x176: {  	vm4 =	vmand vm8, vm4;
	v10 =	vadd.f32 v11, v10;
	v11 =	vld [tilespmem:$0x1FFA0]  }
0x177: {  	vm4 =	vmand vm5, vm4  }
0x178: {  	vm0 =	vmand vm7, vm4;
	vm4 =	vnez.u8 v12;
	v12 =	vld [tilespmem:$0x1FF70];
	_ =	sdelay $0x2  }
0x179: {  	vm1 =	vmand vm4, vm1;
	vm4 =	vnez.u8 v11;
	v11 =	vld [tilespmem:$0x1FFB0];
	_ =	sdelay $0x1  }
0x17a: {  	vm5 =	vnez.u8 v12;
	v12 =	vld [tilespmem:$0x1FF80];
	_ =	sdelay $0x2  }
0x17b: {  	vm0 =	vmand vm4, vm0;
	vm4 =	vnez.u8 v11;
	v11 =	vpop (erf)  }
0x17c: {  	v11 =	vnsel vm0, $0x0, v11  }
0x17d: {  	vm2 =	vmand vm6, vm2;
	vm6 =	vnez.u8 v12;
	v12 =	vadd.f32 v11, v10;
	v10 =	vld [tilespmem:$0x1FEF0];
	_ =	sdelay $0x4  }
0x17e: {  	vm7 =	vnez.u8 v10;
	v10 =	vld [tilespmem:$0x1FF50];
	_ =	sdelay $0x2  }
0x17f: {  	vm3 =	vmand vm4, vm3  }
0x180: {  	v18 =	vpop (erf);
	vm0 =	vmand vm5, vm3  }
0x181: {  	vm2 =	vmand vm6, vm2;
	vm0 =	vmand vm7, vm0;
	vm6 =	vnez.u8 v10;
	v10 =	vpop (erf)  }
0x182: {  	v17 =	vnsel vm0, $0x0, v10;
	v10 =	vld [tilespmem:$0x1FF00]  }
0x183: {  	v17 =	vadd.f32 v17, v12;
	v12 =	vld [tilespmem:$0x1FF20];
	_ =	sdelay $0x3  }
0x184: {  	vm7 =	vnez.u8 v10;
	v10 =	vld [tilespmem:$0x1FF10]  }
0x185: {  	vm5 =	vnez.u8 v12;
	v12 =	vld [tilespmem:$0x1FF30]  }
0x186: {  	v20 =	vld [tilespmem:$0x1FF40]  }
0x187: {  	s11 =	sshra.s32 s12, $0x2  }
0x188: {  	v14 =	vld [tilespmem:s11+$0x500]  }
0x189: {  	v15 =	vld [tilespmem:s11+$0x480];
	vm2 =	vmand vm6, vm2;
	vm4 =	vnez.u8 v10  }
0x18a: {  	v11 =	vld [tilespmem:s11+$0x300];
	vm0 =	vmand vm7, vm2;
	vm1 =	vmand vm4, vm1;
	vm6 =	vnez.u8 v12  }
0x18b: {  	v19 =	vpop (erf);
	vm7 =	vnez.u8 v20;
	vm0 =	vmand vm5, vm0;
	vm1 =	vmand vm6, vm1  }
0x18c: {  	v19 =	vnsel vm0, $0x0, v19;
	v10 =	vld [tilespmem:s11+$0x280];
	vm4 =	vne.s32 v8, v9;
	vm0 =	vmand vm7, vm1  }
0x18d: {  	v8 =	vmov v14;
	v14 =	vadd.f32 v19, v17;
	vm0 =	vmand vm4, vm0  }
0x18e: {  	v16 =	vld [tilespmem:s11+$0x400];
	v9 =	vmov v15;
	v19 =	vnsel vm0, $0x0, v18  }
0x18f: {  	vm5 =	vne.s32 v9, v11;
	v14 =	vadd.f32 v19, v14;
	v19 =	vimm.s32 $0x0  }
0x190: {  	v19 =	vsel vm5, $0xFFFFFFFF, v19  }
0x191: {  	v13 =	vld [tilespmem:s11+$0x380];
	vm6 =	vne.s32 v8, v10;
	[tilespmem:$0x1FF50] =	vst v19;
	v19 =	vimm.s32 $0x0  }
0x192: {  	v12 =	vld [tilespmem:s11+$0x200];
	v19 =	vsel vm6, $0xFFFFFFFF, v19  }
0x193: {  	vm7 =	vne.s32 v16, v11;
	[tilespmem:$0x1FF60] =	vst v19;
	v19 =	vimm.s32 $0x0  }
0x194: {  	v19 =	vsel vm7, $0xFFFFFFFF, v19  }
0x195: {  	vm4 =	vne.s32 v9, v10;
	[tilespmem:$0x1FF70] =	vst v19;
	v19 =	vimm.s32 $0x0  }
0x196: {  	v19 =	vsel vm4, $0xFFFFFFFF, v19  }
0x197: {  	vm15 =	vne.s32 v16, v13;
	v15 =	vld [tilespmem:s11+$0x180];
	vm5 =	vne.s32 v8, v12;
	[tilespmem:$0x1FF80] =	vst v19;
	v19 =	vimm.s32 $0x0  }
0x198: {  	v20 =	vimm.s32 $0x0;
	v19 =	vsel vm5, $0xFFFFFFFF, v19;
	vm5 =	vne.s32 v13, v10  }
0x199: {  	vm6 =	vne.s32 v13, v11;
	[tilespmem:$0x1FF90] =	vst v19;
	v19 =	vimm.s32 $0x0;
	v20 =	vsel vm5, $0xFFFFFFFF, v20  }
0x19a: {  	p0 =	sne.s32 s12, $0xFFFFFFC0;
	v19 =	vsel vm6, $0xFFFFFFFF, v19;
	[tilespmem:$0x1FFD0] =	vst v20;
	vm6 =	vne.s32 v16, v12;
	v20 =	vimm.s32 $0x0  }
.Ltmp0:
0x19b: {  	vm7 =	vne.s32 v16, v10;
	[tilespmem:$0x1FFA0] =	vst v19;
	v19 =	vimm.s32 $0x0;
	v20 =	vsel vm6, $0xFFFFFFFF, v20;
	(pc) =	sbr.rel @p0 .LBB2_2-.Ltmp0, $4  }
0x19c: {  	v19 =	vsel vm7, $0xFFFFFFFF, v19;
	[tilespmem:$0x1FFE0] =	vst v20;
	vm7 =	vne.s32 v8, v15;
	v20 =	vimm.s32 $0x0  }
0x19d: {  	v17 =	vld [tilespmem:s11+$0x80];
	vm4 =	vne.s32 v9, v12;
	[tilespmem:$0x1FFB0] =	vst v19;
	v19 =	vimm.s32 $0x0;
	v20 =	vsel vm7, $0xFFFFFFFF, v20  }
0x19e: {  	vm10 =	vne.s32 v8, v16;
	vm11 =	vne.s32 v9, v16;
	v18 =	vld [tilespmem:s11+$0x100];
	v19 =	vsel vm4, $0xFFFFFFFF, v19;
	[tilespmem:$0x1FFF0] =	vst v20  }
0x19f: {  	s12 =	sadd.s32 $0x40, s12;
	vm12 =	vne.s32 v8, v13;
	vm13 =	vne.s32 v9, v13;
	vm14 =	vne.s32 v8, v11;
	[tilespmem:$0x1FFC0] =	vst v19;
	v19 =	vld [tilespmem:s11+$0x1500]  }
0x1a0: {  	v20 =	vld [tilespmem:s11+$0x1080]  }
0x1a1: {  	v21 =	vld [tilespmem:s11+$0x1100];
	_ =	sdelay $0x1  }
0x1a2: {  	v22 =	vld [tilespmem:s11+$0x1180];
	vm0 =	vne.s32 v8, v17;
	vm6 =	vne.s32 v16, v17  }
0x1a3: {  	vm8 =	vne.s32 v9, v17;
	vm4 =	vne.s32 v10, v17;
	vm9 =	vne.s32 v11, v17  }
0x1a4: {  	v23 =	vld [tilespmem:s11+$0x1200];
	vm1 =	vne.s32 v8, v18;
	vm7 =	vne.s32 v16, v18;
	v20 =	vmul.f32 $1.442695020e+00, v20  }
0x1a5: {  	vm2 =	vne.s32 v9, v18;
	vm5 =	vne.s32 v10, v18;
	v21 =	vmul.f32 $1.442695020e+00, v21  }
0x1a6: {  	v33 =	vld [tilespmem:s11+$0x1300];
	vm3 =	vmand vm0, vm1;
	vm0 =	vmand vm6, vm7;
	(erf) = vpow2.f32 v20  }
0x1a7: {  	v35 =	vld [tilespmem:s11+$0x1380];
	vm1 =	vmand vm8, vm2;
	v30 =	vmul.f32 $1.442695020e+00, v22;
	(erf) = vpow2.f32 v21  }
0x1a8: {  	v31 =	vld [tilespmem:s11+$0x1280];
	vm4 =	vmand vm4, vm5;
	vm8 =	vne.s32 v11, v18;
	vm6 =	vne.s32 v13, v18  }
0x1a9: {  	v38 =	vld [tilespmem:s11+$0x1400];
	vm2 =	vne.s32 v12, v17;
	v32 =	vmul.f32 $1.442695020e+00, v23;
	(erf) = vpow2.f32 v30  }
0x1aa: {  	v41 =	vld [tilespmem:s11+$0x1480];
	vm7 =	vne.s32 v12, v18;
	v42 =	vmul.f32 $1.442695020e+00, v19;
	vm5 =	vmand vm9, vm8  }
0x1ab: {  	v36 =	vld [tilespmem:$0x1FFF0];
	vm9 =	vne.s32 v13, v17;
	vm8 =	vne.s32 v15, v17;
	(erf) = vpow2.f32 v32  }
0x1ac: {  	vm7 =	vmand vm2, vm7;
	v39 =	vmul.f32 $1.442695020e+00, v33;
	v23 =	vmul.f32 $1.442695020e+00, v35  }
0x1ad: {  	vm6 =	vmand vm9, vm6;
	vm9 =	vne.s32 v15, v18;
	v20 =	vmul.f32 $1.442695020e+00, v31  }
0x1ae: {  	v43 =	vmul.f32 $1.442695020e+00, v38;
	vm8 =	vmand vm8, vm9;
	vm9 =	vne.s32 v9, v15  }
0x1af: {  	v45 =	vmul.f32 $1.442695020e+00, v41;
	vm2 =	vmand vm9, vm1;
	v34 =	vpop (erf);
	(erf) = vpow2.f32 v20  }
0x1b0: {  	vm1 =	veq.s32 v18, v17;
	vm9 =	vnez.u8 v36;
	v24 =	vpop (erf);
	(erf) = vpow2.f32 v39  }
0x1b1: {  	v14 =	vadd.f32 v34, v14;
	v37 =	vsel vm1, $0x0, v24;
	vm1 =	vne.s32 v16, v15  }
0x1b2: {  	v53 =	vld [tilespmem:$0x1FF60];
	vm9 =	vmand vm9, vm3;
	v40 =	vpop (erf);
	(erf) = vpow2.f32 v23;
	vm0 =	vmand vm1, vm0  }
0x1b3: {  	v46 =	vld [tilespmem:$0x1FF90];
	vm1 =	vne.s32 v13, v15;
	v20 =	vnsel vm8, $0x0, v40;
	v14 =	vadd.f32 v37, v14  }
0x1b4: {  	v47 =	vld [tilespmem:$0x1FFC0];
	v44 =	vpop (erf);
	(erf) = vpow2.f32 v42;
	vm3 =	vmand vm1, vm6;
	vm6 =	vne.s32 v11, v15  }
0x1b5: {  	v49 =	vld [tilespmem:$0x1FFE0];
	vm8 =	vne.s32 v12, v15;
	(erf) = vpow2.f32 v43;
	vm1 =	vmand vm6, vm5  }
0x1b6: {  	v52 =	vld [tilespmem:$0x1FFD0];
	vm5 =	vmand vm8, vm7;
	vm6 =	vne.s32 v10, v15;
	v14 =	vadd.f32 v20, v14  }
0x1b7: {  	v54 =	vld [tilespmem:$0x1FFA0];
	(erf) = vpow2.f32 v45;
	vm8 =	vne.s32 v11, v12;
	vm7 =	vnez.u8 v53  }
0x1b8: {  	vm4 =	vmand vm6, vm4;
	v16 =	vnsel vm5, $0x0, v44;
	vm5 =	vne.s32 v10, v12  }
0x1b9: {  	v55 =	vld [tilespmem:$0x1FFB0];
	vm6 =	vnez.u8 v46;
	vm1 =	vmand vm8, vm1;
	vm8 =	vne.s32 v11, v10  }
0x1ba: {  	v57 =	vld [tilespmem:$0x1FF70];
	vm6 =	vmand vm6, vm9;
	vm4 =	vmand vm5, vm4;
	vm9 =	vnez.u8 v47  }
0x1bb: {  	v58 =	vld [tilespmem:$0x1FF80];
	v14 =	vadd.f32 v16, v14;
	vm1 =	vmand vm8, vm1;
	vm5 =	vnez.u8 v52  }
0x1bc: {  	vm8 =	vnez.u8 v54;
	vm2 =	vmand vm9, vm2;
	vm9 =	vnez.u8 v49;
	v48 =	vpop (erf)  }
0x1bd: {  	v60 =	vld [tilespmem:$0x1FF50];
	vm0 =	vmand vm9, vm0;
	vm9 =	vne.s32 v13, v12;
	v15 =	vnsel vm4, $0x0, v48  }
0x1be: {  	vm3 =	vmand vm9, vm3;
	v51 =	vpop (erf);
	vm9 =	vnez.u8 v55;
	v50 =	vadd.f32 v15, v14  }
0x1bf: {  	v11 =	vnsel vm1, $0x0, v51;
	vm1 =	vmand vm5, vm3;
	vm3 =	vmand vm7, vm6  }
0x1c0: {  	vm0 =	vmand vm9, vm0;
	vm6 =	vnez.u8 v57;
	vm7 =	vnez.u8 v58  }
0x1c1: {  	v56 =	vpop (erf);
	vm1 =	vmand vm8, vm1;
	vm0 =	vmand vm6, vm0;
	v10 =	vadd.f32 v11, v50  }
0x1c2: {  	v59 =	vpop (erf);
	vm8 =	vnez.u8 v60;
	v11 =	vnsel vm1, $0x0, v56;
	vm1 =	vmand vm7, vm2  }
0x1c3: {  	vm0 =	vmand vm15, vm0;
	v61 =	vpop (erf);
	vm1 =	vmand vm8, vm1;
	v10 =	vadd.f32 v11, v10  }
0x1c4: {  	v11 =	vnsel vm0, $0x0, v61;
	vm9 =	vmand vm13, vm1;
	vm13 =	vmand vm14, vm3  }
0x1c5: {  	v62 =	vpop (erf);
	vm0 =	vmand vm11, vm9;
	vm1 =	vmand vm12, vm13;
	v10 =	vadd.f32 v11, v10  }
0x1c6: {  	vm15 =	vne.s32 v8, v9;
	v11 =	vnsel vm0, $0x0, v62;
	vm14 =	vmand vm10, vm1  }
0x1c7: {  	vm0 =	vmand vm15, vm14;
	v8 =	vadd.f32 v11, v10  }
0x1c8: {  	v63 =	vnsel vm0, $0x0, v59  }
0x1c9: {  	s8 =	sadd.s32 $0x1, s8;
	v8 =	vadd.f32 v63, v8  }
0x1ca: {  	p0 =	sne.s32 s8, s7  }
.Ltmp1:
0x1cb: {  	[tilespmem:$0x1800] =	vst v8;
	(pc) =	sbr.rel @p0 .LBB2_1-.Ltmp1, $4  }
0x1cc: {  	[hbm4b:s6+s3] =	stream.linear.scatter [tilespmem:s0], [sflag:$0x2], $0x80, $0x38;
	[tilespmem:$0x1880] =	vst v63  }
0x1cd: {  	_ =	swait.ge [sflag:s9], $0x80  }
0x1ce: {  	[sflag:s9] =	ssyncset.done $0x0  }
0x1cf: {  	[sflag:s9] =	ssyncadd.s32 $0xFFFFFF80  }
0x1d0: {  	_ =	sfence.sel $0x180000  }
0x1d1: {  	[bflag:$0x0] =	sbarrier.arrive $0xFFFF  }
0x1d2: {  	_ =	strace $0x90000047  }
0x1d3: {  	s0 =	stileid.u32;
	[bflag:$0x2] =	sbarrier.arrive $0xFFFF  }
0x1d4: {  	p0 =	sne.s32 s0, $0x0;
	s0 =	rddreg [dreg:$0x3]  }
0x1d5: {  	s0 =	sadd.s32 @!p0 $0x100000, s0  }
0x1d6: {  	[sflag:s0] =	ssyncadd.tile.s32 @!p0 $0x1;
	_ =	shalt  }
.Lfunc_end2:
_tile_overlayer_lowered:
.L_overlay_start_2:
0x1d7: {  	(tag) =	ssettag $0x2  }
0x1d8: {  	s0 =	rddreg [dreg:$0x0];
	s2 =	stileid.u32  }
0x1d9: {  	s1 =	rddreg [dreg:$0x1];
	p0 =	sne.s32 s2, $0x0  }
0x1da: {  	s3 =	rddreg [dreg:$0x2];
	[bflag:$0x3] =	sbarrier.arrive $0xFFFF;
	s2 =	simm.s32 @!p0 $0x1C02  }
0x1db: {  	[timem:s3], [sflag:s2] =	dma.local @!p0 [hbm:s0], s1  }
0x1dc: {  	s0 =	simm.s32 @!p0 $0x2  }
0x1dd: {  	_ =	swait.ge @!p0 [sflag:s0], s1  }
0x1de: {  	s1 =	ssub.s32 @!p0 $0x0, s1;
	[sflag:s0] =	ssyncset.done @!p0 $0x0  }
0x1df: {  	[sflag:s0] =	ssyncadd.s32 @!p0 s1  }
0x1e0: {  	[bflag:$0x3] =	sbarrier.arrive $0xFFFF  }
0x1e1: {  	_ =	shalt  }

</sc_bundles>
